<compile_context>
chip_gen: v7x
topology: tpu7x:2x2x1
jax: 0.10.2.dev20260603
libtpu: 0.0.44.dev20260713+nightly
codegen_flags: <defaults>
</compile_context>

<pallas_src>
import jax
import jax.numpy as jnp
from jax import lax
from jax.experimental import pallas as pl
from jax.experimental.pallas import tpu as pltpu
from jax.experimental.pallas import tpu_sc as plsc

_N_DATA = 1000000
_N_CLASSES = 100
_BATCH = 16384

_NC, _NS = 2, 16
_NW = _NC * _NS
_BPW = _BATCH // _NW
_CHUNK = 128
_NCHUNK = _BPW // _CHUNK
_LAG = 96

_SC_MESH = plsc.VectorSubcoreMesh(core_axis_name="c", subcore_axis_name="s")
_SC_PARAMS = pltpu.CompilerParams(needs_layout_passes=False,
                                  use_tc_tiling_on_sc=True)



def _gather_body(conf_hbm, gidx_hbm, r8_hbm, out_hbm,
                 gidx_v, r8_v, rows_v, sem):
    conf3 = conf_hbm.reshape(_N_DATA // 8, 8, _N_CLASSES)
    wid = lax.axis_index("s") * _NC + lax.axis_index("c")
    base = wid * _BPW
    pltpu.sync_copy(gidx_hbm.at[pl.ds(wid * _NCHUNK, _NCHUNK)], gidx_v)
    pltpu.sync_copy(r8_hbm.at[pl.ds(wid * _NCHUNK, _NCHUNK)], r8_v)
    lanes = lax.iota(jnp.int32, 16)

    def vec_body(q, _):
        gv = gidx_v[q // 8, pl.ds((q % 8) * 16, 16)]
        rv = r8_v[q // 8, pl.ds((q % 8) * 16, 16)]
        for l in range(16):
            p = q * 16 + l
            sel = lanes == l
            g = jnp.max(jnp.where(sel, gv, 0))
            r8 = jnp.max(jnp.where(sel, rv, 0))
            pltpu.async_copy(
                conf3.at[g, r8], rows_v.at[p, pl.ds(0, _N_CLASSES)], sem)
        return 0

    lax.fori_loop(0, _BPW // 16, vec_body, 0)

    def drain_body(p, _):
        pltpu.make_async_copy(
            conf3.at[0, 0], rows_v.at[0, pl.ds(0, _N_CLASSES)], sem).wait()
        return 0
    lax.fori_loop(0, _BPW, drain_body, 0)

    pltpu.sync_copy(rows_v, out_hbm.at[pl.ds(base, _BPW)])


def _sc_gather(confidence, gidx2d, r82d):
    return pl.kernel(
        _gather_body,
        out_type=jax.ShapeDtypeStruct((_BATCH, 128), jnp.float32),
        mesh=_SC_MESH,
        scratch_types=[
            pltpu.VMEM((_NCHUNK, _CHUNK), jnp.int32),
            pltpu.VMEM((_NCHUNK, _CHUNK), jnp.int32),
            pltpu.VMEM((_BPW, 128), jnp.float32),
            pltpu.SemaphoreType.DMA,
        ],
        compiler_params=_SC_PARAMS,
    )(confidence, gidx2d, r82d)



_ROWS_PER_BLOCK = 2048
_N_BLOCKS = _BATCH // _ROWS_PER_BLOCK


def _compute_body(o_ref, t_ref, nt_ref, loss_ref):
    pid = pl.program_id(0)

    x = o_ref[...]
    t = t_ref[:, :_N_CLASSES]
    m = jnp.max(x, axis=1, keepdims=True)
    e = jnp.exp(x - m)
    s = jnp.sum(e, axis=1, keepdims=True)
    p = e / s
    logp = (x - m) - jnp.log(s)
    block_loss = jnp.sum(t * logp)

    r = jnp.where(t > 0, p, jnp.zeros_like(p))
    nt = r / jnp.sum(r, axis=1, keepdims=True)
    nt_ref[...] = nt

    @pl.when(pid == 0)
    def _():
        loss_ref[0, 0] = 0.0

    loss_ref[0, 0] += -block_loss / _BATCH


def _compute_tc(output1, target128):
    nt, loss = pl.pallas_call(
        _compute_body,
        grid=(_N_BLOCKS,),
        in_specs=[
            pl.BlockSpec((_ROWS_PER_BLOCK, _N_CLASSES), lambda i: (i, 0)),
            pl.BlockSpec((_ROWS_PER_BLOCK, 128), lambda i: (i, 0)),
        ],
        out_specs=[
            pl.BlockSpec((_ROWS_PER_BLOCK, _N_CLASSES), lambda i: (i, 0)),
            pl.BlockSpec(memory_space=pltpu.SMEM, block_shape=(1, 1),
                         index_map=lambda i: (0, 0)),
        ],
        out_shape=[
            jax.ShapeDtypeStruct((_BATCH, _N_CLASSES), jnp.float32),
            jax.ShapeDtypeStruct((1, 1), jnp.float32),
        ],
    )(output1, target128)
    return loss[0, 0], nt



_COPY_ROWS = 20000
_COPY_BLOCKS = _N_DATA // _COPY_ROWS


def _copy_body(src_ref, dst_ref):
    dst_ref[...] = src_ref[...]


def _tc_copy(confidence):
    return pl.pallas_call(
        _copy_body,
        grid=(_COPY_BLOCKS,),
        in_specs=[pl.BlockSpec((_COPY_ROWS, _N_CLASSES), lambda i: (i, 0))],
        out_specs=pl.BlockSpec((_COPY_ROWS, _N_CLASSES), lambda i: (i, 0)),
        out_shape=jax.ShapeDtypeStruct((_N_DATA, _N_CLASSES), jnp.float32),
    )(confidence)



_NGRP = _N_DATA // 8
_GPW = _NGRP // _NW
_RPW = _GPW * 8
_XTRA_ROW0 = _RPW * _NW
_WSZ = _RPW + (_N_DATA - _XTRA_ROW0) + 16
_NVEC = _BATCH // 16


def _plan_body(idx_hbm, loc_hbm, pos_hbm, cnt_hbm,
               idx_v, w_v, loc_v, pos_v, cnt_v):
    wid = lax.axis_index("s") * _NC + lax.axis_index("c")
    r_lo = wid * _RPW
    lanes = lax.iota(jnp.int32, 16)

    pltpu.sync_copy(idx_hbm, idx_v)

    xtra_thr = jnp.where(wid == 0, _XTRA_ROW0, _N_DATA)

    def owned_loc(iv):
        m_main = (iv >= r_lo) & (iv < r_lo + _RPW)
        m_x = iv >= xtra_thr
        m = m_main | m_x
        loc = jnp.where(m_main, iv - r_lo,
                        jnp.where(m_x, iv - _XTRA_ROW0 + _RPW, 0))
        return m, loc

    def scan_body(q, _):
        iv = idx_v[q // 8, pl.ds((q % 8) * 16, 16)]
        m, loc = owned_loc(iv)
        pos = q * 16 + lanes
        for l in range(16):
            plsc.store_scatter(w_v, [loc], pos, mask=m & (lanes == l))
        return 0
    lax.fori_loop(0, _NVEC, scan_body, 0)

    def live_body(q, off):
        iv = idx_v[q // 8, pl.ds((q % 8) * 16, 16)]
        m, loc = owned_loc(iv)
        pos = q * 16 + lanes
        got = plsc.load_gather(w_v, [loc], mask=m)
        live = m & (got == pos)
        cum = plsc.cumsum(live.astype(jnp.int32))
        tgt = off + cum - 1
        tr = lax.shift_right_logical(tgt, 7)
        tc = tgt & (_CHUNK - 1)
        plsc.store_scatter(loc_v, [tr, tc], loc, mask=live)
        plsc.store_scatter(pos_v, [tr, tc], pos, mask=live)
        return off + jnp.sum(live.astype(jnp.int32))
    n_live = lax.fori_loop(0, _NVEC, live_body, 0)

    cnt_v[pl.ds(0, 16)] = jnp.where(lanes == 0, n_live, 0)
    pltpu.sync_copy(loc_v, loc_hbm.at[wid])
    pltpu.sync_copy(pos_v, pos_hbm.at[wid])
    pltpu.sync_copy(cnt_v, cnt_hbm.at[wid])


def _sc_plan(idx2d):
    return pl.kernel(
        _plan_body,
        out_type=[
            jax.ShapeDtypeStruct((_NW, _BATCH // _CHUNK, _CHUNK),
                                 jnp.int32),
            jax.ShapeDtypeStruct((_NW, _BATCH // _CHUNK, _CHUNK),
                                 jnp.int32),
            jax.ShapeDtypeStruct((_NW, 16), jnp.int32),
        ],
        mesh=_SC_MESH,
        scratch_types=[
            pltpu.VMEM((_BATCH // _CHUNK, _CHUNK), jnp.int32),
            pltpu.VMEM((_WSZ,), jnp.int32),
            pltpu.VMEM((_BATCH // _CHUNK, _CHUNK), jnp.int32),
            pltpu.VMEM((_BATCH // _CHUNK, _CHUNK), jnp.int32),
            pltpu.VMEM((16,), jnp.int32),
        ],
        compiler_params=_SC_PARAMS,
    )(idx2d)


def _write_rows(table_ref, nt_ref, loc_ref, pos_ref, cnt_ref,
                loc_v, pos_v, cnt_v, rsem):
    tab3 = table_ref.reshape(_NGRP, 8, _N_CLASSES)
    nt3 = nt_ref.reshape(_BATCH // 8, 8, _N_CLASSES)
    wid = lax.axis_index("s") * _NC + lax.axis_index("c")
    r_lo = wid * _RPW
    lanes = lax.iota(jnp.int32, 16)

    pltpu.sync_copy(loc_ref.at[wid], loc_v)
    pltpu.sync_copy(pos_ref.at[wid], pos_v)
    pltpu.sync_copy(cnt_ref.at[wid], cnt_v)
    n_live = jnp.max(jnp.where(lanes == 0, cnt_v[pl.ds(0, 16)], 0))

    def row_body(e, _):
        lv = loc_v[e // _CHUNK, pl.ds(((e // 16) % 8) * 16, 16)]
        pv = pos_v[e // _CHUNK, pl.ds(((e // 16) % 8) * 16, 16)]
        sel = lanes == (e % 16)
        loc = jnp.max(jnp.where(sel, lv, 0))
        pos = jnp.max(jnp.where(sel, pv, 0))
        row = jnp.where(loc < _RPW, loc + r_lo, loc - _RPW + _XTRA_ROW0)
        pltpu.async_copy(
            nt3.at[lax.shift_right_logical(pos, 3), pos & 7],
            tab3.at[lax.shift_right_logical(row, 3), row & 7], rsem)
        return 0
    lax.fori_loop(0, n_live, row_body, 0)

    def drain8(e, _):
        pltpu.make_async_copy(nt3.at[0], tab3.at[0], rsem).wait()
        return 0
    lax.fori_loop(0, lax.shift_right_logical(n_live, 3), drain8, 0)

    def drain1(e, _):
        pltpu.make_async_copy(nt3.at[0, 0], tab3.at[0, 0], rsem).wait()
        return 0
    lax.fori_loop(0, n_live & 7, drain1, 0)


def _sc_scatter(table, new_target, loc, pos, cnt):
    def stateful(refs):
        table_ref, nt_ref, loc_ref, pos_ref, cnt_ref = refs

        @pl.core_map(_SC_MESH, compiler_params=_SC_PARAMS,
                     scratch_shapes=[
                         pltpu.VMEM((_BATCH // _CHUNK, _CHUNK), jnp.int32),
                         pltpu.VMEM((_BATCH // _CHUNK, _CHUNK), jnp.int32),
                         pltpu.VMEM((16,), jnp.int32),
                         pltpu.SemaphoreType.DMA,
                     ])
        def _(loc_v, pos_v, cnt_v, rsem):
            _write_rows(table_ref, nt_ref, loc_ref, pos_ref, cnt_ref,
                        loc_v, pos_v, cnt_v, rsem)

    outs = pl.run_state(stateful)((table, new_target, loc, pos, cnt))
    return outs[0]


def kernel(output1, index, confidence):
    gidx2d = (index // 8).reshape(_BATCH // _CHUNK, _CHUNK)
    r82d = (index & 7).reshape(_BATCH // _CHUNK, _CHUNK)
    idx2d = index.reshape(_BATCH // _CHUNK, _CHUNK)
    loc, pos, cnt = _sc_plan(idx2d)
    target128 = _sc_gather(confidence, gidx2d, r82d)
    loss, new_target = _compute_tc(output1, target128)
    new_confidence = _sc_scatter(confidence, new_target, loc, pos, cnt)
    return loss, new_confidence

# --- scband reference (transcript-rebuilt; emitter-appended) ---
"""Pipeline reference for scband-proden-loss-37546604102097 (READ-ONLY COPY).

The authoritative reference and input builder live on the scoring server;
editing this copy changes nothing except your own understanding.
"""

import jax, jax.numpy as jnp
import numpy as np

N_DATA = 1000000
N_CLASSES = 100
BATCH = 16384


def setup_inputs(seed: int = 0) -> dict:
    key = jax.random.key(seed)
    k1, k2, k3 = jax.random.split(key, 3)
    output1 = jax.random.normal(k1, (BATCH, N_CLASSES), dtype=jnp.float32)
    index = jax.random.randint(k2, (BATCH,), 0, N_DATA, dtype=jnp.int32)
    # confidence: row-stochastic partial-label confidence matrix [N_DATA, N_CLASSES]
    conf = jax.random.uniform(k3, (N_DATA, N_CLASSES), dtype=jnp.float32)
    conf = conf / jnp.sum(conf, axis=1, keepdims=True)
    return {"output1": output1, "index": index, "confidence": conf}


def reference(output1, index, confidence):
    # output = F.softmax(output1, dim=1)
    output = jax.nn.softmax(output1, axis=1)
    # target = self.confidence[index, :]  (gather)
    target = jnp.take(confidence, index, axis=0)
    l = target * jnp.log(output)
    loss = -jnp.sum(l) / l.shape[0]
    # update_target branch
    revisedY = jnp.where(target > 0, jnp.ones_like(target), target)
    revisedY = revisedY * output
    revisedY = revisedY / jnp.sum(revisedY, axis=1, keepdims=True)
    new_target = jax.lax.stop_gradient(revisedY)
    # self.confidence[index, :] = new_target  (scatter-overwrite)
    new_confidence = confidence.at[index].set(new_target)
    return loss, new_confidence

if __name__ == "__main__":
    import jax
    _d = setup_inputs()
    print(jax.jit(kernel)(*tuple(_d.values())))

</pallas_src>

<mosaic_0001>
#map = affine_map<(d0, d1) -> (0, 0)>
module attributes {stable_mosaic.version = 14 : i64} {
  func.func @_gather_body(%arg0: i32, %arg1: i32, %arg2: memref<1000000x100xf32, #tpu.memory_space<hbm>>, %arg3: memref<128x128xi32, #tpu.memory_space<hbm>>, %arg4: memref<128x128xi32, #tpu.memory_space<hbm>>, %arg5: memref<16384x128xf32, #tpu.memory_space<hbm>>, %arg6: memref<4x128xi32, #tpu.memory_space<vmem>>, %arg7: memref<4x128xi32, #tpu.memory_space<vmem>>, %arg8: memref<512x128xf32, #tpu.memory_space<vmem>>, %arg9: memref<!tpu.dma_semaphore, #tpu.memory_space<semaphore_mem>>) attributes {dimension_semantics = [#tpu.dimension_semantics<core_parallel>, #tpu.dimension_semantics<subcore_parallel>], iteration_bounds = array<i64: 2, 16>, scalar_prefetch = 0 : i64, scratch_operands = 4 : i64, tpu.core_type = #tpu.core_type<sc_vector_subcore>, window_params = [{transform_indices = #map}, {transform_indices = #map}, {transform_indices = #map}, {transform_indices = #map}]} {
    %mul3A = arith.constant 2 : i32
    %mul3A_0 = arith.muli %arg1, %mul3A : i32
    %add3A = arith.addi %mul3A_0, %arg0 : i32
    %mul3A_1 = arith.constant 512 : i32
    %mul3A_2 = arith.muli %add3A, %mul3A_1 : i32
    %mul3A_3 = arith.constant 4 : i32
    %mul3A_4 = arith.muli %add3A, %mul3A_3 : i32
    "tpu.region"() ({
      %run_scoped3A = tpu.sem_alloc : memref<!tpu.dma_semaphore, #tpu.memory_space<semaphore_mem>>
      %dma_start3A = arith.constant 0 : i32
      %dma_start3A_20 = tpu.memref_slice %arg3[%mul3A_4, %dma_start3A] : memref<128x128xi32, #tpu.memory_space<hbm>> -> memref<4x128xi32, #tpu.memory_space<hbm>>
      %dma_start3A_21 = arith.constant 0 : i32
      %dma_start3A_22 = tpu.memref_slice %arg3[%mul3A_4, %dma_start3A_21] : memref<128x128xi32, #tpu.memory_space<hbm>> -> memref<4x128xi32, #tpu.memory_space<hbm>>
      tpu.enqueue_dma source(%dma_start3A_22 : memref<4x128xi32, #tpu.memory_space<hbm>>) target(%arg6 : memref<4x128xi32, #tpu.memory_space<vmem>>) target_semaphore(%run_scoped3A : memref<!tpu.dma_semaphore, #tpu.memory_space<semaphore_mem>>)
      %dma_wait3A = arith.constant 0 : i32
      %dma_wait3A_23 = tpu.memref_slice %arg3[%mul3A_4, %dma_wait3A] : memref<128x128xi32, #tpu.memory_space<hbm>> -> memref<4x128xi32, #tpu.memory_space<hbm>>
      %dma_wait3A_24 = arith.constant 0 : i32
      %dma_wait3A_25 = tpu.memref_slice %arg3[%mul3A_4, %dma_wait3A_24] : memref<128x128xi32, #tpu.memory_space<hbm>> -> memref<4x128xi32, #tpu.memory_space<hbm>>
      tpu.wait_dma2 semaphore(%run_scoped3A : memref<!tpu.dma_semaphore, #tpu.memory_space<semaphore_mem>>) src(%dma_wait3A_25 : memref<4x128xi32, #tpu.memory_space<hbm>>) dst(%arg6 : memref<4x128xi32, #tpu.memory_space<vmem>>)
      tpu.yield
    }) : () -> ()
    %mul3A_5 = arith.constant 4 : i32
    %mul3A_6 = arith.muli %add3A, %mul3A_5 : i32
    "tpu.region"() ({
      %run_scoped3A = tpu.sem_alloc : memref<!tpu.dma_semaphore, #tpu.memory_space<semaphore_mem>>
      %dma_start3A = arith.constant 0 : i32
      %dma_start3A_20 = tpu.memref_slice %arg4[%mul3A_6, %dma_start3A] : memref<128x128xi32, #tpu.memory_space<hbm>> -> memref<4x128xi32, #tpu.memory_space<hbm>>
      %dma_start3A_21 = arith.constant 0 : i32
      %dma_start3A_22 = tpu.memref_slice %arg4[%mul3A_6, %dma_start3A_21] : memref<128x128xi32, #tpu.memory_space<hbm>> -> memref<4x128xi32, #tpu.memory_space<hbm>>
      tpu.enqueue_dma source(%dma_start3A_22 : memref<4x128xi32, #tpu.memory_space<hbm>>) target(%arg7 : memref<4x128xi32, #tpu.memory_space<vmem>>) target_semaphore(%run_scoped3A : memref<!tpu.dma_semaphore, #tpu.memory_space<semaphore_mem>>)
      %dma_wait3A = arith.constant 0 : i32
      %dma_wait3A_23 = tpu.memref_slice %arg4[%mul3A_6, %dma_wait3A] : memref<128x128xi32, #tpu.memory_space<hbm>> -> memref<4x128xi32, #tpu.memory_space<hbm>>
      %dma_wait3A_24 = arith.constant 0 : i32
      %dma_wait3A_25 = tpu.memref_slice %arg4[%mul3A_6, %dma_wait3A_24] : memref<128x128xi32, #tpu.memory_space<hbm>> -> memref<4x128xi32, #tpu.memory_space<hbm>>
      tpu.wait_dma2 semaphore(%run_scoped3A : memref<!tpu.dma_semaphore, #tpu.memory_space<semaphore_mem>>) src(%dma_wait3A_25 : memref<4x128xi32, #tpu.memory_space<hbm>>) dst(%arg7 : memref<4x128xi32, #tpu.memory_space<vmem>>)
      tpu.yield
    }) : () -> ()
    %iota3A = tpu.iota {dimensions = array<i32: 0>} : vector<16xi32>
    %scan3A = arith.constant 0 : i32
    %scan3A_7 = arith.constant 0 : i32
    %scan3A_8 = arith.constant 32 : i32
    %scan3A_9 = arith.addi %scan3A_7, %scan3A_8 : i32
    %scan3A_10 = arith.constant 1 : i32
    %scan3A_11 = scf.for %scan3A_20 = %scan3A_7 to %scan3A_9 step %scan3A_10 iter_args(%scan3A_21 = %scan3A) -> (i32)  : i32 {
      %jit3A = arith.constant 8 : i32
      %div3A = arith.divsi %scan3A_20, %jit3A : i32
      %sign3A = arith.constant 0 : i32
      %sign3A_22 = arith.cmpi sgt, %scan3A_20, %sign3A : i32
      %sign3A_23 = arith.extui %sign3A_22 : i1 to i32
      %sign3A_24 = arith.constant 0 : i32
      %sign3A_25 = arith.cmpi slt, %scan3A_20, %sign3A_24 : i32
      %sign3A_26 = arith.extui %sign3A_25 : i1 to i32
      %sign3A_27 = arith.subi %sign3A_23, %sign3A_26 : i32
      %sign3A_28 = arith.constant 0 : i32
      %sign3A_29 = arith.cmpi sgt, %jit3A, %sign3A_28 : i32
      %sign3A_30 = arith.extui %sign3A_29 : i1 to i32
      %sign3A_31 = arith.constant 0 : i32
      %sign3A_32 = arith.cmpi slt, %jit3A, %sign3A_31 : i32
      %sign3A_33 = arith.extui %sign3A_32 : i1 to i32
      %sign3A_34 = arith.subi %sign3A_30, %sign3A_33 : i32
      %ne3A = arith.cmpi ne, %sign3A_27, %sign3A_34 : i32
      %rem3A = arith.remsi %scan3A_20, %jit3A : i32
      %ne3A_35 = arith.constant 0 : i32
      %ne3A_36 = arith.cmpi ne, %rem3A, %ne3A_35 : i32
      %and3A = arith.andi %ne3A, %ne3A_36 : i1
      %sub3A = arith.constant 1 : i32
      %sub3A_37 = arith.subi %div3A, %sub3A : i32
      %select_n3A = arith.select %and3A, %sub3A_37, %div3A : i32
      %jit3A_38 = arith.constant 8 : i32
      %eq3A = arith.constant 0 : i32
      %eq3A_39 = arith.cmpi eq, %jit3A_38, %eq3A : i32
      %jit3A_40 = arith.constant 1 : i32
      %select_n3A_41 = arith.select %eq3A_39, %jit3A_40, %jit3A_38 : i32
      %rem3A_42 = arith.remsi %scan3A_20, %select_n3A_41 : i32
      %ne3A_43 = arith.constant 0 : i32
      %ne3A_44 = arith.cmpi ne, %rem3A_42, %ne3A_43 : i32
      %lt3A = arith.constant 0 : i32
      %lt3A_45 = arith.cmpi slt, %rem3A_42, %lt3A : i32
      %lt3A_46 = arith.constant 0 : i32
      %lt3A_47 = arith.cmpi slt, %select_n3A_41, %lt3A_46 : i32
      %ne3A_48 = arith.xori %lt3A_45, %lt3A_47 : i1
      %and3A_49 = arith.andi %ne3A_48, %ne3A_44 : i1
      %add3A_50 = arith.addi %rem3A_42, %select_n3A_41 : i32
      %select_n3A_51 = arith.select %and3A_49, %add3A_50, %rem3A_42 : i32
      %mul3A_52 = arith.constant 16 : i32
      %mul3A_53 = arith.muli %select_n3A_51, %mul3A_52 : i32
      %get3A = arith.index_cast %select_n3A : i32 to index
      %get3A_54 = arith.index_cast %mul3A_53 : i32 to index
      %get3A_55 = tpu.vector_load %arg6[%get3A, %get3A_54] {strides = array<i32>} : memref<4x128xi32, #tpu.memory_space<vmem>>, vector<16xi32>,
      %jit3A_56 = arith.constant 8 : i32
      %div3A_57 = arith.divsi %scan3A_20, %jit3A_56 : i32
      %sign3A_58 = arith.constant 0 : i32
      %sign3A_59 = arith.cmpi sgt, %scan3A_20, %sign3A_58 : i32
      %sign3A_60 = arith.extui %sign3A_59 : i1 to i32
      %sign3A_61 = arith.constant 0 : i32
      %sign3A_62 = arith.cmpi slt, %scan3A_20, %sign3A_61 : i32
      %sign3A_63 = arith.extui %sign3A_62 : i1 to i32
      %sign3A_64 = arith.subi %sign3A_60, %sign3A_63 : i32
      %sign3A_65 = arith.constant 0 : i32
      %sign3A_66 = arith.cmpi sgt, %jit3A_56, %sign3A_65 : i32
      %sign3A_67 = arith.extui %sign3A_66 : i1 to i32
      %sign3A_68 = arith.constant 0 : i32
      %sign3A_69 = arith.cmpi slt, %jit3A_56, %sign3A_68 : i32
      %sign3A_70 = arith.extui %sign3A_69 : i1 to i32
      %sign3A_71 = arith.subi %sign3A_67, %sign3A_70 : i32
      %ne3A_72 = arith.cmpi ne, %sign3A_64, %sign3A_71 : i32
      %rem3A_73 = arith.remsi %scan3A_20, %jit3A_56 : i32
      %ne3A_74 = arith.constant 0 : i32
      %ne3A_75 = arith.cmpi ne, %rem3A_73, %ne3A_74 : i32
      %and3A_76 = arith.andi %ne3A_72, %ne3A_75 : i1
      %sub3A_77 = arith.constant 1 : i32
      %sub3A_78 = arith.subi %div3A_57, %sub3A_77 : i32
      %select_n3A_79 = arith.select %and3A_76, %sub3A_78, %div3A_57 : i32
      %jit3A_80 = arith.constant 8 : i32
      %eq3A_81 = arith.constant 0 : i32
      %eq3A_82 = arith.cmpi eq, %jit3A_80, %eq3A_81 : i32
      %jit3A_83 = arith.constant 1 : i32
      %select_n3A_84 = arith.select %eq3A_82, %jit3A_83, %jit3A_80 : i32
      %rem3A_85 = arith.remsi %scan3A_20, %select_n3A_84 : i32
      %ne3A_86 = arith.constant 0 : i32
      %ne3A_87 = arith.cmpi ne, %rem3A_85, %ne3A_86 : i32
      %lt3A_88 = arith.constant 0 : i32
      %lt3A_89 = arith.cmpi slt, %rem3A_85, %lt3A_88 : i32
      %lt3A_90 = arith.constant 0 : i32
      %lt3A_91 = arith.cmpi slt, %select_n3A_84, %lt3A_90 : i32
      %ne3A_92 = arith.xori %lt3A_89, %lt3A_91 : i1
      %and3A_93 = arith.andi %ne3A_92, %ne3A_87 : i1
      %add3A_94 = arith.addi %rem3A_85, %select_n3A_84 : i32
      %select_n3A_95 = arith.select %and3A_93, %add3A_94, %rem3A_85 : i32
      %mul3A_96 = arith.constant 16 : i32
      %mul3A_97 = arith.muli %select_n3A_95, %mul3A_96 : i32
      %get3A_98 = arith.index_cast %select_n3A_79 : i32 to index
      %get3A_99 = arith.index_cast %mul3A_97 : i32 to index
      %get3A_100 = tpu.vector_load %arg7[%get3A_98, %get3A_99] {strides = array<i32>} : memref<4x128xi32, #tpu.memory_space<vmem>>, vector<16xi32>,
      %mul3A_101 = arith.constant 16 : i32
      %mul3A_102 = arith.muli %scan3A_20, %mul3A_101 : i32
      %add3A_103 = arith.constant 0 : i32
      %add3A_104 = arith.addi %mul3A_102, %add3A_103 : i32
      %eq3A_105 = arith.constant 0 : i32
      %eq3A_106 = vector.broadcast %eq3A_105 : i32 to vector<16xi32>
      %eq3A_107 = arith.cmpi eq, %iota3A, %eq3A_106 : vector<16xi32>
      %jit3A_108 = arith.constant 0 : i32
      %broadcast_in_dim3A = vector.broadcast %jit3A_108 : i32 to vector<16xi32>
      %select_n3A_109 = arith.select %eq3A_107, %get3A_55, %broadcast_in_dim3A : vector<16xi1>, vector<16xi32>
      %reduce_max3A = arith.constant true
      %reduce_max3A_110 = vector.broadcast %reduce_max3A : i1 to vector<16xi1>
      %reduce_max3A_111 = arith.constant -2147483648 : i32
      %reduce_max3A_112 = vector.broadcast %reduce_max3A_111 : i32 to vector<16xi32>
      %reduce_max3A_113 = arith.xori %select_n3A_109, %reduce_max3A_112 : vector<16xi32>
      %reduce_max3A_114 = tpu.scan <max>, %reduce_max3A_113 masked %reduce_max3A_110 : vector<16xi32>, vector<16xi1> -> vector<16xi32>
      %reduce_max3A_115 = arith.xori %reduce_max3A_114, %reduce_max3A_112 : vector<16xi32>
      %reduce_max3A_116 = vector.extract %reduce_max3A_115[15] : i32 from vector<16xi32>
      %jit3A_117 = arith.constant 0 : i32
      %broadcast_in_dim3A_118 = vector.broadcast %jit3A_117 : i32 to vector<16xi32>
      %select_n3A_119 = arith.select %eq3A_107, %get3A_100, %broadcast_in_dim3A_118 : vector<16xi1>, vector<16xi32>
      %reduce_max3A_120 = arith.constant true
      %reduce_max3A_121 = vector.broadcast %reduce_max3A_120 : i1 to vector<16xi1>
      %reduce_max3A_122 = arith.constant -2147483648 : i32
      %reduce_max3A_123 = vector.broadcast %reduce_max3A_122 : i32 to vector<16xi32>
      %reduce_max3A_124 = arith.xori %select_n3A_119, %reduce_max3A_123 : vector<16xi32>
      %reduce_max3A_125 = tpu.scan <max>, %reduce_max3A_124 masked %reduce_max3A_121 : vector<16xi32>, vector<16xi1> -> vector<16xi32>
      %reduce_max3A_126 = arith.xori %reduce_max3A_125, %reduce_max3A_123 : vector<16xi32>
      %reduce_max3A_127 = vector.extract %reduce_max3A_126[15] : i32 from vector<16xi32>
      %dma_start3A = arith.constant 0 : i32
      %dma_start3A_128 = tpu.memref_slice %arg8[%add3A_104, %dma_start3A] : memref<512x128xf32, #tpu.memory_space<vmem>> -> memref<1x100xf32, #tpu.memory_space<vmem>>
      %dma_start3A_129 = tpu.memref_squeeze %dma_start3A_128 : memref<1x100xf32, #tpu.memory_space<vmem>> -> memref<100xf32, #tpu.memory_space<vmem>>
      %dma_start3A_130 = tpu.memref_reshape %arg2 : memref<1000000x100xf32, #tpu.memory_space<hbm>> -> memref<125000x8x100xf32, #tpu.memory_space<hbm>>
      %dma_start3A_131 = arith.constant 0 : i32
      %dma_start3A_132 = tpu.memref_slice %dma_start3A_130[%reduce_max3A_116, %reduce_max3A_127, %dma_start3A_131] : memref<125000x8x100xf32, #tpu.memory_space<hbm>> -> memref<1x1x100xf32, #tpu.memory_space<hbm>>
      %dma_start3A_133 = tpu.memref_squeeze %dma_start3A_132 : memref<1x1x100xf32, #tpu.memory_space<hbm>> -> memref<100xf32, #tpu.memory_space<hbm>>
      %dma_start3A_134 = arith.constant 0 : i32
      %dma_start3A_135 = tpu.memref_slice %arg8[%add3A_104, %dma_start3A_134] : memref<512x128xf32, #tpu.memory_space<vmem>> -> memref<1x100xf32, #tpu.memory_space<vmem>>
      %dma_start3A_136 = tpu.memref_squeeze %dma_start3A_135 : memref<1x100xf32, #tpu.memory_space<vmem>> -> memref<100xf32, #tpu.memory_space<vmem>>
      %dma_start3A_137 = tpu.memref_reshape %arg2 : memref<1000000x100xf32, #tpu.memory_space<hbm>> -> memref<125000x8x100xf32, #tpu.memory_space<hbm>>
      %dma_start3A_138 = arith.constant 0 : i32
      %dma_start3A_139 = tpu.memref_slice %dma_start3A_137[%reduce_max3A_116, %reduce_max3A_127, %dma_start3A_138] : memref<125000x8x100xf32, #tpu.memory_space<hbm>> -> memref<1x1x100xf32, #tpu.memory_space<hbm>>
      %dma_start3A_140 = tpu.memref_squeeze %dma_start3A_139 : memref<1x1x100xf32, #tpu.memory_space<hbm>> -> memref<100xf32, #tpu.memory_space<hbm>>
      tpu.enqueue_dma source(%dma_start3A_140 : memref<100xf32, #tpu.memory_space<hbm>>) target(%dma_start3A_136 : memref<100xf32, #tpu.memory_space<vmem>>) target_semaphore(%arg9 : memref<!tpu.dma_semaphore, #tpu.memory_space<semaphore_mem>>)
      %mul3A_141 = arith.constant 16 : i32
      %mul3A_142 = arith.muli %scan3A_20, %mul3A_141 : i32
      %add3A_143 = arith.constant 1 : i32
      %add3A_144 = arith.addi %mul3A_142, %add3A_143 : i32
      %eq3A_145 = arith.constant 1 : i32
      %eq3A_146 = vector.broadcast %eq3A_145 : i32 to vector<16xi32>
      %eq3A_147 = arith.cmpi eq, %iota3A, %eq3A_146 : vector<16xi32>
      %jit3A_148 = arith.constant 0 : i32
      %broadcast_in_dim3A_149 = vector.broadcast %jit3A_148 : i32 to vector<16xi32>
      %select_n3A_150 = arith.select %eq3A_147, %get3A_55, %broadcast_in_dim3A_149 : vector<16xi1>, vector<16xi32>
      %reduce_max3A_151 = arith.constant true
      %reduce_max3A_152 = vector.broadcast %reduce_max3A_151 : i1 to vector<16xi1>
      %reduce_max3A_153 = arith.constant -2147483648 : i32
      %reduce_max3A_154 = vector.broadcast %reduce_max3A_153 : i32 to vector<16xi32>
      %reduce_max3A_155 = arith.xori %select_n3A_150, %reduce_max3A_154 : vector<16xi32>
      %reduce_max3A_156 = tpu.scan <max>, %reduce_max3A_155 masked %reduce_max3A_152 : vector<16xi32>, vector<16xi1> -> vector<16xi32>
      %reduce_max3A_157 = arith.xori %reduce_max3A_156, %reduce_max3A_154 : vector<16xi32>
      %reduce_max3A_158 = vector.extract %reduce_max3A_157[15] : i32 from vector<16xi32>
      %jit3A_159 = arith.constant 0 : i32
      %broadcast_in_dim3A_160 = vector.broadcast %jit3A_159 : i32 to vector<16xi32>
      %select_n3A_161 = arith.select %eq3A_147, %get3A_100, %broadcast_in_dim3A_160 : vector<16xi1>, vector<16xi32>
      %reduce_max3A_162 = arith.constant true
      %reduce_max3A_163 = vector.broadcast %reduce_max3A_162 : i1 to vector<16xi1>
      %reduce_max3A_164 = arith.constant -2147483648 : i32
      %reduce_max3A_165 = vector.broadcast %reduce_max3A_164 : i32 to vector<16xi32>
      %reduce_max3A_166 = arith.xori %select_n3A_161, %reduce_max3A_165 : vector<16xi32>
      %reduce_max3A_167 = tpu.scan <max>, %reduce_max3A_166 masked %reduce_max3A_163 : vector<16xi32>, vector<16xi1> -> vector<16xi32>
      %reduce_max3A_168 = arith.xori %reduce_max3A_167, %reduce_max3A_165 : vector<16xi32>
      %reduce_max3A_169 = vector.extract %reduce_max3A_168[15] : i32 from vector<16xi32>
      %dma_start3A_170 = arith.constant 0 : i32
      %dma_start3A_171 = tpu.memref_slice %arg8[%add3A_144, %dma_start3A_170] : memref<512x128xf32, #tpu.memory_space<vmem>> -> memref<1x100xf32, #tpu.memory_space<vmem>>
      %dma_start3A_172 = tpu.memref_squeeze %dma_start3A_171 : memref<1x100xf32, #tpu.memory_space<vmem>> -> memref<100xf32, #tpu.memory_space<vmem>>
      %dma_start3A_173 = tpu.memref_reshape %arg2 : memref<1000000x100xf32, #tpu.memory_space<hbm>> -> memref<125000x8x100xf32, #tpu.memory_space<hbm>>
      %dma_start3A_174 = arith.constant 0 : i32
      %dma_start3A_175 = tpu.memref_slice %dma_start3A_173[%reduce_max3A_158, %reduce_max3A_169, %dma_start3A_174] : memref<125000x8x100xf32, #tpu.memory_space<hbm>> -> memref<1x1x100xf32, #tpu.memory_space<hbm>>
      %dma_start3A_176 = tpu.memref_squeeze %dma_start3A_175 : memref<1x1x100xf32, #tpu.memory_space<hbm>> -> memref<100xf32, #tpu.memory_space<hbm>>
      %dma_start3A_177 = arith.constant 0 : i32
      %dma_start3A_178 = tpu.memref_slice %arg8[%add3A_144, %dma_start3A_177] : memref<512x128xf32, #tpu.memory_space<vmem>> -> memref<1x100xf32, #tpu.memory_space<vmem>>
      %dma_start3A_179 = tpu.memref_squeeze %dma_start3A_178 : memref<1x100xf32, #tpu.memory_space<vmem>> -> memref<100xf32, #tpu.memory_space<vmem>>
      %dma_start3A_180 = tpu.memref_reshape %arg2 : memref<1000000x100xf32, #tpu.memory_space<hbm>> -> memref<125000x8x100xf32, #tpu.memory_space<hbm>>
      %dma_start3A_181 = arith.constant 0 : i32
      %dma_start3A_182 = tpu.memref_slice %dma_start3A_180[%reduce_max3A_158, %reduce_max3A_169, %dma_start3A_181] : memref<125000x8x100xf32, #tpu.memory_space<hbm>> -> memref<1x1x100xf32, #tpu.memory_space<hbm>>
      %dma_start3A_183 = tpu.memref_squeeze %dma_start3A_182 : memref<1x1x100xf32, #tpu.memory_space<hbm>> -> memref<100xf32, #tpu.memory_space<hbm>>
      tpu.enqueue_dma source(%dma_start3A_183 : memref<100xf32, #tpu.memory_space<hbm>>) target(%dma_start3A_179 : memref<100xf32, #tpu.memory_space<vmem>>) target_semaphore(%arg9 : memref<!tpu.dma_semaphore, #tpu.memory_space<semaphore_mem>>)
      %mul3A_184 = arith.constant 16 : i32
      %mul3A_185 = arith.muli %scan3A_20, %mul3A_184 : i32
      %add3A_186 = arith.constant 2 : i32
      %add3A_187 = arith.addi %mul3A_185, %add3A_186 : i32
      %eq3A_188 = arith.constant 2 : i32
      %eq3A_189 = vector.broadcast %eq3A_188 : i32 to vector<16xi32>
      %eq3A_190 = arith.cmpi eq, %iota3A, %eq3A_189 : vector<16xi32>
      %jit3A_191 = arith.constant 0 : i32
      %broadcast_in_dim3A_192 = vector.broadcast %jit3A_191 : i32 to vector<16xi32>
      %select_n3A_193 = arith.select %eq3A_190, %get3A_55, %broadcast_in_dim3A_192 : vector<16xi1>, vector<16xi32>
      %reduce_max3A_194 = arith.constant true
      %reduce_max3A_195 = vector.broadcast %reduce_max3A_194 : i1 to vector<16xi1>
      %reduce_max3A_196 = arith.constant -2147483648 : i32
      %reduce_max3A_197 = vector.broadcast %reduce_max3A_196 : i32 to vector<16xi32>
      %reduce_max3A_198 = arith.xori %select_n3A_193, %reduce_max3A_197 : vector<16xi32>
      %reduce_max3A_199 = tpu.scan <max>, %reduce_max3A_198 masked %reduce_max3A_195 : vector<16xi32>, vector<16xi1> -> vector<16xi32>
      %reduce_max3A_200 = arith.xori %reduce_max3A_199, %reduce_max3A_197 : vector<16xi32>
      %reduce_max3A_201 = vector.extract %reduce_max3A_200[15] : i32 from vector<16xi32>
      %jit3A_202 = arith.constant 0 : i32
      %broadcast_in_dim3A_203 = vector.broadcast %jit3A_202 : i32 to vector<16xi32>
      %select_n3A_204 = arith.select %eq3A_190, %get3A_100, %broadcast_in_dim3A_203 : vector<16xi1>, vector<16xi32>
      %reduce_max3A_205 = arith.constant true
      %reduce_max3A_206 = vector.broadcast %reduce_max3A_205 : i1 to vector<16xi1>
      %reduce_max3A_207 = arith.constant -2147483648 : i32
      %reduce_max3A_208 = vector.broadcast %reduce_max3A_207 : i32 to vector<16xi32>
      %reduce_max3A_209 = arith.xori %select_n3A_204, %reduce_max3A_208 : vector<16xi32>
      %reduce_max3A_210 = tpu.scan <max>, %reduce_max3A_209 masked %reduce_max3A_206 : vector<16xi32>, vector<16xi1> -> vector<16xi32>
      %reduce_max3A_211 = arith.xori %reduce_max3A_210, %reduce_max3A_208 : vector<16xi32>
      %reduce_max3A_212 = vector.extract %reduce_max3A_211[15] : i32 from vector<16xi32>
      %dma_start3A_213 = arith.constant 0 : i32
      %dma_start3A_214 = tpu.memref_slice %arg8[%add3A_187, %dma_start3A_213] : memref<512x128xf32, #tpu.memory_space<vmem>> -> memref<1x100xf32, #tpu.memory_space<vmem>>
      %dma_start3A_215 = tpu.memref_squeeze %dma_start3A_214 : memref<1x100xf32, #tpu.memory_space<vmem>> -> memref<100xf32, #tpu.memory_space<vmem>>
      %dma_start3A_216 = tpu.memref_reshape %arg2 : memref<1000000x100xf32, #tpu.memory_space<hbm>> -> memref<125000x8x100xf32, #tpu.memory_space<hbm>>
      %dma_start3A_217 = arith.constant 0 : i32
      %dma_start3A_218 = tpu.memref_slice %dma_start3A_216[%reduce_max3A_201, %reduce_max3A_212, %dma_start3A_217] : memref<125000x8x100xf32, #tpu.memory_space<hbm>> -> memref<1x1x100xf32, #tpu.memory_space<hbm>>
      %dma_start3A_219 = tpu.memref_squeeze %dma_start3A_218 : memref<1x1x100xf32, #tpu.memory_space<hbm>> -> memref<100xf32, #tpu.memory_space<hbm>>
      %dma_start3A_220 = arith.constant 0 : i32
      %dma_start3A_221 = tpu.memref_slice %arg8[%add3A_187, %dma_start3A_220] : memref<512x128xf32, #tpu.memory_space<vmem>> -> memref<1x100xf32, #tpu.memory_space<vmem>>
      %dma_start3A_222 = tpu.memref_squeeze %dma_start3A_221 : memref<1x100xf32, #tpu.memory_space<vmem>> -> memref<100xf32, #tpu.memory_space<vmem>>
      %dma_start3A_223 = tpu.memref_reshape %arg2 : memref<1000000x100xf32, #tpu.memory_space<hbm>> -> memref<125000x8x100xf32, #tpu.memory_space<hbm>>
      %dma_start3A_224 = arith.constant 0 : i32
      %dma_start3A_225 = tpu.memref_slice %dma_start3A_223[%reduce_max3A_201, %reduce_max3A_212, %dma_start3A_224] : memref<125000x8x100xf32, #tpu.memory_space<hbm>> -> memref<1x1x100xf32, #tpu.memory_space<hbm>>
      %dma_start3A_226 = tpu.memref_squeeze %dma_start3A_225 : memref<1x1x100xf32, #tpu.memory_space<hbm>> -> memref<100xf32, #tpu.memory_space<hbm>>
      tpu.enqueue_dma source(%dma_start3A_226 : memref<100xf32, #tpu.memory_space<hbm>>) target(%dma_start3A_222 : memref<100xf32, #tpu.memory_space<vmem>>) target_semaphore(%arg9 : memref<!tpu.dma_semaphore, #tpu.memory_space<semaphore_mem>>)
      %mul3A_227 = arith.constant 16 : i32
      %mul3A_228 = arith.muli %scan3A_20, %mul3A_227 : i32
      %add3A_229 = arith.constant 3 : i32
      %add3A_230 = arith.addi %mul3A_228, %add3A_229 : i32
      %eq3A_231 = arith.constant 3 : i32
      %eq3A_232 = vector.broadcast %eq3A_231 : i32 to vector<16xi32>
      %eq3A_233 = arith.cmpi eq, %iota3A, %eq3A_232 : vector<16xi32>
      %jit3A_234 = arith.constant 0 : i32
      %broadcast_in_dim3A_235 = vector.broadcast %jit3A_234 : i32 to vector<16xi32>
      %select_n3A_236 = arith.select %eq3A_233, %get3A_55, %broadcast_in_dim3A_235 : vector<16xi1>, vector<16xi32>
      %reduce_max3A_237 = arith.constant true
      %reduce_max3A_238 = vector.broadcast %reduce_max3A_237 : i1 to vector<16xi1>
      %reduce_max3A_239 = arith.constant -2147483648 : i32
      %reduce_max3A_240 = vector.broadcast %reduce_max3A_239 : i32 to vector<16xi32>
      %reduce_max3A_241 = arith.xori %select_n3A_236, %reduce_max3A_240 : vector<16xi32>
      %reduce_max3A_242 = tpu.scan <max>, %reduce_max3A_241 masked %reduce_max3A_238 : vector<16xi32>, vector<16xi1> -> vector<16xi32>
      %reduce_max3A_243 = arith.xori %reduce_max3A_242, %reduce_max3A_240 : vector<16xi32>
      %reduce_max3A_244 = vector.extract %reduce_max3A_243[15] : i32 from vector<16xi32>
      %jit3A_245 = arith.constant 0 : i32
      %broadcast_in_dim3A_246 = vector.broadcast %jit3A_245 : i32 to vector<16xi32>
      %select_n3A_247 = arith.select %eq3A_233, %get3A_100, %broadcast_in_dim3A_246 : vector<16xi1>, vector<16xi32>
      %reduce_max3A_248 = arith.constant true
      %reduce_max3A_249 = vector.broadcast %reduce_max3A_248 : i1 to vector<16xi1>
      %reduce_max3A_250 = arith.constant -2147483648 : i32
      %reduce_max3A_251 = vector.broadcast %reduce_max3A_250 : i32 to vector<16xi32>
      %reduce_max3A_252 = arith.xori %select_n3A_247, %reduce_max3A_251 : vector<16xi32>
      %reduce_max3A_253 = tpu.scan <max>, %reduce_max3A_252 masked %reduce_max3A_249 : vector<16xi32>, vector<16xi1> -> vector<16xi32>
      %reduce_max3A_254 = arith.xori %reduce_max3A_253, %reduce_max3A_251 : vector<16xi32>
      %reduce_max3A_255 = vector.extract %reduce_max3A_254[15] : i32 from vector<16xi32>
      %dma_start3A_256 = arith.constant 0 : i32
      %dma_start3A_257 = tpu.memref_slice %arg8[%add3A_230, %dma_start3A_256] : memref<512x128xf32, #tpu.memory_space<vmem>> -> memref<1x100xf32, #tpu.memory_space<vmem>>
      %dma_start3A_258 = tpu.memref_squeeze %dma_start3A_257 : memref<1x100xf32, #tpu.memory_space<vmem>> -> memref<100xf32, #tpu.memory_space<vmem>>
      %dma_start3A_259 = tpu.memref_reshape %arg2 : memref<1000000x100xf32, #tpu.memory_space<hbm>> -> memref<125000x8x100xf32, #tpu.memory_space<hbm>>
      %dma_start3A_260 = arith.constant 0 : i32
      %dma_start3A_261 = tpu.memref_slice %dma_start3A_259[%reduce_max3A_244, %reduce_max3A_255, %dma_start3A_260] : memref<125000x8x100xf32, #tpu.memory_space<hbm>> -> memref<1x1x100xf32, #tpu.memory_space<hbm>>
      %dma_start3A_262 = tpu.memref_squeeze %dma_start3A_261 : memref<1x1x100xf32, #tpu.memory_space<hbm>> -> memref<100xf32, #tpu.memory_space<hbm>>
      %dma_start3A_263 = arith.constant 0 : i32
      %dma_start3A_264 = tpu.memref_slice %arg8[%add3A_230, %dma_start3A_263] : memref<512x128xf32, #tpu.memory_space<vmem>> -> memref<1x100xf32, #tpu.memory_space<vmem>>
      %dma_start3A_265 = tpu.memref_squeeze %dma_start3A_264 : memref<1x100xf32, #tpu.memory_space<vmem>> -> memref<100xf32, #tpu.memory_space<vmem>>
      %dma_start3A_266 = tpu.memref_reshape %arg2 : memref<1000000x100xf32, #tpu.memory_space<hbm>> -> memref<125000x8x100xf32, #tpu.memory_space<hbm>>
      %dma_start3A_267 = arith.constant 0 : i32
      %dma_start3A_268 = tpu.memref_slice %dma_start3A_266[%reduce_max3A_244, %reduce_max3A_255, %dma_start3A_267] : memref<125000x8x100xf32, #tpu.memory_space<hbm>> -> memref<1x1x100xf32, #tpu.memory_space<hbm>>
      %dma_start3A_269 = tpu.memref_squeeze %dma_start3A_268 : memref<1x1x100xf32, #tpu.memory_space<hbm>> -> memref<100xf32, #tpu.memory_space<hbm>>
      tpu.enqueue_dma source(%dma_start3A_269 : memref<100xf32, #tpu.memory_space<hbm>>) target(%dma_start3A_265 : memref<100xf32, #tpu.memory_space<vmem>>) target_semaphore(%arg9 : memref<!tpu.dma_semaphore, #tpu.memory_space<semaphore_mem>>)
      %mul3A_270 = arith.constant 16 : i32
      %mul3A_271 = arith.muli %scan3A_20, %mul3A_270 : i32
      %add3A_272 = arith.constant 4 : i32
      %add3A_273 = arith.addi %mul3A_271, %add3A_272 : i32
      %eq3A_274 = arith.constant 4 : i32
      %eq3A_275 = vector.broadcast %eq3A_274 : i32 to vector<16xi32>
      %eq3A_276 = arith.cmpi eq, %iota3A, %eq3A_275 : vector<16xi32>
      %jit3A_277 = arith.constant 0 : i32
      %broadcast_in_dim3A_278 = vector.broadcast %jit3A_277 : i32 to vector<16xi32>
      %select_n3A_279 = arith.select %eq3A_276, %get3A_55, %broadcast_in_dim3A_278 : vector<16xi1>, vector<16xi32>
      %reduce_max3A_280 = arith.constant true
      %reduce_max3A_281 = vector.broadcast %reduce_max3A_280 : i1 to vector<16xi1>
      %reduce_max3A_282 = arith.constant -2147483648 : i32
      %reduce_max3A_283 = vector.broadcast %reduce_max3A_282 : i32 to vector<16xi32>
      %reduce_max3A_284 = arith.xori %select_n3A_279, %reduce_max3A_283 : vector<16xi32>
      %reduce_max3A_285 = tpu.scan <max>, %reduce_max3A_284 masked %reduce_max3A_281 : vector<16xi32>, vector<16xi1> -> vector<16xi32>
      %reduce_max3A_286 = arith.xori %reduce_max3A_285, %reduce_max3A_283 : vector<16xi32>
      %reduce_max3A_287 = vector.extract %reduce_max3A_286[15] : i32 from vector<16xi32>
      %jit3A_288 = arith.constant 0 : i32
      %broadcast_in_dim3A_289 = vector.broadcast %jit3A_288 : i32 to vector<16xi32>
      %select_n3A_290 = arith.select %eq3A_276, %get3A_100, %broadcast_in_dim3A_289 : vector<16xi1>, vector<16xi32>
      %reduce_max3A_291 = arith.constant true
      %reduce_max3A_292 = vector.broadcast %reduce_max3A_291 : i1 to vector<16xi1>
      %reduce_max3A_293 = arith.constant -2147483648 : i32
      %reduce_max3A_294 = vector.broadcast %reduce_max3A_293 : i32 to vector<16xi32>
      %reduce_max3A_295 = arith.xori %select_n3A_290, %reduce_max3A_294 : vector<16xi32>
      %reduce_max3A_296 = tpu.scan <max>, %reduce_max3A_295 masked %reduce_max3A_292 : vector<16xi32>, vector<16xi1> -> vector<16xi32>
      %reduce_max3A_297 = arith.xori %reduce_max3A_296, %reduce_max3A_294 : vector<16xi32>
      %reduce_max3A_298 = vector.extract %reduce_max3A_297[15] : i32 from vector<16xi32>
      %dma_start3A_299 = arith.constant 0 : i32
      %dma_start3A_300 = tpu.memref_slice %arg8[%add3A_273, %dma_start3A_299] : memref<512x128xf32, #tpu.memory_space<vmem>> -> memref<1x100xf32, #tpu.memory_space<vmem>>
      %dma_start3A_301 = tpu.memref_squeeze %dma_start3A_300 : memref<1x100xf32, #tpu.memory_space<vmem>> -> memref<100xf32, #tpu.memory_space<vmem>>
      %dma_start3A_302 = tpu.memref_reshape %arg2 : memref<1000000x100xf32, #tpu.memory_space<hbm>> -> memref<125000x8x100xf32, #tpu.memory_space<hbm>>
      %dma_start3A_303 = arith.constant 0 : i32
      %dma_start3A_304 = tpu.memref_slice %dma_start3A_302[%reduce_max3A_287, %reduce_max3A_298, %dma_start3A_303] : memref<125000x8x100xf32, #tpu.memory_space<hbm>> -> memref<1x1x100xf32, #tpu.memory_space<hbm>>
      %dma_start3A_305 = tpu.memref_squeeze %dma_start3A_304 : memref<1x1x100xf32, #tpu.memory_space<hbm>> -> memref<100xf32, #tpu.memory_space<hbm>>
      %dma_start3A_306 = arith.constant 0 : i32
      %dma_start3A_307 = tpu.memref_slice %arg8[%add3A_273, %dma_start3A_306] : memref<512x128xf32, #tpu.memory_space<vmem>> -> memref<1x100xf32, #tpu.memory_space<vmem>>
      %dma_start3A_308 = tpu.memref_squeeze %dma_start3A_307 : memref<1x100xf32, #tpu.memory_space<vmem>> -> memref<100xf32, #tpu.memory_space<vmem>>
      %dma_start3A_309 = tpu.memref_reshape %arg2 : memref<1000000x100xf32, #tpu.memory_space<hbm>> -> memref<125000x8x100xf32, #tpu.memory_space<hbm>>
      %dma_start3A_310 = arith.constant 0 : i32
      %dma_start3A_311 = tpu.memref_slice %dma_start3A_309[%reduce_max3A_287, %reduce_max3A_298, %dma_start3A_310] : memref<125000x8x100xf32, #tpu.memory_space<hbm>> -> memref<1x1x100xf32, #tpu.memory_space<hbm>>
      %dma_start3A_312 = tpu.memref_squeeze %dma_start3A_311 : memref<1x1x100xf32, #tpu.memory_space<hbm>> -> memref<100xf32, #tpu.memory_space<hbm>>
      tpu.enqueue_dma source(%dma_start3A_312 : memref<100xf32, #tpu.memory_space<hbm>>) target(%dma_start3A_308 : memref<100xf32, #tpu.memory_space<vmem>>) target_semaphore(%arg9 : memref<!tpu.dma_semaphore, #tpu.memory_space<semaphore_mem>>)
      %mul3A_313 = arith.constant 16 : i32
      %mul3A_314 = arith.muli %scan3A_20, %mul3A_313 : i32
      %add3A_315 = arith.constant 5 : i32
      %add3A_316 = arith.addi %mul3A_314, %add3A_315 : i32
      %eq3A_317 = arith.constant 5 : i32
      %eq3A_318 = vector.broadcast %eq3A_317 : i32 to vector<16xi32>
      %eq3A_319 = arith.cmpi eq, %iota3A, %eq3A_318 : vector<16xi32>
      %jit3A_320 = arith.constant 0 : i32
      %broadcast_in_dim3A_321 = vector.broadcast %jit3A_320 : i32 to vector<16xi32>
      %select_n3A_322 = arith.select %eq3A_319, %get3A_55, %broadcast_in_dim3A_321 : vector<16xi1>, vector<16xi32>
      %reduce_max3A_323 = arith.constant true
      %reduce_max3A_324 = vector.broadcast %reduce_max3A_323 : i1 to vector<16xi1>
      %reduce_max3A_325 = arith.constant -2147483648 : i32
      %reduce_max3A_326 = vector.broadcast %reduce_max3A_325 : i32 to vector<16xi32>
      %reduce_max3A_327 = arith.xori %select_n3A_322, %reduce_max3A_326 : vector<16xi32>
      %reduce_max3A_328 = tpu.scan <max>, %reduce_max3A_327 masked %reduce_max3A_324 : vector<16xi32>, vector<16xi1> -> vector<16xi32>
      %reduce_max3A_329 = arith.xori %reduce_max3A_328, %reduce_max3A_326 : vector<16xi32>
      %reduce_max3A_330 = vector.extract %reduce_max3A_329[15] : i32 from vector<16xi32>
      %jit3A_331 = arith.constant 0 : i32
      %broadcast_in_dim3A_332 = vector.broadcast %jit3A_331 : i32 to vector<16xi32>
      %select_n3A_333 = arith.select %eq3A_319, %get3A_100, %broadcast_in_dim3A_332 : vector<16xi1>, vector<16xi32>
      %reduce_max3A_334 = arith.constant true
      %reduce_max3A_335 = vector.broadcast %reduce_max3A_334 : i1 to vector<16xi1>
      %reduce_max3A_336 = arith.constant -2147483648 : i32
      %reduce_max3A_337 = vector.broadcast %reduce_max3A_336 : i32 to vector<16xi32>
      %reduce_max3A_338 = arith.xori %select_n3A_333, %reduce_max3A_337 : vector<16xi32>
      %reduce_max3A_339 = tpu.scan <max>, %reduce_max3A_338 masked %reduce_max3A_335 : vector<16xi32>, vector<16xi1> -> vector<16xi32>
      %reduce_max3A_340 = arith.xori %reduce_max3A_339, %reduce_max3A_337 : vector<16xi32>
      %reduce_max3A_341 = vector.extract %reduce_max3A_340[15] : i32 from vector<16xi32>
      %dma_start3A_342 = arith.constant 0 : i32
      %dma_start3A_343 = tpu.memref_slice %arg8[%add3A_316, %dma_start3A_342] : memref<512x128xf32, #tpu.memory_space<vmem>> -> memref<1x100xf32, #tpu.memory_space<vmem>>
      %dma_start3A_344 = tpu.memref_squeeze %dma_start3A_343 : memref<1x100xf32, #tpu.memory_space<vmem>> -> memref<100xf32, #tpu.memory_space<vmem>>
      %dma_start3A_345 = tpu.memref_reshape %arg2 : memref<1000000x100xf32, #tpu.memory_space<hbm>> -> memref<125000x8x100xf32, #tpu.memory_space<hbm>>
      %dma_start3A_346 = arith.constant 0 : i32
      %dma_start3A_347 = tpu.memref_slice %dma_start3A_345[%reduce_max3A_330, %reduce_max3A_341, %dma_start3A_346] : memref<125000x8x100xf32, #tpu.memory_space<hbm>> -> memref<1x1x100xf32, #tpu.memory_space<hbm>>
      %dma_start3A_348 = tpu.memref_squeeze %dma_start3A_347 : memref<1x1x100xf32, #tpu.memory_space<hbm>> -> memref<100xf32, #tpu.memory_space<hbm>>
      %dma_start3A_349 = arith.constant 0 : i32
      %dma_start3A_350 = tpu.memref_slice %arg8[%add3A_316, %dma_start3A_349] : memref<512x128xf32, #tpu.memory_space<vmem>> -> memref<1x100xf32, #tpu.memory_space<vmem>>
      %dma_start3A_351 = tpu.memref_squeeze %dma_start3A_350 : memref<1x100xf32, #tpu.memory_space<vmem>> -> memref<100xf32, #tpu.memory_space<vmem>>
      %dma_start3A_352 = tpu.memref_reshape %arg2 : memref<1000000x100xf32, #tpu.memory_space<hbm>> -> memref<125000x8x100xf32, #tpu.memory_space<hbm>>
      %dma_start3A_353 = arith.constant 0 : i32
      %dma_start3A_354 = tpu.memref_slice %dma_start3A_352[%reduce_max3A_330, %reduce_max3A_341, %dma_start3A_353] : memref<125000x8x100xf32, #tpu.memory_space<hbm>> -> memref<1x1x100xf32, #tpu.memory_space<hbm>>
      %dma_start3A_355 = tpu.memref_squeeze %dma_start3A_354 : memref<1x1x100xf32, #tpu.memory_space<hbm>> -> memref<100xf32, #tpu.memory_space<hbm>>
      tpu.enqueue_dma source(%dma_start3A_355 : memref<100xf32, #tpu.memory_space<hbm>>) target(%dma_start3A_351 : memref<100xf32, #tpu.memory_space<vmem>>) target_semaphore(%arg9 : memref<!tpu.dma_semaphore, #tpu.memory_space<semaphore_mem>>)
      %mul3A_356 = arith.constant 16 : i32
      %mul3A_357 = arith.muli %scan3A_20, %mul3A_356 : i32
      %add3A_358 = arith.constant 6 : i32
      %add3A_359 = arith.addi %mul3A_357, %add3A_358 : i32
      %eq3A_360 = arith.constant 6 : i32
      %eq3A_361 = vector.broadcast %eq3A_360 : i32 to vector<16xi32>
      %eq3A_362 = arith.cmpi eq, %iota3A, %eq3A_361 : vector<16xi32>
      %jit3A_363 = arith.constant 0 : i32
      %broadcast_in_dim3A_364 = vector.broadcast %jit3A_363 : i32 to vector<16xi32>
      %select_n3A_365 = arith.select %eq3A_362, %get3A_55, %broadcast_in_dim3A_364 : vector<16xi1>, vector<16xi32>
      %reduce_max3A_366 = arith.constant true
      %reduce_max3A_367 = vector.broadcast %reduce_max3A_366 : i1 to vector<16xi1>
      %reduce_max3A_368 = arith.constant -2147483648 : i32
      %reduce_max3A_369 = vector.broadcast %reduce_max3A_368 : i32 to vector<16xi32>
      %reduce_max3A_370 = arith.xori %select_n3A_365, %reduce_max3A_369 : vector<16xi32>
      %reduce_max3A_371 = tpu.scan <max>, %reduce_max3A_370 masked %reduce_max3A_367 : vector<16xi32>, vector<16xi1> -> vector<16xi32>
      %reduce_max3A_372 = arith.xori %reduce_max3A_371, %reduce_max3A_369 : vector<16xi32>
      %reduce_max3A_373 = vector.extract %reduce_max3A_372[15] : i32 from vector<16xi32>
      %jit3A_374 = arith.constant 0 : i32
      %broadcast_in_dim3A_375 = vector.broadcast %jit3A_374 : i32 to vector<16xi32>
      %select_n3A_376 = arith.select %eq3A_362, %get3A_100, %broadcast_in_dim3A_375 : vector<16xi1>, vector<16xi32>
      %reduce_max3A_377 = arith.constant true
      %reduce_max3A_378 = vector.broadcast %reduce_max3A_377 : i1 to vector<16xi1>
      %reduce_max3A_379 = arith.constant -2147483648 : i32
      %reduce_max3A_380 = vector.broadcast %reduce_max3A_379 : i32 to vector<16xi32>
      %reduce_max3A_381 = arith.xori %select_n3A_376, %reduce_max3A_380 : vector<16xi32>
      %reduce_max3A_382 = tpu.scan <max>, %reduce_max3A_381 masked %reduce_max3A_378 : vector<16xi32>, vector<16xi1> -> vector<16xi32>
      %reduce_max3A_383 = arith.xori %reduce_max3A_382, %reduce_max3A_380 : vector<16xi32>
      %reduce_max3A_384 = vector.extract %reduce_max3A_383[15] : i32 from vector<16xi32>
      %dma_start3A_385 = arith.constant 0 : i32
      %dma_start3A_386 = tpu.memref_slice %arg8[%add3A_359, %dma_start3A_385] : memref<512x128xf32, #tpu.memory_space<vmem>> -> memref<1x100xf32, #tpu.memory_space<vmem>>
      %dma_start3A_387 = tpu.memref_squeeze %dma_start3A_386 : memref<1x100xf32, #tpu.memory_space<vmem>> -> memref<100xf32, #tpu.memory_space<vmem>>
      %dma_start3A_388 = tpu.memref_reshape %arg2 : memref<1000000x100xf32, #tpu.memory_space<hbm>> -> memref<125000x8x100xf32, #tpu.memory_space<hbm>>
      %dma_start3A_389 = arith.constant 0 : i32
      %dma_start3A_390 = tpu.memref_slice %dma_start3A_388[%reduce_max3A_373, %reduce_max3A_384, %dma_start3A_389] : memref<125000x8x100xf32, #tpu.memory_space<hbm>> -> memref<1x1x100xf32, #tpu.memory_space<hbm>>
      %dma_start3A_391 = tpu.memref_squeeze %dma_start3A_390 : memref<1x1x100xf32, #tpu.memory_space<hbm>> -> memref<100xf32, #tpu.memory_space<hbm>>
      %dma_start3A_392 = arith.constant 0 : i32
      %dma_start3A_393 = tpu.memref_slice %arg8[%add3A_359, %dma_start3A_392] : memref<512x128xf32, #tpu.memory_space<vmem>> -> memref<1x100xf32, #tpu.memory_space<vmem>>
      %dma_start3A_394 = tpu.memref_squeeze %dma_start3A_393 : memref<1x100xf32, #tpu.memory_space<vmem>> -> memref<100xf32, #tpu.memory_space<vmem>>
      %dma_start3A_395 = tpu.memref_reshape %arg2 : memref<1000000x100xf32, #tpu.memory_space<hbm>> -> memref<125000x8x100xf32, #tpu.memory_space<hbm>>
      %dma_start3A_396 = arith.constant 0 : i32
      %dma_start3A_397 = tpu.memref_slice %dma_start3A_395[%reduce_max3A_373, %reduce_max3A_384, %dma_start3A_396] : memref<125000x8x100xf32, #tpu.memory_space<hbm>> -> memref<1x1x100xf32, #tpu.memory_space<hbm>>
      %dma_start3A_398 = tpu.memref_squeeze %dma_start3A_397 : memref<1x1x100xf32, #tpu.memory_space<hbm>> -> memref<100xf32, #tpu.memory_space<hbm>>
      tpu.enqueue_dma source(%dma_start3A_398 : memref<100xf32, #tpu.memory_space<hbm>>) target(%dma_start3A_394 : memref<100xf32, #tpu.memory_space<vmem>>) target_semaphore(%arg9 : memref<!tpu.dma_semaphore, #tpu.memory_space<semaphore_mem>>)
      %mul3A_399 = arith.constant 16 : i32
      %mul3A_400 = arith.muli %scan3A_20, %mul3A_399 : i32
      %add3A_401 = arith.constant 7 : i32
      %add3A_402 = arith.addi %mul3A_400, %add3A_401 : i32
      %eq3A_403 = arith.constant 7 : i32
      %eq3A_404 = vector.broadcast %eq3A_403 : i32 to vector<16xi32>
      %eq3A_405 = arith.cmpi eq, %iota3A, %eq3A_404 : vector<16xi32>
      %jit3A_406 = arith.constant 0 : i32
      %broadcast_in_dim3A_407 = vector.broadcast %jit3A_406 : i32 to vector<16xi32>
      %select_n3A_408 = arith.select %eq3A_405, %get3A_55, %broadcast_in_dim3A_407 : vector<16xi1>, vector<16xi32>
      %reduce_max3A_409 = arith.constant true
      %reduce_max3A_410 = vector.broadcast %reduce_max3A_409 : i1 to vector<16xi1>
      %reduce_max3A_411 = arith.constant -2147483648 : i32
      %reduce_max3A_412 = vector.broadcast %reduce_max3A_411 : i32 to vector<16xi32>
      %reduce_max3A_413 = arith.xori %select_n3A_408, %reduce_max3A_412 : vector<16xi32>
      %reduce_max3A_414 = tpu.scan <max>, %reduce_max3A_413 masked %reduce_max3A_410 : vector<16xi32>, vector<16xi1> -> vector<16xi32>
      %reduce_max3A_415 = arith.xori %reduce_max3A_414, %reduce_max3A_412 : vector<16xi32>
      %reduce_max3A_416 = vector.extract %reduce_max3A_415[15] : i32 from vector<16xi32>
      %jit3A_417 = arith.constant 0 : i32
      %broadcast_in_dim3A_418 = vector.broadcast %jit3A_417 : i32 to vector<16xi32>
      %select_n3A_419 = arith.select %eq3A_405, %get3A_100, %broadcast_in_dim3A_418 : vector<16xi1>, vector<16xi32>
      %reduce_max3A_420 = arith.constant true
      %reduce_max3A_421 = vector.broadcast %reduce_max3A_420 : i1 to vector<16xi1>
      %reduce_max3A_422 = arith.constant -2147483648 : i32
      %reduce_max3A_423 = vector.broadcast %reduce_max3A_422 : i32 to vector<16xi32>
      %reduce_max3A_424 = arith.xori %select_n3A_419, %reduce_max3A_423 : vector<16xi32>
      %reduce_max3A_425 = tpu.scan <max>, %reduce_max3A_424 masked %reduce_max3A_421 : vector<16xi32>, vector<16xi1> -> vector<16xi32>
      %reduce_max3A_426 = arith.xori %reduce_max3A_425, %reduce_max3A_423 : vector<16xi32>
      %reduce_max3A_427 = vector.extract %reduce_max3A_426[15] : i32 from vector<16xi32>
      %dma_start3A_428 = arith.constant 0 : i32
      %dma_start3A_429 = tpu.memref_slice %arg8[%add3A_402, %dma_start3A_428] : memref<512x128xf32, #tpu.memory_space<vmem>> -> memref<1x100xf32, #tpu.memory_space<vmem>>
      %dma_start3A_430 = tpu.memref_squeeze %dma_start3A_429 : memref<1x100xf32, #tpu.memory_space<vmem>> -> memref<100xf32, #tpu.memory_space<vmem>>
      %dma_start3A_431 = tpu.memref_reshape %arg2 : memref<1000000x100xf32, #tpu.memory_space<hbm>> -> memref<125000x8x100xf32, #tpu.memory_space<hbm>>
      %dma_start3A_432 = arith.constant 0 : i32
      %dma_start3A_433 = tpu.memref_slice %dma_start3A_431[%reduce_max3A_416, %reduce_max3A_427, %dma_start3A_432] : memref<125000x8x100xf32, #tpu.memory_space<hbm>> -> memref<1x1x100xf32, #tpu.memory_space<hbm>>
      %dma_start3A_434 = tpu.memref_squeeze %dma_start3A_433 : memref<1x1x100xf32, #tpu.memory_space<hbm>> -> memref<100xf32, #tpu.memory_space<hbm>>
      %dma_start3A_435 = arith.constant 0 : i32
      %dma_start3A_436 = tpu.memref_slice %arg8[%add3A_402, %dma_start3A_435] : memref<512x128xf32, #tpu.memory_space<vmem>> -> memref<1x100xf32, #tpu.memory_space<vmem>>
      %dma_start3A_437 = tpu.memref_squeeze %dma_start3A_436 : memref<1x100xf32, #tpu.memory_space<vmem>> -> memref<100xf32, #tpu.memory_space<vmem>>
      %dma_start3A_438 = tpu.memref_reshape %arg2 : memref<1000000x100xf32, #tpu.memory_space<hbm>> -> memref<125000x8x100xf32, #tpu.memory_space<hbm>>
      %dma_start3A_439 = arith.constant 0 : i32
      %dma_start3A_440 = tpu.memref_slice %dma_start3A_438[%reduce_max3A_416, %reduce_max3A_427, %dma_start3A_439] : memref<125000x8x100xf32, #tpu.memory_space<hbm>> -> memref<1x1x100xf32, #tpu.memory_space<hbm>>
      %dma_start3A_441 = tpu.memref_squeeze %dma_start3A_440 : memref<1x1x100xf32, #tpu.memory_space<hbm>> -> memref<100xf32, #tpu.memory_space<hbm>>
      tpu.enqueue_dma source(%dma_start3A_441 : memref<100xf32, #tpu.memory_space<hbm>>) target(%dma_start3A_437 : memref<100xf32, #tpu.memory_space<vmem>>) target_semaphore(%arg9 : memref<!tpu.dma_semaphore, #tpu.memory_space<semaphore_mem>>)
      %mul3A_442 = arith.constant 16 : i32
      %mul3A_443 = arith.muli %scan3A_20, %mul3A_442 : i32
      %add3A_444 = arith.constant 8 : i32
      %add3A_445 = arith.addi %mul3A_443, %add3A_444 : i32
      %eq3A_446 = arith.constant 8 : i32
      %eq3A_447 = vector.broadcast %eq3A_446 : i32 to vector<16xi32>
      %eq3A_448 = arith.cmpi eq, %iota3A, %eq3A_447 : vector<16xi32>
      %jit3A_449 = arith.constant 0 : i32
      %broadcast_in_dim3A_450 = vector.broadcast %jit3A_449 : i32 to vector<16xi32>
      %select_n3A_451 = arith.select %eq3A_448, %get3A_55, %broadcast_in_dim3A_450 : vector<16xi1>, vector<16xi32>
      %reduce_max3A_452 = arith.constant true
      %reduce_max3A_453 = vector.broadcast %reduce_max3A_452 : i1 to vector<16xi1>
      %reduce_max3A_454 = arith.constant -2147483648 : i32
      %reduce_max3A_455 = vector.broadcast %reduce_max3A_454 : i32 to vector<16xi32>
      %reduce_max3A_456 = arith.xori %select_n3A_451, %reduce_max3A_455 : vector<16xi32>
      %reduce_max3A_457 = tpu.scan <max>, %reduce_max3A_456 masked %reduce_max3A_453 : vector<16xi32>, vector<16xi1> -> vector<16xi32>
      %reduce_max3A_458 = arith.xori %reduce_max3A_457, %reduce_max3A_455 : vector<16xi32>
      %reduce_max3A_459 = vector.extract %reduce_max3A_458[15] : i32 from vector<16xi32>
      %jit3A_460 = arith.constant 0 : i32
      %broadcast_in_dim3A_461 = vector.broadcast %jit3A_460 : i32 to vector<16xi32>
      %select_n3A_462 = arith.select %eq3A_448, %get3A_100, %broadcast_in_dim3A_461 : vector<16xi1>, vector<16xi32>
      %reduce_max3A_463 = arith.constant true
      %reduce_max3A_464 = vector.broadcast %reduce_max3A_463 : i1 to vector<16xi1>
      %reduce_max3A_465 = arith.constant -2147483648 : i32
      %reduce_max3A_466 = vector.broadcast %reduce_max3A_465 : i32 to vector<16xi32>
      %reduce_max3A_467 = arith.xori %select_n3A_462, %reduce_max3A_466 : vector<16xi32>
      %reduce_max3A_468 = tpu.scan <max>, %reduce_max3A_467 masked %reduce_max3A_464 : vector<16xi32>, vector<16xi1> -> vector<16xi32>
      %reduce_max3A_469 = arith.xori %reduce_max3A_468, %reduce_max3A_466 : vector<16xi32>
      %reduce_max3A_470 = vector.extract %reduce_max3A_469[15] : i32 from vector<16xi32>
      %dma_start3A_471 = arith.constant 0 : i32
      %dma_start3A_472 = tpu.memref_slice %arg8[%add3A_445, %dma_start3A_471] : memref<512x128xf32, #tpu.memory_space<vmem>> -> memref<1x100xf32, #tpu.memory_space<vmem>>
      %dma_start3A_473 = tpu.memref_squeeze %dma_start3A_472 : memref<1x100xf32, #tpu.memory_space<vmem>> -> memref<100xf32, #tpu.memory_space<vmem>>
      %dma_start3A_474 = tpu.memref_reshape %arg2 : memref<1000000x100xf32, #tpu.memory_space<hbm>> -> memref<125000x8x100xf32, #tpu.memory_space<hbm>>
      %dma_start3A_475 = arith.constant 0 : i32
      %dma_start3A_476 = tpu.memref_slice %dma_start3A_474[%reduce_max3A_459, %reduce_max3A_470, %dma_start3A_475] : memref<125000x8x100xf32, #tpu.memory_space<hbm>> -> memref<1x1x100xf32, #tpu.memory_space<hbm>>
      %dma_start3A_477 = tpu.memref_squeeze %dma_start3A_476 : memref<1x1x100xf32, #tpu.memory_space<hbm>> -> memref<100xf32, #tpu.memory_space<hbm>>
      %dma_start3A_478 = arith.constant 0 : i32
      %dma_start3A_479 = tpu.memref_slice %arg8[%add3A_445, %dma_start3A_478] : memref<512x128xf32, #tpu.memory_space<vmem>> -> memref<1x100xf32, #tpu.memory_space<vmem>>
      %dma_start3A_480 = tpu.memref_squeeze %dma_start3A_479 : memref<1x100xf32, #tpu.memory_space<vmem>> -> memref<100xf32, #tpu.memory_space<vmem>>
      %dma_start3A_481 = tpu.memref_reshape %arg2 : memref<1000000x100xf32, #tpu.memory_space<hbm>> -> memref<125000x8x100xf32, #tpu.memory_space<hbm>>
      %dma_start3A_482 = arith.constant 0 : i32
      %dma_start3A_483 = tpu.memref_slice %dma_start3A_481[%reduce_max3A_459, %reduce_max3A_470, %dma_start3A_482] : memref<125000x8x100xf32, #tpu.memory_space<hbm>> -> memref<1x1x100xf32, #tpu.memory_space<hbm>>
      %dma_start3A_484 = tpu.memref_squeeze %dma_start3A_483 : memref<1x1x100xf32, #tpu.memory_space<hbm>> -> memref<100xf32, #tpu.memory_space<hbm>>
      tpu.enqueue_dma source(%dma_start3A_484 : memref<100xf32, #tpu.memory_space<hbm>>) target(%dma_start3A_480 : memref<100xf32, #tpu.memory_space<vmem>>) target_semaphore(%arg9 : memref<!tpu.dma_semaphore, #tpu.memory_space<semaphore_mem>>)
      %mul3A_485 = arith.constant 16 : i32
      %mul3A_486 = arith.muli %scan3A_20, %mul3A_485 : i32
      %add3A_487 = arith.constant 9 : i32
      %add3A_488 = arith.addi %mul3A_486, %add3A_487 : i32
      %eq3A_489 = arith.constant 9 : i32
      %eq3A_490 = vector.broadcast %eq3A_489 : i32 to vector<16xi32>
      %eq3A_491 = arith.cmpi eq, %iota3A, %eq3A_490 : vector<16xi32>
      %jit3A_492 = arith.constant 0 : i32
      %broadcast_in_dim3A_493 = vector.broadcast %jit3A_492 : i32 to vector<16xi32>
      %select_n3A_494 = arith.select %eq3A_491, %get3A_55, %broadcast_in_dim3A_493 : vector<16xi1>, vector<16xi32>
      %reduce_max3A_495 = arith.constant true
      %reduce_max3A_496 = vector.broadcast %reduce_max3A_495 : i1 to vector<16xi1>
      %reduce_max3A_497 = arith.constant -2147483648 : i32
      %reduce_max3A_498 = vector.broadcast %reduce_max3A_497 : i32 to vector<16xi32>
      %reduce_max3A_499 = arith.xori %select_n3A_494, %reduce_max3A_498 : vector<16xi32>
      %reduce_max3A_500 = tpu.scan <max>, %reduce_max3A_499 masked %reduce_max3A_496 : vector<16xi32>, vector<16xi1> -> vector<16xi32>
      %reduce_max3A_501 = arith.xori %reduce_max3A_500, %reduce_max3A_498 : vector<16xi32>
      %reduce_max3A_502 = vector.extract %reduce_max3A_501[15] : i32 from vector<16xi32>
      %jit3A_503 = arith.constant 0 : i32
      %broadcast_in_dim3A_504 = vector.broadcast %jit3A_503 : i32 to vector<16xi32>
      %select_n3A_505 = arith.select %eq3A_491, %get3A_100, %broadcast_in_dim3A_504 : vector<16xi1>, vector<16xi32>
      %reduce_max3A_506 = arith.constant true
      %reduce_max3A_507 = vector.broadcast %reduce_max3A_506 : i1 to vector<16xi1>
      %reduce_max3A_508 = arith.constant -2147483648 : i32
      %reduce_max3A_509 = vector.broadcast %reduce_max3A_508 : i32 to vector<16xi32>
      %reduce_max3A_510 = arith.xori %select_n3A_505, %reduce_max3A_509 : vector<16xi32>
      %reduce_max3A_511 = tpu.scan <max>, %reduce_max3A_510 masked %reduce_max3A_507 : vector<16xi32>, vector<16xi1> -> vector<16xi32>
      %reduce_max3A_512 = arith.xori %reduce_max3A_511, %reduce_max3A_509 : vector<16xi32>
      %reduce_max3A_513 = vector.extract %reduce_max3A_512[15] : i32 from vector<16xi32>
      %dma_start3A_514 = arith.constant 0 : i32
      %dma_start3A_515 = tpu.memref_slice %arg8[%add3A_488, %dma_start3A_514] : memref<512x128xf32, #tpu.memory_space<vmem>> -> memref<1x100xf32, #tpu.memory_space<vmem>>
      %dma_start3A_516 = tpu.memref_squeeze %dma_start3A_515 : memref<1x100xf32, #tpu.memory_space<vmem>> -> memref<100xf32, #tpu.memory_space<vmem>>
      %dma_start3A_517 = tpu.memref_reshape %arg2 : memref<1000000x100xf32, #tpu.memory_space<hbm>> -> memref<125000x8x100xf32, #tpu.memory_space<hbm>>
      %dma_start3A_518 = arith.constant 0 : i32
      %dma_start3A_519 = tpu.memref_slice %dma_start3A_517[%reduce_max3A_502, %reduce_max3A_513, %dma_start3A_518] : memref<125000x8x100xf32, #tpu.memory_space<hbm>> -> memref<1x1x100xf32, #tpu.memory_space<hbm>>
      %dma_start3A_520 = tpu.memref_squeeze %dma_start3A_519 : memref<1x1x100xf32, #tpu.memory_space<hbm>> -> memref<100xf32, #tpu.memory_space<hbm>>
      %dma_start3A_521 = arith.constant 0 : i32
      %dma_start3A_522 = tpu.memref_slice %arg8[%add3A_488, %dma_start3A_521] : memref<512x128xf32, #tpu.memory_space<vmem>> -> memref<1x100xf32, #tpu.memory_space<vmem>>
      %dma_start3A_523 = tpu.memref_squeeze %dma_start3A_522 : memref<1x100xf32, #tpu.memory_space<vmem>> -> memref<100xf32, #tpu.memory_space<vmem>>
      %dma_start3A_524 = tpu.memref_reshape %arg2 : memref<1000000x100xf32, #tpu.memory_space<hbm>> -> memref<125000x8x100xf32, #tpu.memory_space<hbm>>
      %dma_start3A_525 = arith.constant 0 : i32
      %dma_start3A_526 = tpu.memref_slice %dma_start3A_524[%reduce_max3A_502, %reduce_max3A_513, %dma_start3A_525] : memref<125000x8x100xf32, #tpu.memory_space<hbm>> -> memref<1x1x100xf32, #tpu.memory_space<hbm>>
      %dma_start3A_527 = tpu.memref_squeeze %dma_start3A_526 : memref<1x1x100xf32, #tpu.memory_space<hbm>> -> memref<100xf32, #tpu.memory_space<hbm>>
      tpu.enqueue_dma source(%dma_start3A_527 : memref<100xf32, #tpu.memory_space<hbm>>) target(%dma_start3A_523 : memref<100xf32, #tpu.memory_space<vmem>>) target_semaphore(%arg9 : memref<!tpu.dma_semaphore, #tpu.memory_space<semaphore_mem>>)
      %mul3A_528 = arith.constant 16 : i32
      %mul3A_529 = arith.muli %scan3A_20, %mul3A_528 : i32
      %add3A_530 = arith.constant 10 : i32
      %add3A_531 = arith.addi %mul3A_529, %add3A_530 : i32
      %eq3A_532 = arith.constant 10 : i32
      %eq3A_533 = vector.broadcast %eq3A_532 : i32 to vector<16xi32>
      %eq3A_534 = arith.cmpi eq, %iota3A, %eq3A_533 : vector<16xi32>
      %jit3A_535 = arith.constant 0 : i32
      %broadcast_in_dim3A_536 = vector.broadcast %jit3A_535 : i32 to vector<16xi32>
      %select_n3A_537 = arith.select %eq3A_534, %get3A_55, %broadcast_in_dim3A_536 : vector<16xi1>, vector<16xi32>
      %reduce_max3A_538 = arith.constant true
      %reduce_max3A_539 = vector.broadcast %reduce_max3A_538 : i1 to vector<16xi1>
      %reduce_max3A_540 = arith.constant -2147483648 : i32
      %reduce_max3A_541 = vector.broadcast %reduce_max3A_540 : i32 to vector<16xi32>
      %reduce_max3A_542 = arith.xori %select_n3A_537, %reduce_max3A_541 : vector<16xi32>
      %reduce_max3A_543 = tpu.scan <max>, %reduce_max3A_542 masked %reduce_max3A_539 : vector<16xi32>, vector<16xi1> -> vector<16xi32>
      %reduce_max3A_544 = arith.xori %reduce_max3A_543, %reduce_max3A_541 : vector<16xi32>
      %reduce_max3A_545 = vector.extract %reduce_max3A_544[15] : i32 from vector<16xi32>
      %jit3A_546 = arith.constant 0 : i32
      %broadcast_in_dim3A_547 = vector.broadcast %jit3A_546 : i32 to vector<16xi32>
      %select_n3A_548 = arith.select %eq3A_534, %get3A_100, %broadcast_in_dim3A_547 : vector<16xi1>, vector<16xi32>
      %reduce_max3A_549 = arith.constant true
      %reduce_max3A_550 = vector.broadcast %reduce_max3A_549 : i1 to vector<16xi1>
      %reduce_max3A_551 = arith.constant -2147483648 : i32
      %reduce_max3A_552 = vector.broadcast %reduce_max3A_551 : i32 to vector<16xi32>
      %reduce_max3A_553 = arith.xori %select_n3A_548, %reduce_max3A_552 : vector<16xi32>
      %reduce_max3A_554 = tpu.scan <max>, %reduce_max3A_553 masked %reduce_max3A_550 : vector<16xi32>, vector<16xi1> -> vector<16xi32>
      %reduce_max3A_555 = arith.xori %reduce_max3A_554, %reduce_max3A_552 : vector<16xi32>
      %reduce_max3A_556 = vector.extract %reduce_max3A_555[15] : i32 from vector<16xi32>
      %dma_start3A_557 = arith.constant 0 : i32
      %dma_start3A_558 = tpu.memref_slice %arg8[%add3A_531, %dma_start3A_557] : memref<512x128xf32, #tpu.memory_space<vmem>> -> memref<1x100xf32, #tpu.memory_space<vmem>>
      %dma_start3A_559 = tpu.memref_squeeze %dma_start3A_558 : memref<1x100xf32, #tpu.memory_space<vmem>> -> memref<100xf32, #tpu.memory_space<vmem>>
      %dma_start3A_560 = tpu.memref_reshape %arg2 : memref<1000000x100xf32, #tpu.memory_space<hbm>> -> memref<125000x8x100xf32, #tpu.memory_space<hbm>>
      %dma_start3A_561 = arith.constant 0 : i32
      %dma_start3A_562 = tpu.memref_slice %dma_start3A_560[%reduce_max3A_545, %reduce_max3A_556, %dma_start3A_561] : memref<125000x8x100xf32, #tpu.memory_space<hbm>> -> memref<1x1x100xf32, #tpu.memory_space<hbm>>
      %dma_start3A_563 = tpu.memref_squeeze %dma_start3A_562 : memref<1x1x100xf32, #tpu.memory_space<hbm>> -> memref<100xf32, #tpu.memory_space<hbm>>
      %dma_start3A_564 = arith.constant 0 : i32
      %dma_start3A_565 = tpu.memref_slice %arg8[%add3A_531, %dma_start3A_564] : memref<512x128xf32, #tpu.memory_space<vmem>> -> memref<1x100xf32, #tpu.memory_space<vmem>>
      %dma_start3A_566 = tpu.memref_squeeze %dma_start3A_565 : memref<1x100xf32, #tpu.memory_space<vmem>> -> memref<100xf32, #tpu.memory_space<vmem>>
      %dma_start3A_567 = tpu.memref_reshape %arg2 : memref<1000000x100xf32, #tpu.memory_space<hbm>> -> memref<125000x8x100xf32, #tpu.memory_space<hbm>>
      %dma_start3A_568 = arith.constant 0 : i32
      %dma_start3A_569 = tpu.memref_slice %dma_start3A_567[%reduce_max3A_545, %reduce_max3A_556, %dma_start3A_568] : memref<125000x8x100xf32, #tpu.memory_space<hbm>> -> memref<1x1x100xf32, #tpu.memory_space<hbm>>
      %dma_start3A_570 = tpu.memref_squeeze %dma_start3A_569 : memref<1x1x100xf32, #tpu.memory_space<hbm>> -> memref<100xf32, #tpu.memory_space<hbm>>
      tpu.enqueue_dma source(%dma_start3A_570 : memref<100xf32, #tpu.memory_space<hbm>>) target(%dma_start3A_566 : memref<100xf32, #tpu.memory_space<vmem>>) target_semaphore(%arg9 : memref<!tpu.dma_semaphore, #tpu.memory_space<semaphore_mem>>)
      %mul3A_571 = arith.constant 16 : i32
      %mul3A_572 = arith.muli %scan3A_20, %mul3A_571 : i32
      %add3A_573 = arith.constant 11 : i32
      %add3A_574 = arith.addi %mul3A_572, %add3A_573 : i32
      %eq3A_575 = arith.constant 11 : i32
      %eq3A_576 = vector.broadcast %eq3A_575 : i32 to vector<16xi32>
      %eq3A_577 = arith.cmpi eq, %iota3A, %eq3A_576 : vector<16xi32>
      %jit3A_578 = arith.constant 0 : i32
      %broadcast_in_dim3A_579 = vector.broadcast %jit3A_578 : i32 to vector<16xi32>
      %select_n3A_580 = arith.select %eq3A_577, %get3A_55, %broadcast_in_dim3A_579 : vector<16xi1>, vector<16xi32>
      %reduce_max3A_581 = arith.constant true
      %reduce_max3A_582 = vector.broadcast %reduce_max3A_581 : i1 to vector<16xi1>
      %reduce_max3A_583 = arith.constant -2147483648 : i32
      %reduce_max3A_584 = vector.broadcast %reduce_max3A_583 : i32 to vector<16xi32>
      %reduce_max3A_585 = arith.xori %select_n3A_580, %reduce_max3A_584 : vector<16xi32>
      %reduce_max3A_586 = tpu.scan <max>, %reduce_max3A_585 masked %reduce_max3A_582 : vector<16xi32>, vector<16xi1> -> vector<16xi32>
      %reduce_max3A_587 = arith.xori %reduce_max3A_586, %reduce_max3A_584 : vector<16xi32>
      %reduce_max3A_588 = vector.extract %reduce_max3A_587[15] : i32 from vector<16xi32>
      %jit3A_589 = arith.constant 0 : i32
      %broadcast_in_dim3A_590 = vector.broadcast %jit3A_589 : i32 to vector<16xi32>
      %select_n3A_591 = arith.select %eq3A_577, %get3A_100, %broadcast_in_dim3A_590 : vector<16xi1>, vector<16xi32>
      %reduce_max3A_592 = arith.constant true
      %reduce_max3A_593 = vector.broadcast %reduce_max3A_592 : i1 to vector<16xi1>
      %reduce_max3A_594 = arith.constant -2147483648 : i32
      %reduce_max3A_595 = vector.broadcast %reduce_max3A_594 : i32 to vector<16xi32>
      %reduce_max3A_596 = arith.xori %select_n3A_591, %reduce_max3A_595 : vector<16xi32>
      %reduce_max3A_597 = tpu.scan <max>, %reduce_max3A_596 masked %reduce_max3A_593 : vector<16xi32>, vector<16xi1> -> vector<16xi32>
      %reduce_max3A_598 = arith.xori %reduce_max3A_597, %reduce_max3A_595 : vector<16xi32>
      %reduce_max3A_599 = vector.extract %reduce_max3A_598[15] : i32 from vector<16xi32>
      %dma_start3A_600 = arith.constant 0 : i32
      %dma_start3A_601 = tpu.memref_slice %arg8[%add3A_574, %dma_start3A_600] : memref<512x128xf32, #tpu.memory_space<vmem>> -> memref<1x100xf32, #tpu.memory_space<vmem>>
      %dma_start3A_602 = tpu.memref_squeeze %dma_start3A_601 : memref<1x100xf32, #tpu.memory_space<vmem>> -> memref<100xf32, #tpu.memory_space<vmem>>
      %dma_start3A_603 = tpu.memref_reshape %arg2 : memref<1000000x100xf32, #tpu.memory_space<hbm>> -> memref<125000x8x100xf32, #tpu.memory_space<hbm>>
      %dma_start3A_604 = arith.constant 0 : i32
      %dma_start3A_605 = tpu.memref_slice %dma_start3A_603[%reduce_max3A_588, %reduce_max3A_599, %dma_start3A_604] : memref<125000x8x100xf32, #tpu.memory_space<hbm>> -> memref<1x1x100xf32, #tpu.memory_space<hbm>>
      %dma_start3A_606 = tpu.memref_squeeze %dma_start3A_605 : memref<1x1x100xf32, #tpu.memory_space<hbm>> -> memref<100xf32, #tpu.memory_space<hbm>>
      %dma_start3A_607 = arith.constant 0 : i32
      %dma_start3A_608 = tpu.memref_slice %arg8[%add3A_574, %dma_start3A_607] : memref<512x128xf32, #tpu.memory_space<vmem>> -> memref<1x100xf32, #tpu.memory_space<vmem>>
      %dma_start3A_609 = tpu.memref_squeeze %dma_start3A_608 : memref<1x100xf32, #tpu.memory_space<vmem>> -> memref<100xf32, #tpu.memory_space<vmem>>
      %dma_start3A_610 = tpu.memref_reshape %arg2 : memref<1000000x100xf32, #tpu.memory_space<hbm>> -> memref<125000x8x100xf32, #tpu.memory_space<hbm>>
      %dma_start3A_611 = arith.constant 0 : i32
      %dma_start3A_612 = tpu.memref_slice %dma_start3A_610[%reduce_max3A_588, %reduce_max3A_599, %dma_start3A_611] : memref<125000x8x100xf32, #tpu.memory_space<hbm>> -> memref<1x1x100xf32, #tpu.memory_space<hbm>>
      %dma_start3A_613 = tpu.memref_squeeze %dma_start3A_612 : memref<1x1x100xf32, #tpu.memory_space<hbm>> -> memref<100xf32, #tpu.memory_space<hbm>>
      tpu.enqueue_dma source(%dma_start3A_613 : memref<100xf32, #tpu.memory_space<hbm>>) target(%dma_start3A_609 : memref<100xf32, #tpu.memory_space<vmem>>) target_semaphore(%arg9 : memref<!tpu.dma_semaphore, #tpu.memory_space<semaphore_mem>>)
      %mul3A_614 = arith.constant 16 : i32
      %mul3A_615 = arith.muli %scan3A_20, %mul3A_614 : i32
      %add3A_616 = arith.constant 12 : i32
      %add3A_617 = arith.addi %mul3A_615, %add3A_616 : i32
      %eq3A_618 = arith.constant 12 : i32
      %eq3A_619 = vector.broadcast %eq3A_618 : i32 to vector<16xi32>
      %eq3A_620 = arith.cmpi eq, %iota3A, %eq3A_619 : vector<16xi32>
      %jit3A_621 = arith.constant 0 : i32
      %broadcast_in_dim3A_622 = vector.broadcast %jit3A_621 : i32 to vector<16xi32>
      %select_n3A_623 = arith.select %eq3A_620, %get3A_55, %broadcast_in_dim3A_622 : vector<16xi1>, vector<16xi32>
      %reduce_max3A_624 = arith.constant true
      %reduce_max3A_625 = vector.broadcast %reduce_max3A_624 : i1 to vector<16xi1>
      %reduce_max3A_626 = arith.constant -2147483648 : i32
      %reduce_max3A_627 = vector.broadcast %reduce_max3A_626 : i32 to vector<16xi32>
      %reduce_max3A_628 = arith.xori %select_n3A_623, %reduce_max3A_627 : vector<16xi32>
      %reduce_max3A_629 = tpu.scan <max>, %reduce_max3A_628 masked %reduce_max3A_625 : vector<16xi32>, vector<16xi1> -> vector<16xi32>
      %reduce_max3A_630 = arith.xori %reduce_max3A_629, %reduce_max3A_627 : vector<16xi32>
      %reduce_max3A_631 = vector.extract %reduce_max3A_630[15] : i32 from vector<16xi32>
      %jit3A_632 = arith.constant 0 : i32
      %broadcast_in_dim3A_633 = vector.broadcast %jit3A_632 : i32 to vector<16xi32>
      %select_n3A_634 = arith.select %eq3A_620, %get3A_100, %broadcast_in_dim3A_633 : vector<16xi1>, vector<16xi32>
      %reduce_max3A_635 = arith.constant true
      %reduce_max3A_636 = vector.broadcast %reduce_max3A_635 : i1 to vector<16xi1>
      %reduce_max3A_637 = arith.constant -2147483648 : i32
      %reduce_max3A_638 = vector.broadcast %reduce_max3A_637 : i32 to vector<16xi32>
      %reduce_max3A_639 = arith.xori %select_n3A_634, %reduce_max3A_638 : vector<16xi32>
      %reduce_max3A_640 = tpu.scan <max>, %reduce_max3A_639 masked %reduce_max3A_636 : vector<16xi32>, vector<16xi1> -> vector<16xi32>
      %reduce_max3A_641 = arith.xori %reduce_max3A_640, %reduce_max3A_638 : vector<16xi32>
      %reduce_max3A_642 = vector.extract %reduce_max3A_641[15] : i32 from vector<16xi32>
      %dma_start3A_643 = arith.constant 0 : i32
      %dma_start3A_644 = tpu.memref_slice %arg8[%add3A_617, %dma_start3A_643] : memref<512x128xf32, #tpu.memory_space<vmem>> -> memref<1x100xf32, #tpu.memory_space<vmem>>
      %dma_start3A_645 = tpu.memref_squeeze %dma_start3A_644 : memref<1x100xf32, #tpu.memory_space<vmem>> -> memref<100xf32, #tpu.memory_space<vmem>>
      %dma_start3A_646 = tpu.memref_reshape %arg2 : memref<1000000x100xf32, #tpu.memory_space<hbm>> -> memref<125000x8x100xf32, #tpu.memory_space<hbm>>
      %dma_start3A_647 = arith.constant 0 : i32
      %dma_start3A_648 = tpu.memref_slice %dma_start3A_646[%reduce_max3A_631, %reduce_max3A_642, %dma_start3A_647] : memref<125000x8x100xf32, #tpu.memory_space<hbm>> -> memref<1x1x100xf32, #tpu.memory_space<hbm>>
      %dma_start3A_649 = tpu.memref_squeeze %dma_start3A_648 : memref<1x1x100xf32, #tpu.memory_space<hbm>> -> memref<100xf32, #tpu.memory_space<hbm>>
      %dma_start3A_650 = arith.constant 0 : i32
      %dma_start3A_651 = tpu.memref_slice %arg8[%add3A_617, %dma_start3A_650] : memref<512x128xf32, #tpu.memory_space<vmem>> -> memref<1x100xf32, #tpu.memory_space<vmem>>
      %dma_start3A_652 = tpu.memref_squeeze %dma_start3A_651 : memref<1x100xf32, #tpu.memory_space<vmem>> -> memref<100xf32, #tpu.memory_space<vmem>>
      %dma_start3A_653 = tpu.memref_reshape %arg2 : memref<1000000x100xf32, #tpu.memory_space<hbm>> -> memref<125000x8x100xf32, #tpu.memory_space<hbm>>
      %dma_start3A_654 = arith.constant 0 : i32
      %dma_start3A_655 = tpu.memref_slice %dma_start3A_653[%reduce_max3A_631, %reduce_max3A_642, %dma_start3A_654] : memref<125000x8x100xf32, #tpu.memory_space<hbm>> -> memref<1x1x100xf32, #tpu.memory_space<hbm>>
      %dma_start3A_656 = tpu.memref_squeeze %dma_start3A_655 : memref<1x1x100xf32, #tpu.memory_space<hbm>> -> memref<100xf32, #tpu.memory_space<hbm>>
      tpu.enqueue_dma source(%dma_start3A_656 : memref<100xf32, #tpu.memory_space<hbm>>) target(%dma_start3A_652 : memref<100xf32, #tpu.memory_space<vmem>>) target_semaphore(%arg9 : memref<!tpu.dma_semaphore, #tpu.memory_space<semaphore_mem>>)
      %mul3A_657 = arith.constant 16 : i32
      %mul3A_658 = arith.muli %scan3A_20, %mul3A_657 : i32
      %add3A_659 = arith.constant 13 : i32
      %add3A_660 = arith.addi %mul3A_658, %add3A_659 : i32
      %eq3A_661 = arith.constant 13 : i32
      %eq3A_662 = vector.broadcast %eq3A_661 : i32 to vector<16xi32>
      %eq3A_663 = arith.cmpi eq, %iota3A, %eq3A_662 : vector<16xi32>
      %jit3A_664 = arith.constant 0 : i32
      %broadcast_in_dim3A_665 = vector.broadcast %jit3A_664 : i32 to vector<16xi32>
      %select_n3A_666 = arith.select %eq3A_663, %get3A_55, %broadcast_in_dim3A_665 : vector<16xi1>, vector<16xi32>
      %reduce_max3A_667 = arith.constant true
      %reduce_max3A_668 = vector.broadcast %reduce_max3A_667 : i1 to vector<16xi1>
      %reduce_max3A_669 = arith.constant -2147483648 : i32
      %reduce_max3A_670 = vector.broadcast %reduce_max3A_669 : i32 to vector<16xi32>
      %reduce_max3A_671 = arith.xori %select_n3A_666, %reduce_max3A_670 : vector<16xi32>
      %reduce_max3A_672 = tpu.scan <max>, %reduce_max3A_671 masked %reduce_max3A_668 : vector<16xi32>, vector<16xi1> -> vector<16xi32>
      %reduce_max3A_673 = arith.xori %reduce_max3A_672, %reduce_max3A_670 : vector<16xi32>
      %reduce_max3A_674 = vector.extract %reduce_max3A_673[15] : i32 from vector<16xi32>
      %jit3A_675 = arith.constant 0 : i32
      %broadcast_in_dim3A_676 = vector.broadcast %jit3A_675 : i32 to vector<16xi32>
      %select_n3A_677 = arith.select %eq3A_663, %get3A_100, %broadcast_in_dim3A_676 : vector<16xi1>, vector<16xi32>
      %reduce_max3A_678 = arith.constant true
      %reduce_max3A_679 = vector.broadcast %reduce_max3A_678 : i1 to vector<16xi1>
      %reduce_max3A_680 = arith.constant -2147483648 : i32
      %reduce_max3A_681 = vector.broadcast %reduce_max3A_680 : i32 to vector<16xi32>
      %reduce_max3A_682 = arith.xori %select_n3A_677, %reduce_max3A_681 : vector<16xi32>
      %reduce_max3A_683 = tpu.scan <max>, %reduce_max3A_682 masked %reduce_max3A_679 : vector<16xi32>, vector<16xi1> -> vector<16xi32>
      %reduce_max3A_684 = arith.xori %reduce_max3A_683, %reduce_max3A_681 : vector<16xi32>
      %reduce_max3A_685 = vector.extract %reduce_max3A_684[15] : i32 from vector<16xi32>
      %dma_start3A_686 = arith.constant 0 : i32
      %dma_start3A_687 = tpu.memref_slice %arg8[%add3A_660, %dma_start3A_686] : memref<512x128xf32, #tpu.memory_space<vmem>> -> memref<1x100xf32, #tpu.memory_space<vmem>>
      %dma_start3A_688 = tpu.memref_squeeze %dma_start3A_687 : memref<1x100xf32, #tpu.memory_space<vmem>> -> memref<100xf32, #tpu.memory_space<vmem>>
      %dma_start3A_689 = tpu.memref_reshape %arg2 : memref<1000000x100xf32, #tpu.memory_space<hbm>> -> memref<125000x8x100xf32, #tpu.memory_space<hbm>>
      %dma_start3A_690 = arith.constant 0 : i32
      %dma_start3A_691 = tpu.memref_slice %dma_start3A_689[%reduce_max3A_674, %reduce_max3A_685, %dma_start3A_690] : memref<125000x8x100xf32, #tpu.memory_space<hbm>> -> memref<1x1x100xf32, #tpu.memory_space<hbm>>
      %dma_start3A_692 = tpu.memref_squeeze %dma_start3A_691 : memref<1x1x100xf32, #tpu.memory_space<hbm>> -> memref<100xf32, #tpu.memory_space<hbm>>
      %dma_start3A_693 = arith.constant 0 : i32
      %dma_start3A_694 = tpu.memref_slice %arg8[%add3A_660, %dma_start3A_693] : memref<512x128xf32, #tpu.memory_space<vmem>> -> memref<1x100xf32, #tpu.memory_space<vmem>>
      %dma_start3A_695 = tpu.memref_squeeze %dma_start3A_694 : memref<1x100xf32, #tpu.memory_space<vmem>> -> memref<100xf32, #tpu.memory_space<vmem>>
      %dma_start3A_696 = tpu.memref_reshape %arg2 : memref<1000000x100xf32, #tpu.memory_space<hbm>> -> memref<125000x8x100xf32, #tpu.memory_space<hbm>>
      %dma_start3A_697 = arith.constant 0 : i32
      %dma_start3A_698 = tpu.memref_slice %dma_start3A_696[%reduce_max3A_674, %reduce_max3A_685, %dma_start3A_697] : memref<125000x8x100xf32, #tpu.memory_space<hbm>> -> memref<1x1x100xf32, #tpu.memory_space<hbm>>
      %dma_start3A_699 = tpu.memref_squeeze %dma_start3A_698 : memref<1x1x100xf32, #tpu.memory_space<hbm>> -> memref<100xf32, #tpu.memory_space<hbm>>
      tpu.enqueue_dma source(%dma_start3A_699 : memref<100xf32, #tpu.memory_space<hbm>>) target(%dma_start3A_695 : memref<100xf32, #tpu.memory_space<vmem>>) target_semaphore(%arg9 : memref<!tpu.dma_semaphore, #tpu.memory_space<semaphore_mem>>)
      %mul3A_700 = arith.constant 16 : i32
      %mul3A_701 = arith.muli %scan3A_20, %mul3A_700 : i32
      %add3A_702 = arith.constant 14 : i32
      %add3A_703 = arith.addi %mul3A_701, %add3A_702 : i32
      %eq3A_704 = arith.constant 14 : i32
      %eq3A_705 = vector.broadcast %eq3A_704 : i32 to vector<16xi32>
      %eq3A_706 = arith.cmpi eq, %iota3A, %eq3A_705 : vector<16xi32>
      %jit3A_707 = arith.constant 0 : i32
      %broadcast_in_dim3A_708 = vector.broadcast %jit3A_707 : i32 to vector<16xi32>
      %select_n3A_709 = arith.select %eq3A_706, %get3A_55, %broadcast_in_dim3A_708 : vector<16xi1>, vector<16xi32>
      %reduce_max3A_710 = arith.constant true
      %reduce_max3A_711 = vector.broadcast %reduce_max3A_710 : i1 to vector<16xi1>
      %reduce_max3A_712 = arith.constant -2147483648 : i32
      %reduce_max3A_713 = vector.broadcast %reduce_max3A_712 : i32 to vector<16xi32>
      %reduce_max3A_714 = arith.xori %select_n3A_709, %reduce_max3A_713 : vector<16xi32>
      %reduce_max3A_715 = tpu.scan <max>, %reduce_max3A_714 masked %reduce_max3A_711 : vector<16xi32>, vector<16xi1> -> vector<16xi32>
      %reduce_max3A_716 = arith.xori %reduce_max3A_715, %reduce_max3A_713 : vector<16xi32>
      %reduce_max3A_717 = vector.extract %reduce_max3A_716[15] : i32 from vector<16xi32>
      %jit3A_718 = arith.constant 0 : i32
      %broadcast_in_dim3A_719 = vector.broadcast %jit3A_718 : i32 to vector<16xi32>
      %select_n3A_720 = arith.select %eq3A_706, %get3A_100, %broadcast_in_dim3A_719 : vector<16xi1>, vector<16xi32>
      %reduce_max3A_721 = arith.constant true
      %reduce_max3A_722 = vector.broadcast %reduce_max3A_721 : i1 to vector<16xi1>
      %reduce_max3A_723 = arith.constant -2147483648 : i32
      %reduce_max3A_724 = vector.broadcast %reduce_max3A_723 : i32 to vector<16xi32>
      %reduce_max3A_725 = arith.xori %select_n3A_720, %reduce_max3A_724 : vector<16xi32>
      %reduce_max3A_726 = tpu.scan <max>, %reduce_max3A_725 masked %reduce_max3A_722 : vector<16xi32>, vector<16xi1> -> vector<16xi32>
      %reduce_max3A_727 = arith.xori %reduce_max3A_726, %reduce_max3A_724 : vector<16xi32>
      %reduce_max3A_728 = vector.extract %reduce_max3A_727[15] : i32 from vector<16xi32>
      %dma_start3A_729 = arith.constant 0 : i32
      %dma_start3A_730 = tpu.memref_slice %arg8[%add3A_703, %dma_start3A_729] : memref<512x128xf32, #tpu.memory_space<vmem>> -> memref<1x100xf32, #tpu.memory_space<vmem>>
      %dma_start3A_731 = tpu.memref_squeeze %dma_start3A_730 : memref<1x100xf32, #tpu.memory_space<vmem>> -> memref<100xf32, #tpu.memory_space<vmem>>
      %dma_start3A_732 = tpu.memref_reshape %arg2 : memref<1000000x100xf32, #tpu.memory_space<hbm>> -> memref<125000x8x100xf32, #tpu.memory_space<hbm>>
      %dma_start3A_733 = arith.constant 0 : i32
      %dma_start3A_734 = tpu.memref_slice %dma_start3A_732[%reduce_max3A_717, %reduce_max3A_728, %dma_start3A_733] : memref<125000x8x100xf32, #tpu.memory_space<hbm>> -> memref<1x1x100xf32, #tpu.memory_space<hbm>>
      %dma_start3A_735 = tpu.memref_squeeze %dma_start3A_734 : memref<1x1x100xf32, #tpu.memory_space<hbm>> -> memref<100xf32, #tpu.memory_space<hbm>>
      %dma_start3A_736 = arith.constant 0 : i32
      %dma_start3A_737 = tpu.memref_slice %arg8[%add3A_703, %dma_start3A_736] : memref<512x128xf32, #tpu.memory_space<vmem>> -> memref<1x100xf32, #tpu.memory_space<vmem>>
      %dma_start3A_738 = tpu.memref_squeeze %dma_start3A_737 : memref<1x100xf32, #tpu.memory_space<vmem>> -> memref<100xf32, #tpu.memory_space<vmem>>
      %dma_start3A_739 = tpu.memref_reshape %arg2 : memref<1000000x100xf32, #tpu.memory_space<hbm>> -> memref<125000x8x100xf32, #tpu.memory_space<hbm>>
      %dma_start3A_740 = arith.constant 0 : i32
      %dma_start3A_741 = tpu.memref_slice %dma_start3A_739[%reduce_max3A_717, %reduce_max3A_728, %dma_start3A_740] : memref<125000x8x100xf32, #tpu.memory_space<hbm>> -> memref<1x1x100xf32, #tpu.memory_space<hbm>>
      %dma_start3A_742 = tpu.memref_squeeze %dma_start3A_741 : memref<1x1x100xf32, #tpu.memory_space<hbm>> -> memref<100xf32, #tpu.memory_space<hbm>>
      tpu.enqueue_dma source(%dma_start3A_742 : memref<100xf32, #tpu.memory_space<hbm>>) target(%dma_start3A_738 : memref<100xf32, #tpu.memory_space<vmem>>) target_semaphore(%arg9 : memref<!tpu.dma_semaphore, #tpu.memory_space<semaphore_mem>>)
      %mul3A_743 = arith.constant 16 : i32
      %mul3A_744 = arith.muli %scan3A_20, %mul3A_743 : i32
      %add3A_745 = arith.constant 15 : i32
      %add3A_746 = arith.addi %mul3A_744, %add3A_745 : i32
      %eq3A_747 = arith.constant 15 : i32
      %eq3A_748 = vector.broadcast %eq3A_747 : i32 to vector<16xi32>
      %eq3A_749 = arith.cmpi eq, %iota3A, %eq3A_748 : vector<16xi32>
      %jit3A_750 = arith.constant 0 : i32
      %broadcast_in_dim3A_751 = vector.broadcast %jit3A_750 : i32 to vector<16xi32>
      %select_n3A_752 = arith.select %eq3A_749, %get3A_55, %broadcast_in_dim3A_751 : vector<16xi1>, vector<16xi32>
      %reduce_max3A_753 = arith.constant true
      %reduce_max3A_754 = vector.broadcast %reduce_max3A_753 : i1 to vector<16xi1>
      %reduce_max3A_755 = arith.constant -2147483648 : i32
      %reduce_max3A_756 = vector.broadcast %reduce_max3A_755 : i32 to vector<16xi32>
      %reduce_max3A_757 = arith.xori %select_n3A_752, %reduce_max3A_756 : vector<16xi32>
      %reduce_max3A_758 = tpu.scan <max>, %reduce_max3A_757 masked %reduce_max3A_754 : vector<16xi32>, vector<16xi1> -> vector<16xi32>
      %reduce_max3A_759 = arith.xori %reduce_max3A_758, %reduce_max3A_756 : vector<16xi32>
      %reduce_max3A_760 = vector.extract %reduce_max3A_759[15] : i32 from vector<16xi32>
      %jit3A_761 = arith.constant 0 : i32
      %broadcast_in_dim3A_762 = vector.broadcast %jit3A_761 : i32 to vector<16xi32>
      %select_n3A_763 = arith.select %eq3A_749, %get3A_100, %broadcast_in_dim3A_762 : vector<16xi1>, vector<16xi32>
      %reduce_max3A_764 = arith.constant true
      %reduce_max3A_765 = vector.broadcast %reduce_max3A_764 : i1 to vector<16xi1>
      %reduce_max3A_766 = arith.constant -2147483648 : i32
      %reduce_max3A_767 = vector.broadcast %reduce_max3A_766 : i32 to vector<16xi32>
      %reduce_max3A_768 = arith.xori %select_n3A_763, %reduce_max3A_767 : vector<16xi32>
      %reduce_max3A_769 = tpu.scan <max>, %reduce_max3A_768 masked %reduce_max3A_765 : vector<16xi32>, vector<16xi1> -> vector<16xi32>
      %reduce_max3A_770 = arith.xori %reduce_max3A_769, %reduce_max3A_767 : vector<16xi32>
      %reduce_max3A_771 = vector.extract %reduce_max3A_770[15] : i32 from vector<16xi32>
      %dma_start3A_772 = arith.constant 0 : i32
      %dma_start3A_773 = tpu.memref_slice %arg8[%add3A_746, %dma_start3A_772] : memref<512x128xf32, #tpu.memory_space<vmem>> -> memref<1x100xf32, #tpu.memory_space<vmem>>
      %dma_start3A_774 = tpu.memref_squeeze %dma_start3A_773 : memref<1x100xf32, #tpu.memory_space<vmem>> -> memref<100xf32, #tpu.memory_space<vmem>>
      %dma_start3A_775 = tpu.memref_reshape %arg2 : memref<1000000x100xf32, #tpu.memory_space<hbm>> -> memref<125000x8x100xf32, #tpu.memory_space<hbm>>
      %dma_start3A_776 = arith.constant 0 : i32
      %dma_start3A_777 = tpu.memref_slice %dma_start3A_775[%reduce_max3A_760, %reduce_max3A_771, %dma_start3A_776] : memref<125000x8x100xf32, #tpu.memory_space<hbm>> -> memref<1x1x100xf32, #tpu.memory_space<hbm>>
      %dma_start3A_778 = tpu.memref_squeeze %dma_start3A_777 : memref<1x1x100xf32, #tpu.memory_space<hbm>> -> memref<100xf32, #tpu.memory_space<hbm>>
      %dma_start3A_779 = arith.constant 0 : i32
      %dma_start3A_780 = tpu.memref_slice %arg8[%add3A_746, %dma_start3A_779] : memref<512x128xf32, #tpu.memory_space<vmem>> -> memref<1x100xf32, #tpu.memory_space<vmem>>
      %dma_start3A_781 = tpu.memref_squeeze %dma_start3A_780 : memref<1x100xf32, #tpu.memory_space<vmem>> -> memref<100xf32, #tpu.memory_space<vmem>>
      %dma_start3A_782 = tpu.memref_reshape %arg2 : memref<1000000x100xf32, #tpu.memory_space<hbm>> -> memref<125000x8x100xf32, #tpu.memory_space<hbm>>
      %dma_start3A_783 = arith.constant 0 : i32
      %dma_start3A_784 = tpu.memref_slice %dma_start3A_782[%reduce_max3A_760, %reduce_max3A_771, %dma_start3A_783] : memref<125000x8x100xf32, #tpu.memory_space<hbm>> -> memref<1x1x100xf32, #tpu.memory_space<hbm>>
      %dma_start3A_785 = tpu.memref_squeeze %dma_start3A_784 : memref<1x1x100xf32, #tpu.memory_space<hbm>> -> memref<100xf32, #tpu.memory_space<hbm>>
      tpu.enqueue_dma source(%dma_start3A_785 : memref<100xf32, #tpu.memory_space<hbm>>) target(%dma_start3A_781 : memref<100xf32, #tpu.memory_space<vmem>>) target_semaphore(%arg9 : memref<!tpu.dma_semaphore, #tpu.memory_space<semaphore_mem>>)
      %scan3A_786 = arith.constant 0 : i32
      scf.yield %scan3A_786 : i32
    }
    %scan3A_12 = arith.constant 32 : i32
    %scan3A_13 = arith.constant 0 : i32
    %scan3A_14 = arith.constant 0 : i32
    %scan3A_15 = arith.constant 512 : i32
    %scan3A_16 = arith.addi %scan3A_14, %scan3A_15 : i32
    %scan3A_17 = arith.constant 1 : i32
    %scan3A_18 = scf.for %scan3A_20 = %scan3A_14 to %scan3A_16 step %scan3A_17 iter_args(%scan3A_21 = %scan3A_13) -> (i32)  : i32 {
      %dma_wait3A = arith.constant 0 : i32
      %dma_wait3A_22 = arith.constant 0 : i32
      %dma_wait3A_23 = arith.constant 0 : i32
      %dma_wait3A_24 = arith.constant 0 : i32
      %dma_wait3A_25 = tpu.memref_slice %arg8[%dma_wait3A_23, %dma_wait3A_24] : memref<512x128xf32, #tpu.memory_space<vmem>> -> memref<1x100xf32, #tpu.memory_space<vmem>>
      %dma_wait3A_26 = tpu.memref_squeeze %dma_wait3A_25 : memref<1x100xf32, #tpu.memory_space<vmem>> -> memref<100xf32, #tpu.memory_space<vmem>>
      %dma_wait3A_27 = tpu.memref_reshape %arg2 : memref<1000000x100xf32, #tpu.memory_space<hbm>> -> memref<125000x8x100xf32, #tpu.memory_space<hbm>>
      %dma_wait3A_28 = arith.constant 0 : i32
      %dma_wait3A_29 = tpu.memref_slice %dma_wait3A_27[%dma_wait3A, %dma_wait3A_22, %dma_wait3A_28] : memref<125000x8x100xf32, #tpu.memory_space<hbm>> -> memref<1x1x100xf32, #tpu.memory_space<hbm>>
      %dma_wait3A_30 = tpu.memref_squeeze %dma_wait3A_29 : memref<1x1x100xf32, #tpu.memory_space<hbm>> -> memref<100xf32, #tpu.memory_space<hbm>>
      %dma_wait3A_31 = arith.constant 0 : i32
      %dma_wait3A_32 = tpu.memref_slice %arg8[%dma_wait3A_23, %dma_wait3A_31] : memref<512x128xf32, #tpu.memory_space<vmem>> -> memref<1x100xf32, #tpu.memory_space<vmem>>
      %dma_wait3A_33 = tpu.memref_squeeze %dma_wait3A_32 : memref<1x100xf32, #tpu.memory_space<vmem>> -> memref<100xf32, #tpu.memory_space<vmem>>
      %dma_wait3A_34 = tpu.memref_reshape %arg2 : memref<1000000x100xf32, #tpu.memory_space<hbm>> -> memref<125000x8x100xf32, #tpu.memory_space<hbm>>
      %dma_wait3A_35 = arith.constant 0 : i32
      %dma_wait3A_36 = tpu.memref_slice %dma_wait3A_34[%dma_wait3A, %dma_wait3A_22, %dma_wait3A_35] : memref<125000x8x100xf32, #tpu.memory_space<hbm>> -> memref<1x1x100xf32, #tpu.memory_space<hbm>>
      %dma_wait3A_37 = tpu.memref_squeeze %dma_wait3A_36 : memref<1x1x100xf32, #tpu.memory_space<hbm>> -> memref<100xf32, #tpu.memory_space<hbm>>
      tpu.wait_dma2 semaphore(%arg9 : memref<!tpu.dma_semaphore, #tpu.memory_space<semaphore_mem>>) src(%dma_wait3A_37 : memref<100xf32, #tpu.memory_space<hbm>>) dst(%dma_wait3A_33 : memref<100xf32, #tpu.memory_space<vmem>>)
      %scan3A_38 = arith.constant 0 : i32
      scf.yield %scan3A_38 : i32
    }
    %scan3A_19 = arith.constant 512 : i32
    "tpu.region"() ({
      %run_scoped3A = tpu.sem_alloc : memref<!tpu.dma_semaphore, #tpu.memory_space<semaphore_mem>>
      %dma_start3A = arith.constant 0 : i32
      %dma_start3A_20 = tpu.memref_slice %arg5[%mul3A_2, %dma_start3A] : memref<16384x128xf32, #tpu.memory_space<hbm>> -> memref<512x128xf32, #tpu.memory_space<hbm>>
      %dma_start3A_21 = arith.constant 0 : i32
      %dma_start3A_22 = tpu.memref_slice %arg5[%mul3A_2, %dma_start3A_21] : memref<16384x128xf32, #tpu.memory_space<hbm>> -> memref<512x128xf32, #tpu.memory_space<hbm>>
      tpu.enqueue_dma source(%arg8 : memref<512x128xf32, #tpu.memory_space<vmem>>) target(%dma_start3A_22 : memref<512x128xf32, #tpu.memory_space<hbm>>) target_semaphore(%run_scoped3A : memref<!tpu.dma_semaphore, #tpu.memory_space<semaphore_mem>>)
      %dma_wait3A = arith.constant 0 : i32
      %dma_wait3A_23 = tpu.memref_slice %arg5[%mul3A_2, %dma_wait3A] : memref<16384x128xf32, #tpu.memory_space<hbm>> -> memref<512x128xf32, #tpu.memory_space<hbm>>
      %dma_wait3A_24 = arith.constant 0 : i32
      %dma_wait3A_25 = tpu.memref_slice %arg5[%mul3A_2, %dma_wait3A_24] : memref<16384x128xf32, #tpu.memory_space<hbm>> -> memref<512x128xf32, #tpu.memory_space<hbm>>
      tpu.wait_dma2 semaphore(%run_scoped3A : memref<!tpu.dma_semaphore, #tpu.memory_space<semaphore_mem>>) src(%arg8 : memref<512x128xf32, #tpu.memory_space<vmem>>) dst(%dma_wait3A_25 : memref<512x128xf32, #tpu.memory_space<hbm>>)
      tpu.yield
    }) : () -> ()
    return
  }
}

#map = affine_map<(d0, d1) -> (0, 0, 0)>
#map1 = affine_map<(d0, d1) -> (0, 0)>
module attributes {stable_mosaic.version = 14 : i64} {
  func.func @_(%arg0: i32, %arg1: i32, %arg2: memref<32x128x128xi32, #tpu.memory_space<hbm>>, %arg3: memref<32x128x128xi32, #tpu.memory_space<hbm>>, %arg4: memref<32x16xi32, #tpu.memory_space<hbm>>, %arg5: memref<16384x100xf32, #tpu.memory_space<hbm>>, %arg6: memref<1000000x100xf32, #tpu.memory_space<hbm>>, %arg7: memref<1000000x100xf32, #tpu.memory_space<hbm>>, %arg8: memref<128x128xi32, #tpu.memory_space<vmem>>, %arg9: memref<128x128xi32, #tpu.memory_space<vmem>>, %arg10: memref<16xi32, #tpu.memory_space<vmem>>, %arg11: memref<!tpu.dma_semaphore, #tpu.memory_space<semaphore_mem>>) attributes {dimension_semantics = [#tpu.dimension_semantics<core_parallel>, #tpu.dimension_semantics<subcore_parallel>], iteration_bounds = array<i64: 2, 16>, scalar_prefetch = 0 : i64, scratch_operands = 4 : i64, tpu.core_type = #tpu.core_type<sc_vector_subcore>, window_params = [{transform_indices = #map}, {transform_indices = #map}, {transform_indices = #map1}, {transform_indices = #map1}, {transform_indices = #map1}, {transform_indices = #map1}]} {
    %mul3A = arith.constant 2 : i32
    %mul3A_0 = arith.muli %arg1, %mul3A : i32
    %add3A = arith.addi %mul3A_0, %arg0 : i32
    %mul3A_1 = arith.constant 31248 : i32
    %mul3A_2 = arith.muli %add3A, %mul3A_1 : i32
    %iota3A = tpu.iota {dimensions = array<i32: 0>} : vector<16xi32>
    "tpu.region"() ({
      %run_scoped3A = tpu.sem_alloc : memref<!tpu.dma_semaphore, #tpu.memory_space<semaphore_mem>>
      %dma_start3A = arith.constant 0 : i32
      %dma_start3A_50 = arith.constant 0 : i32
      %dma_start3A_51 = tpu.memref_slice %arg2[%add3A, %dma_start3A, %dma_start3A_50] : memref<32x128x128xi32, #tpu.memory_space<hbm>> -> memref<1x128x128xi32, #tpu.memory_space<hbm>>
      %dma_start3A_52 = tpu.memref_squeeze %dma_start3A_51 : memref<1x128x128xi32, #tpu.memory_space<hbm>> -> memref<128x128xi32, #tpu.memory_space<hbm>>
      %dma_start3A_53 = arith.constant 0 : i32
      %dma_start3A_54 = arith.constant 0 : i32
      %dma_start3A_55 = tpu.memref_slice %arg2[%add3A, %dma_start3A_53, %dma_start3A_54] : memref<32x128x128xi32, #tpu.memory_space<hbm>> -> memref<1x128x128xi32, #tpu.memory_space<hbm>>
      %dma_start3A_56 = tpu.memref_squeeze %dma_start3A_55 : memref<1x128x128xi32, #tpu.memory_space<hbm>> -> memref<128x128xi32, #tpu.memory_space<hbm>>
      tpu.enqueue_dma source(%dma_start3A_56 : memref<128x128xi32, #tpu.memory_space<hbm>>) target(%arg8 : memref<128x128xi32, #tpu.memory_space<vmem>>) target_semaphore(%run_scoped3A : memref<!tpu.dma_semaphore, #tpu.memory_space<semaphore_mem>>)
      %dma_wait3A = arith.constant 0 : i32
      %dma_wait3A_57 = arith.constant 0 : i32
      %dma_wait3A_58 = tpu.memref_slice %arg2[%add3A, %dma_wait3A, %dma_wait3A_57] : memref<32x128x128xi32, #tpu.memory_space<hbm>> -> memref<1x128x128xi32, #tpu.memory_space<hbm>>
      %dma_wait3A_59 = tpu.memref_squeeze %dma_wait3A_58 : memref<1x128x128xi32, #tpu.memory_space<hbm>> -> memref<128x128xi32, #tpu.memory_space<hbm>>
      %dma_wait3A_60 = arith.constant 0 : i32
      %dma_wait3A_61 = arith.constant 0 : i32
      %dma_wait3A_62 = tpu.memref_slice %arg2[%add3A, %dma_wait3A_60, %dma_wait3A_61] : memref<32x128x128xi32, #tpu.memory_space<hbm>> -> memref<1x128x128xi32, #tpu.memory_space<hbm>>
      %dma_wait3A_63 = tpu.memref_squeeze %dma_wait3A_62 : memref<1x128x128xi32, #tpu.memory_space<hbm>> -> memref<128x128xi32, #tpu.memory_space<hbm>>
      tpu.wait_dma2 semaphore(%run_scoped3A : memref<!tpu.dma_semaphore, #tpu.memory_space<semaphore_mem>>) src(%dma_wait3A_63 : memref<128x128xi32, #tpu.memory_space<hbm>>) dst(%arg8 : memref<128x128xi32, #tpu.memory_space<vmem>>)
      tpu.yield
    }) : () -> ()
    "tpu.region"() ({
      %run_scoped3A = tpu.sem_alloc : memref<!tpu.dma_semaphore, #tpu.memory_space<semaphore_mem>>
      %dma_start3A = arith.constant 0 : i32
      %dma_start3A_50 = arith.constant 0 : i32
      %dma_start3A_51 = tpu.memref_slice %arg3[%add3A, %dma_start3A, %dma_start3A_50] : memref<32x128x128xi32, #tpu.memory_space<hbm>> -> memref<1x128x128xi32, #tpu.memory_space<hbm>>
      %dma_start3A_52 = tpu.memref_squeeze %dma_start3A_51 : memref<1x128x128xi32, #tpu.memory_space<hbm>> -> memref<128x128xi32, #tpu.memory_space<hbm>>
      %dma_start3A_53 = arith.constant 0 : i32
      %dma_start3A_54 = arith.constant 0 : i32
      %dma_start3A_55 = tpu.memref_slice %arg3[%add3A, %dma_start3A_53, %dma_start3A_54] : memref<32x128x128xi32, #tpu.memory_space<hbm>> -> memref<1x128x128xi32, #tpu.memory_space<hbm>>
      %dma_start3A_56 = tpu.memref_squeeze %dma_start3A_55 : memref<1x128x128xi32, #tpu.memory_space<hbm>> -> memref<128x128xi32, #tpu.memory_space<hbm>>
      tpu.enqueue_dma source(%dma_start3A_56 : memref<128x128xi32, #tpu.memory_space<hbm>>) target(%arg9 : memref<128x128xi32, #tpu.memory_space<vmem>>) target_semaphore(%run_scoped3A : memref<!tpu.dma_semaphore, #tpu.memory_space<semaphore_mem>>)
      %dma_wait3A = arith.constant 0 : i32
      %dma_wait3A_57 = arith.constant 0 : i32
      %dma_wait3A_58 = tpu.memref_slice %arg3[%add3A, %dma_wait3A, %dma_wait3A_57] : memref<32x128x128xi32, #tpu.memory_space<hbm>> -> memref<1x128x128xi32, #tpu.memory_space<hbm>>
      %dma_wait3A_59 = tpu.memref_squeeze %dma_wait3A_58 : memref<1x128x128xi32, #tpu.memory_space<hbm>> -> memref<128x128xi32, #tpu.memory_space<hbm>>
      %dma_wait3A_60 = arith.constant 0 : i32
      %dma_wait3A_61 = arith.constant 0 : i32
      %dma_wait3A_62 = tpu.memref_slice %arg3[%add3A, %dma_wait3A_60, %dma_wait3A_61] : memref<32x128x128xi32, #tpu.memory_space<hbm>> -> memref<1x128x128xi32, #tpu.memory_space<hbm>>
      %dma_wait3A_63 = tpu.memref_squeeze %dma_wait3A_62 : memref<1x128x128xi32, #tpu.memory_space<hbm>> -> memref<128x128xi32, #tpu.memory_space<hbm>>
      tpu.wait_dma2 semaphore(%run_scoped3A : memref<!tpu.dma_semaphore, #tpu.memory_space<semaphore_mem>>) src(%dma_wait3A_63 : memref<128x128xi32, #tpu.memory_space<hbm>>) dst(%arg9 : memref<128x128xi32, #tpu.memory_space<vmem>>)
      tpu.yield
    }) : () -> ()
    "tpu.region"() ({
      %run_scoped3A = tpu.sem_alloc : memref<!tpu.dma_semaphore, #tpu.memory_space<semaphore_mem>>
      %dma_start3A = arith.constant 0 : i32
      %dma_start3A_50 = tpu.memref_slice %arg4[%add3A, %dma_start3A] : memref<32x16xi32, #tpu.memory_space<hbm>> -> memref<1x16xi32, #tpu.memory_space<hbm>>
      %dma_start3A_51 = tpu.memref_squeeze %dma_start3A_50 : memref<1x16xi32, #tpu.memory_space<hbm>> -> memref<16xi32, #tpu.memory_space<hbm>>
      %dma_start3A_52 = arith.constant 0 : i32
      %dma_start3A_53 = tpu.memref_slice %arg4[%add3A, %dma_start3A_52] : memref<32x16xi32, #tpu.memory_space<hbm>> -> memref<1x16xi32, #tpu.memory_space<hbm>>
      %dma_start3A_54 = tpu.memref_squeeze %dma_start3A_53 : memref<1x16xi32, #tpu.memory_space<hbm>> -> memref<16xi32, #tpu.memory_space<hbm>>
      tpu.enqueue_dma source(%dma_start3A_54 : memref<16xi32, #tpu.memory_space<hbm>>) target(%arg10 : memref<16xi32, #tpu.memory_space<vmem>>) target_semaphore(%run_scoped3A : memref<!tpu.dma_semaphore, #tpu.memory_space<semaphore_mem>>)
      %dma_wait3A = arith.constant 0 : i32
      %dma_wait3A_55 = tpu.memref_slice %arg4[%add3A, %dma_wait3A] : memref<32x16xi32, #tpu.memory_space<hbm>> -> memref<1x16xi32, #tpu.memory_space<hbm>>
      %dma_wait3A_56 = tpu.memref_squeeze %dma_wait3A_55 : memref<1x16xi32, #tpu.memory_space<hbm>> -> memref<16xi32, #tpu.memory_space<hbm>>
      %dma_wait3A_57 = arith.constant 0 : i32
      %dma_wait3A_58 = tpu.memref_slice %arg4[%add3A, %dma_wait3A_57] : memref<32x16xi32, #tpu.memory_space<hbm>> -> memref<1x16xi32, #tpu.memory_space<hbm>>
      %dma_wait3A_59 = tpu.memref_squeeze %dma_wait3A_58 : memref<1x16xi32, #tpu.memory_space<hbm>> -> memref<16xi32, #tpu.memory_space<hbm>>
      tpu.wait_dma2 semaphore(%run_scoped3A : memref<!tpu.dma_semaphore, #tpu.memory_space<semaphore_mem>>) src(%dma_wait3A_59 : memref<16xi32, #tpu.memory_space<hbm>>) dst(%arg10 : memref<16xi32, #tpu.memory_space<vmem>>)
      tpu.yield
    }) : () -> ()
    %eq3A = arith.constant 0 : i32
    %eq3A_3 = vector.broadcast %eq3A : i32 to vector<16xi32>
    %eq3A_4 = arith.cmpi eq, %iota3A, %eq3A_3 : vector<16xi32>
    %get3A = arith.constant 0 : index
    %get3A_5 = tpu.vector_load %arg10[%get3A] {strides = array<i32>} : memref<16xi32, #tpu.memory_space<vmem>>, vector<16xi32>,
    %jit3A = arith.constant 0 : i32
    %broadcast_in_dim3A = vector.broadcast %jit3A : i32 to vector<16xi32>
    %select_n3A = arith.select %eq3A_4, %get3A_5, %broadcast_in_dim3A : vector<16xi1>, vector<16xi32>
    %reduce_max3A = arith.constant true
    %reduce_max3A_6 = vector.broadcast %reduce_max3A : i1 to vector<16xi1>
    %reduce_max3A_7 = arith.constant -2147483648 : i32
    %reduce_max3A_8 = vector.broadcast %reduce_max3A_7 : i32 to vector<16xi32>
    %reduce_max3A_9 = arith.xori %select_n3A, %reduce_max3A_8 : vector<16xi32>
    %reduce_max3A_10 = tpu.scan <max>, %reduce_max3A_9 masked %reduce_max3A_6 : vector<16xi32>, vector<16xi1> -> vector<16xi32>
    %reduce_max3A_11 = arith.xori %reduce_max3A_10, %reduce_max3A_8 : vector<16xi32>
    %reduce_max3A_12 = vector.extract %reduce_max3A_11[15] : i32 from vector<16xi32>
    %while3A = arith.constant 0 : i32
    %while3A_13 = arith.constant 0 : i32
    %while3A_14 = arith.subi %reduce_max3A_12, %while3A : i32
    %while3A_15 = arith.addi %while3A, %while3A_14 : i32
    %while3A_16 = arith.constant 1 : i32
    %while3A_17 = arith.divsi %while3A_14, %while3A_16 : i32
    %while3A_18 = arith.muli %while3A_17, %while3A_16 : i32
    %while3A_19 = arith.addi %while3A, %while3A_18 : i32
    %while3A_20 = arith.constant 1 : i32
    %while3A_21 = scf.for %while3A_50 = %while3A to %while3A_19 step %while3A_20 iter_args(%while3A_51 = %while3A_13) -> (i32)  : i32 {
      %jit3A_52 = arith.constant 128 : i32
      %div3A = arith.divsi %while3A_50, %jit3A_52 : i32
      %sign3A = arith.constant 0 : i32
      %sign3A_53 = arith.cmpi sgt, %while3A_50, %sign3A : i32
      %sign3A_54 = arith.extui %sign3A_53 : i1 to i32
      %sign3A_55 = arith.constant 0 : i32
      %sign3A_56 = arith.cmpi slt, %while3A_50, %sign3A_55 : i32
      %sign3A_57 = arith.extui %sign3A_56 : i1 to i32
      %sign3A_58 = arith.subi %sign3A_54, %sign3A_57 : i32
      %sign3A_59 = arith.constant 0 : i32
      %sign3A_60 = arith.cmpi sgt, %jit3A_52, %sign3A_59 : i32
      %sign3A_61 = arith.extui %sign3A_60 : i1 to i32
      %sign3A_62 = arith.constant 0 : i32
      %sign3A_63 = arith.cmpi slt, %jit3A_52, %sign3A_62 : i32
      %sign3A_64 = arith.extui %sign3A_63 : i1 to i32
      %sign3A_65 = arith.subi %sign3A_61, %sign3A_64 : i32
      %ne3A = arith.cmpi ne, %sign3A_58, %sign3A_65 : i32
      %rem3A = arith.remsi %while3A_50, %jit3A_52 : i32
      %ne3A_66 = arith.constant 0 : i32
      %ne3A_67 = arith.cmpi ne, %rem3A, %ne3A_66 : i32
      %and3A_68 = arith.andi %ne3A, %ne3A_67 : i1
      %sub3A = arith.constant 1 : i32
      %sub3A_69 = arith.subi %div3A, %sub3A : i32
      %select_n3A_70 = arith.select %and3A_68, %sub3A_69, %div3A : i32
      %jit3A_71 = arith.constant 16 : i32
      %div3A_72 = arith.divsi %while3A_50, %jit3A_71 : i32
      %sign3A_73 = arith.constant 0 : i32
      %sign3A_74 = arith.cmpi sgt, %while3A_50, %sign3A_73 : i32
      %sign3A_75 = arith.extui %sign3A_74 : i1 to i32
      %sign3A_76 = arith.constant 0 : i32
      %sign3A_77 = arith.cmpi slt, %while3A_50, %sign3A_76 : i32
      %sign3A_78 = arith.extui %sign3A_77 : i1 to i32
      %sign3A_79 = arith.subi %sign3A_75, %sign3A_78 : i32
      %sign3A_80 = arith.constant 0 : i32
      %sign3A_81 = arith.cmpi sgt, %jit3A_71, %sign3A_80 : i32
      %sign3A_82 = arith.extui %sign3A_81 : i1 to i32
      %sign3A_83 = arith.constant 0 : i32
      %sign3A_84 = arith.cmpi slt, %jit3A_71, %sign3A_83 : i32
      %sign3A_85 = arith.extui %sign3A_84 : i1 to i32
      %sign3A_86 = arith.subi %sign3A_82, %sign3A_85 : i32
      %ne3A_87 = arith.cmpi ne, %sign3A_79, %sign3A_86 : i32
      %rem3A_88 = arith.remsi %while3A_50, %jit3A_71 : i32
      %ne3A_89 = arith.constant 0 : i32
      %ne3A_90 = arith.cmpi ne, %rem3A_88, %ne3A_89 : i32
      %and3A_91 = arith.andi %ne3A_87, %ne3A_90 : i1
      %sub3A_92 = arith.constant 1 : i32
      %sub3A_93 = arith.subi %div3A_72, %sub3A_92 : i32
      %select_n3A_94 = arith.select %and3A_91, %sub3A_93, %div3A_72 : i32
      %jit3A_95 = arith.constant 8 : i32
      %eq3A_96 = arith.constant 0 : i32
      %eq3A_97 = arith.cmpi eq, %jit3A_95, %eq3A_96 : i32
      %jit3A_98 = arith.constant 1 : i32
      %select_n3A_99 = arith.select %eq3A_97, %jit3A_98, %jit3A_95 : i32
      %rem3A_100 = arith.remsi %select_n3A_94, %select_n3A_99 : i32
      %ne3A_101 = arith.constant 0 : i32
      %ne3A_102 = arith.cmpi ne, %rem3A_100, %ne3A_101 : i32
      %lt3A = arith.constant 0 : i32
      %lt3A_103 = arith.cmpi slt, %rem3A_100, %lt3A : i32
      %lt3A_104 = arith.constant 0 : i32
      %lt3A_105 = arith.cmpi slt, %select_n3A_99, %lt3A_104 : i32
      %ne3A_106 = arith.xori %lt3A_103, %lt3A_105 : i1
      %and3A_107 = arith.andi %ne3A_106, %ne3A_102 : i1
      %add3A_108 = arith.addi %rem3A_100, %select_n3A_99 : i32
      %select_n3A_109 = arith.select %and3A_107, %add3A_108, %rem3A_100 : i32
      %mul3A_110 = arith.constant 16 : i32
      %mul3A_111 = arith.muli %select_n3A_109, %mul3A_110 : i32
      %get3A_112 = arith.index_cast %select_n3A_70 : i32 to index
      %get3A_113 = arith.index_cast %mul3A_111 : i32 to index
      %get3A_114 = tpu.vector_load %arg8[%get3A_112, %get3A_113] {strides = array<i32>} : memref<128x128xi32, #tpu.memory_space<vmem>>, vector<16xi32>,
      %jit3A_115 = arith.constant 128 : i32
      %div3A_116 = arith.divsi %while3A_50, %jit3A_115 : i32
      %sign3A_117 = arith.constant 0 : i32
      %sign3A_118 = arith.cmpi sgt, %while3A_50, %sign3A_117 : i32
      %sign3A_119 = arith.extui %sign3A_118 : i1 to i32
      %sign3A_120 = arith.constant 0 : i32
      %sign3A_121 = arith.cmpi slt, %while3A_50, %sign3A_120 : i32
      %sign3A_122 = arith.extui %sign3A_121 : i1 to i32
      %sign3A_123 = arith.subi %sign3A_119, %sign3A_122 : i32
      %sign3A_124 = arith.constant 0 : i32
      %sign3A_125 = arith.cmpi sgt, %jit3A_115, %sign3A_124 : i32
      %sign3A_126 = arith.extui %sign3A_125 : i1 to i32
      %sign3A_127 = arith.constant 0 : i32
      %sign3A_128 = arith.cmpi slt, %jit3A_115, %sign3A_127 : i32
      %sign3A_129 = arith.extui %sign3A_128 : i1 to i32
      %sign3A_130 = arith.subi %sign3A_126, %sign3A_129 : i32
      %ne3A_131 = arith.cmpi ne, %sign3A_123, %sign3A_130 : i32
      %rem3A_132 = arith.remsi %while3A_50, %jit3A_115 : i32
      %ne3A_133 = arith.constant 0 : i32
      %ne3A_134 = arith.cmpi ne, %rem3A_132, %ne3A_133 : i32
      %and3A_135 = arith.andi %ne3A_131, %ne3A_134 : i1
      %sub3A_136 = arith.constant 1 : i32
      %sub3A_137 = arith.subi %div3A_116, %sub3A_136 : i32
      %select_n3A_138 = arith.select %and3A_135, %sub3A_137, %div3A_116 : i32
      %jit3A_139 = arith.constant 16 : i32
      %div3A_140 = arith.divsi %while3A_50, %jit3A_139 : i32
      %sign3A_141 = arith.constant 0 : i32
      %sign3A_142 = arith.cmpi sgt, %while3A_50, %sign3A_141 : i32
      %sign3A_143 = arith.extui %sign3A_142 : i1 to i32
      %sign3A_144 = arith.constant 0 : i32
      %sign3A_145 = arith.cmpi slt, %while3A_50, %sign3A_144 : i32
      %sign3A_146 = arith.extui %sign3A_145 : i1 to i32
      %sign3A_147 = arith.subi %sign3A_143, %sign3A_146 : i32
      %sign3A_148 = arith.constant 0 : i32
      %sign3A_149 = arith.cmpi sgt, %jit3A_139, %sign3A_148 : i32
      %sign3A_150 = arith.extui %sign3A_149 : i1 to i32
      %sign3A_151 = arith.constant 0 : i32
      %sign3A_152 = arith.cmpi slt, %jit3A_139, %sign3A_151 : i32
      %sign3A_153 = arith.extui %sign3A_152 : i1 to i32
      %sign3A_154 = arith.subi %sign3A_150, %sign3A_153 : i32
      %ne3A_155 = arith.cmpi ne, %sign3A_147, %sign3A_154 : i32
      %rem3A_156 = arith.remsi %while3A_50, %jit3A_139 : i32
      %ne3A_157 = arith.constant 0 : i32
      %ne3A_158 = arith.cmpi ne, %rem3A_156, %ne3A_157 : i32
      %and3A_159 = arith.andi %ne3A_155, %ne3A_158 : i1
      %sub3A_160 = arith.constant 1 : i32
      %sub3A_161 = arith.subi %div3A_140, %sub3A_160 : i32
      %select_n3A_162 = arith.select %and3A_159, %sub3A_161, %div3A_140 : i32
      %jit3A_163 = arith.constant 8 : i32
      %eq3A_164 = arith.constant 0 : i32
      %eq3A_165 = arith.cmpi eq, %jit3A_163, %eq3A_164 : i32
      %jit3A_166 = arith.constant 1 : i32
      %select_n3A_167 = arith.select %eq3A_165, %jit3A_166, %jit3A_163 : i32
      %rem3A_168 = arith.remsi %select_n3A_162, %select_n3A_167 : i32
      %ne3A_169 = arith.constant 0 : i32
      %ne3A_170 = arith.cmpi ne, %rem3A_168, %ne3A_169 : i32
      %lt3A_171 = arith.constant 0 : i32
      %lt3A_172 = arith.cmpi slt, %rem3A_168, %lt3A_171 : i32
      %lt3A_173 = arith.constant 0 : i32
      %lt3A_174 = arith.cmpi slt, %select_n3A_167, %lt3A_173 : i32
      %ne3A_175 = arith.xori %lt3A_172, %lt3A_174 : i1
      %and3A_176 = arith.andi %ne3A_175, %ne3A_170 : i1
      %add3A_177 = arith.addi %rem3A_168, %select_n3A_167 : i32
      %select_n3A_178 = arith.select %and3A_176, %add3A_177, %rem3A_168 : i32
      %mul3A_179 = arith.constant 16 : i32
      %mul3A_180 = arith.muli %select_n3A_178, %mul3A_179 : i32
      %get3A_181 = arith.index_cast %select_n3A_138 : i32 to index
      %get3A_182 = arith.index_cast %mul3A_180 : i32 to index
      %get3A_183 = tpu.vector_load %arg9[%get3A_181, %get3A_182] {strides = array<i32>} : memref<128x128xi32, #tpu.memory_space<vmem>>, vector<16xi32>,
      %jit3A_184 = arith.constant 16 : i32
      %eq3A_185 = arith.constant 0 : i32
      %eq3A_186 = arith.cmpi eq, %jit3A_184, %eq3A_185 : i32
      %jit3A_187 = arith.constant 1 : i32
      %select_n3A_188 = arith.select %eq3A_186, %jit3A_187, %jit3A_184 : i32
      %rem3A_189 = arith.remsi %while3A_50, %select_n3A_188 : i32
      %ne3A_190 = arith.constant 0 : i32
      %ne3A_191 = arith.cmpi ne, %rem3A_189, %ne3A_190 : i32
      %lt3A_192 = arith.constant 0 : i32
      %lt3A_193 = arith.cmpi slt, %rem3A_189, %lt3A_192 : i32
      %lt3A_194 = arith.constant 0 : i32
      %lt3A_195 = arith.cmpi slt, %select_n3A_188, %lt3A_194 : i32
      %ne3A_196 = arith.xori %lt3A_193, %lt3A_195 : i1
      %and3A_197 = arith.andi %ne3A_196, %ne3A_191 : i1
      %add3A_198 = arith.addi %rem3A_189, %select_n3A_188 : i32
      %select_n3A_199 = arith.select %and3A_197, %add3A_198, %rem3A_189 : i32
      %eq3A_200 = vector.broadcast %select_n3A_199 : i32 to vector<16xi32>
      %eq3A_201 = arith.cmpi eq, %iota3A, %eq3A_200 : vector<16xi32>
      %jit3A_202 = arith.constant 0 : i32
      %broadcast_in_dim3A_203 = vector.broadcast %jit3A_202 : i32 to vector<16xi32>
      %select_n3A_204 = arith.select %eq3A_201, %get3A_114, %broadcast_in_dim3A_203 : vector<16xi1>, vector<16xi32>
      %reduce_max3A_205 = arith.constant true
      %reduce_max3A_206 = vector.broadcast %reduce_max3A_205 : i1 to vector<16xi1>
      %reduce_max3A_207 = arith.constant -2147483648 : i32
      %reduce_max3A_208 = vector.broadcast %reduce_max3A_207 : i32 to vector<16xi32>
      %reduce_max3A_209 = arith.xori %select_n3A_204, %reduce_max3A_208 : vector<16xi32>
      %reduce_max3A_210 = tpu.scan <max>, %reduce_max3A_209 masked %reduce_max3A_206 : vector<16xi32>, vector<16xi1> -> vector<16xi32>
      %reduce_max3A_211 = arith.xori %reduce_max3A_210, %reduce_max3A_208 : vector<16xi32>
      %reduce_max3A_212 = vector.extract %reduce_max3A_211[15] : i32 from vector<16xi32>
      %jit3A_213 = arith.constant 0 : i32
      %broadcast_in_dim3A_214 = vector.broadcast %jit3A_213 : i32 to vector<16xi32>
      %select_n3A_215 = arith.select %eq3A_201, %get3A_183, %broadcast_in_dim3A_214 : vector<16xi1>, vector<16xi32>
      %reduce_max3A_216 = arith.constant true
      %reduce_max3A_217 = vector.broadcast %reduce_max3A_216 : i1 to vector<16xi1>
      %reduce_max3A_218 = arith.constant -2147483648 : i32
      %reduce_max3A_219 = vector.broadcast %reduce_max3A_218 : i32 to vector<16xi32>
      %reduce_max3A_220 = arith.xori %select_n3A_215, %reduce_max3A_219 : vector<16xi32>
      %reduce_max3A_221 = tpu.scan <max>, %reduce_max3A_220 masked %reduce_max3A_217 : vector<16xi32>, vector<16xi1> -> vector<16xi32>
      %reduce_max3A_222 = arith.xori %reduce_max3A_221, %reduce_max3A_219 : vector<16xi32>
      %reduce_max3A_223 = vector.extract %reduce_max3A_222[15] : i32 from vector<16xi32>
      %lt3A_224 = arith.constant 31248 : i32
      %lt3A_225 = arith.cmpi slt, %reduce_max3A_212, %lt3A_224 : i32
      %add3A_226 = arith.addi %reduce_max3A_212, %mul3A_2 : i32
      %sub3A_227 = arith.constant 31248 : i32
      %sub3A_228 = arith.subi %reduce_max3A_212, %sub3A_227 : i32
      %add3A_229 = arith.constant 999936 : i32
      %add3A_230 = arith.addi %sub3A_228, %add3A_229 : i32
      %select_n3A_231 = arith.select %lt3A_225, %add3A_226, %add3A_230 : i32
      %shift_right_logical3A_232 = arith.constant 3 : i32
      %shift_right_logical3A_233 = arith.shrui %reduce_max3A_223, %shift_right_logical3A_232 : i32
      %and3A_234 = arith.constant 7 : i32
      %and3A_235 = arith.andi %reduce_max3A_223, %and3A_234 : i32
      %shift_right_logical3A_236 = arith.constant 3 : i32
      %shift_right_logical3A_237 = arith.shrui %select_n3A_231, %shift_right_logical3A_236 : i32
      %and3A_238 = arith.constant 7 : i32
      %and3A_239 = arith.andi %select_n3A_231, %and3A_238 : i32
      %dma_start3A = tpu.memref_reshape %arg6 : memref<1000000x100xf32, #tpu.memory_space<hbm>> -> memref<125000x8x100xf32, #tpu.memory_space<hbm>>
      %dma_start3A_240 = arith.constant 0 : i32
      %dma_start3A_241 = tpu.memref_slice %dma_start3A[%shift_right_logical3A_237, %and3A_239, %dma_start3A_240] : memref<125000x8x100xf32, #tpu.memory_space<hbm>> -> memref<1x1x100xf32, #tpu.memory_space<hbm>>
      %dma_start3A_242 = tpu.memref_squeeze %dma_start3A_241 : memref<1x1x100xf32, #tpu.memory_space<hbm>> -> memref<100xf32, #tpu.memory_space<hbm>>
      %dma_start3A_243 = tpu.memref_reshape %arg5 : memref<16384x100xf32, #tpu.memory_space<hbm>> -> memref<2048x8x100xf32, #tpu.memory_space<hbm>>
      %dma_start3A_244 = arith.constant 0 : i32
      %dma_start3A_245 = tpu.memref_slice %dma_start3A_243[%shift_right_logical3A_233, %and3A_235, %dma_start3A_244] : memref<2048x8x100xf32, #tpu.memory_space<hbm>> -> memref<1x1x100xf32, #tpu.memory_space<hbm>>
      %dma_start3A_246 = tpu.memref_squeeze %dma_start3A_245 : memref<1x1x100xf32, #tpu.memory_space<hbm>> -> memref<100xf32, #tpu.memory_space<hbm>>
      tpu.enqueue_dma source(%dma_start3A_246 : memref<100xf32, #tpu.memory_space<hbm>>) target(%dma_start3A_242 : memref<100xf32, #tpu.memory_space<hbm>>) target_semaphore(%arg11 : memref<!tpu.dma_semaphore, #tpu.memory_space<semaphore_mem>>)
      %while3A_247 = arith.constant 0 : i32
      scf.yield %while3A_247 : i32
    }
    %while3A_22 = arith.constant 1 : i32
    %while3A_23 = scf.for %while3A_50 = %while3A_19 to %while3A_15 step %while3A_22 iter_args(%while3A_51 = %while3A_21) -> (i32)  : i32 {
      %jit3A_52 = arith.constant 128 : i32
      %div3A = arith.divsi %while3A_50, %jit3A_52 : i32
      %sign3A = arith.constant 0 : i32
      %sign3A_53 = arith.cmpi sgt, %while3A_50, %sign3A : i32
      %sign3A_54 = arith.extui %sign3A_53 : i1 to i32
      %sign3A_55 = arith.constant 0 : i32
      %sign3A_56 = arith.cmpi slt, %while3A_50, %sign3A_55 : i32
      %sign3A_57 = arith.extui %sign3A_56 : i1 to i32
      %sign3A_58 = arith.subi %sign3A_54, %sign3A_57 : i32
      %sign3A_59 = arith.constant 0 : i32
      %sign3A_60 = arith.cmpi sgt, %jit3A_52, %sign3A_59 : i32
      %sign3A_61 = arith.extui %sign3A_60 : i1 to i32
      %sign3A_62 = arith.constant 0 : i32
      %sign3A_63 = arith.cmpi slt, %jit3A_52, %sign3A_62 : i32
      %sign3A_64 = arith.extui %sign3A_63 : i1 to i32
      %sign3A_65 = arith.subi %sign3A_61, %sign3A_64 : i32
      %ne3A = arith.cmpi ne, %sign3A_58, %sign3A_65 : i32
      %rem3A = arith.remsi %while3A_50, %jit3A_52 : i32
      %ne3A_66 = arith.constant 0 : i32
      %ne3A_67 = arith.cmpi ne, %rem3A, %ne3A_66 : i32
      %and3A_68 = arith.andi %ne3A, %ne3A_67 : i1
      %sub3A = arith.constant 1 : i32
      %sub3A_69 = arith.subi %div3A, %sub3A : i32
      %select_n3A_70 = arith.select %and3A_68, %sub3A_69, %div3A : i32
      %jit3A_71 = arith.constant 16 : i32
      %div3A_72 = arith.divsi %while3A_50, %jit3A_71 : i32
      %sign3A_73 = arith.constant 0 : i32
      %sign3A_74 = arith.cmpi sgt, %while3A_50, %sign3A_73 : i32
      %sign3A_75 = arith.extui %sign3A_74 : i1 to i32
      %sign3A_76 = arith.constant 0 : i32
      %sign3A_77 = arith.cmpi slt, %while3A_50, %sign3A_76 : i32
      %sign3A_78 = arith.extui %sign3A_77 : i1 to i32
      %sign3A_79 = arith.subi %sign3A_75, %sign3A_78 : i32
      %sign3A_80 = arith.constant 0 : i32
      %sign3A_81 = arith.cmpi sgt, %jit3A_71, %sign3A_80 : i32
      %sign3A_82 = arith.extui %sign3A_81 : i1 to i32
      %sign3A_83 = arith.constant 0 : i32
      %sign3A_84 = arith.cmpi slt, %jit3A_71, %sign3A_83 : i32
      %sign3A_85 = arith.extui %sign3A_84 : i1 to i32
      %sign3A_86 = arith.subi %sign3A_82, %sign3A_85 : i32
      %ne3A_87 = arith.cmpi ne, %sign3A_79, %sign3A_86 : i32
      %rem3A_88 = arith.remsi %while3A_50, %jit3A_71 : i32
      %ne3A_89 = arith.constant 0 : i32
      %ne3A_90 = arith.cmpi ne, %rem3A_88, %ne3A_89 : i32
      %and3A_91 = arith.andi %ne3A_87, %ne3A_90 : i1
      %sub3A_92 = arith.constant 1 : i32
      %sub3A_93 = arith.subi %div3A_72, %sub3A_92 : i32
      %select_n3A_94 = arith.select %and3A_91, %sub3A_93, %div3A_72 : i32
      %jit3A_95 = arith.constant 8 : i32
      %eq3A_96 = arith.constant 0 : i32
      %eq3A_97 = arith.cmpi eq, %jit3A_95, %eq3A_96 : i32
      %jit3A_98 = arith.constant 1 : i32
      %select_n3A_99 = arith.select %eq3A_97, %jit3A_98, %jit3A_95 : i32
      %rem3A_100 = arith.remsi %select_n3A_94, %select_n3A_99 : i32
      %ne3A_101 = arith.constant 0 : i32
      %ne3A_102 = arith.cmpi ne, %rem3A_100, %ne3A_101 : i32
      %lt3A = arith.constant 0 : i32
      %lt3A_103 = arith.cmpi slt, %rem3A_100, %lt3A : i32
      %lt3A_104 = arith.constant 0 : i32
      %lt3A_105 = arith.cmpi slt, %select_n3A_99, %lt3A_104 : i32
      %ne3A_106 = arith.xori %lt3A_103, %lt3A_105 : i1
      %and3A_107 = arith.andi %ne3A_106, %ne3A_102 : i1
      %add3A_108 = arith.addi %rem3A_100, %select_n3A_99 : i32
      %select_n3A_109 = arith.select %and3A_107, %add3A_108, %rem3A_100 : i32
      %mul3A_110 = arith.constant 16 : i32
      %mul3A_111 = arith.muli %select_n3A_109, %mul3A_110 : i32
      %get3A_112 = arith.index_cast %select_n3A_70 : i32 to index
      %get3A_113 = arith.index_cast %mul3A_111 : i32 to index
      %get3A_114 = tpu.vector_load %arg8[%get3A_112, %get3A_113] {strides = array<i32>} : memref<128x128xi32, #tpu.memory_space<vmem>>, vector<16xi32>,
      %jit3A_115 = arith.constant 128 : i32
      %div3A_116 = arith.divsi %while3A_50, %jit3A_115 : i32
      %sign3A_117 = arith.constant 0 : i32
      %sign3A_118 = arith.cmpi sgt, %while3A_50, %sign3A_117 : i32
      %sign3A_119 = arith.extui %sign3A_118 : i1 to i32
      %sign3A_120 = arith.constant 0 : i32
      %sign3A_121 = arith.cmpi slt, %while3A_50, %sign3A_120 : i32
      %sign3A_122 = arith.extui %sign3A_121 : i1 to i32
      %sign3A_123 = arith.subi %sign3A_119, %sign3A_122 : i32
      %sign3A_124 = arith.constant 0 : i32
      %sign3A_125 = arith.cmpi sgt, %jit3A_115, %sign3A_124 : i32
      %sign3A_126 = arith.extui %sign3A_125 : i1 to i32
      %sign3A_127 = arith.constant 0 : i32
      %sign3A_128 = arith.cmpi slt, %jit3A_115, %sign3A_127 : i32
      %sign3A_129 = arith.extui %sign3A_128 : i1 to i32
      %sign3A_130 = arith.subi %sign3A_126, %sign3A_129 : i32
      %ne3A_131 = arith.cmpi ne, %sign3A_123, %sign3A_130 : i32
      %rem3A_132 = arith.remsi %while3A_50, %jit3A_115 : i32
      %ne3A_133 = arith.constant 0 : i32
      %ne3A_134 = arith.cmpi ne, %rem3A_132, %ne3A_133 : i32
      %and3A_135 = arith.andi %ne3A_131, %ne3A_134 : i1
      %sub3A_136 = arith.constant 1 : i32
      %sub3A_137 = arith.subi %div3A_116, %sub3A_136 : i32
      %select_n3A_138 = arith.select %and3A_135, %sub3A_137, %div3A_116 : i32
      %jit3A_139 = arith.constant 16 : i32
      %div3A_140 = arith.divsi %while3A_50, %jit3A_139 : i32
      %sign3A_141 = arith.constant 0 : i32
      %sign3A_142 = arith.cmpi sgt, %while3A_50, %sign3A_141 : i32
      %sign3A_143 = arith.extui %sign3A_142 : i1 to i32
      %sign3A_144 = arith.constant 0 : i32
      %sign3A_145 = arith.cmpi slt, %while3A_50, %sign3A_144 : i32
      %sign3A_146 = arith.extui %sign3A_145 : i1 to i32
      %sign3A_147 = arith.subi %sign3A_143, %sign3A_146 : i32
      %sign3A_148 = arith.constant 0 : i32
      %sign3A_149 = arith.cmpi sgt, %jit3A_139, %sign3A_148 : i32
      %sign3A_150 = arith.extui %sign3A_149 : i1 to i32
      %sign3A_151 = arith.constant 0 : i32
      %sign3A_152 = arith.cmpi slt, %jit3A_139, %sign3A_151 : i32
      %sign3A_153 = arith.extui %sign3A_152 : i1 to i32
      %sign3A_154 = arith.subi %sign3A_150, %sign3A_153 : i32
      %ne3A_155 = arith.cmpi ne, %sign3A_147, %sign3A_154 : i32
      %rem3A_156 = arith.remsi %while3A_50, %jit3A_139 : i32
      %ne3A_157 = arith.constant 0 : i32
      %ne3A_158 = arith.cmpi ne, %rem3A_156, %ne3A_157 : i32
      %and3A_159 = arith.andi %ne3A_155, %ne3A_158 : i1
      %sub3A_160 = arith.constant 1 : i32
      %sub3A_161 = arith.subi %div3A_140, %sub3A_160 : i32
      %select_n3A_162 = arith.select %and3A_159, %sub3A_161, %div3A_140 : i32
      %jit3A_163 = arith.constant 8 : i32
      %eq3A_164 = arith.constant 0 : i32
      %eq3A_165 = arith.cmpi eq, %jit3A_163, %eq3A_164 : i32
      %jit3A_166 = arith.constant 1 : i32
      %select_n3A_167 = arith.select %eq3A_165, %jit3A_166, %jit3A_163 : i32
      %rem3A_168 = arith.remsi %select_n3A_162, %select_n3A_167 : i32
      %ne3A_169 = arith.constant 0 : i32
      %ne3A_170 = arith.cmpi ne, %rem3A_168, %ne3A_169 : i32
      %lt3A_171 = arith.constant 0 : i32
      %lt3A_172 = arith.cmpi slt, %rem3A_168, %lt3A_171 : i32
      %lt3A_173 = arith.constant 0 : i32
      %lt3A_174 = arith.cmpi slt, %select_n3A_167, %lt3A_173 : i32
      %ne3A_175 = arith.xori %lt3A_172, %lt3A_174 : i1
      %and3A_176 = arith.andi %ne3A_175, %ne3A_170 : i1
      %add3A_177 = arith.addi %rem3A_168, %select_n3A_167 : i32
      %select_n3A_178 = arith.select %and3A_176, %add3A_177, %rem3A_168 : i32
      %mul3A_179 = arith.constant 16 : i32
      %mul3A_180 = arith.muli %select_n3A_178, %mul3A_179 : i32
      %get3A_181 = arith.index_cast %select_n3A_138 : i32 to index
      %get3A_182 = arith.index_cast %mul3A_180 : i32 to index
      %get3A_183 = tpu.vector_load %arg9[%get3A_181, %get3A_182] {strides = array<i32>} : memref<128x128xi32, #tpu.memory_space<vmem>>, vector<16xi32>,
      %jit3A_184 = arith.constant 16 : i32
      %eq3A_185 = arith.constant 0 : i32
      %eq3A_186 = arith.cmpi eq, %jit3A_184, %eq3A_185 : i32
      %jit3A_187 = arith.constant 1 : i32
      %select_n3A_188 = arith.select %eq3A_186, %jit3A_187, %jit3A_184 : i32
      %rem3A_189 = arith.remsi %while3A_50, %select_n3A_188 : i32
      %ne3A_190 = arith.constant 0 : i32
      %ne3A_191 = arith.cmpi ne, %rem3A_189, %ne3A_190 : i32
      %lt3A_192 = arith.constant 0 : i32
      %lt3A_193 = arith.cmpi slt, %rem3A_189, %lt3A_192 : i32
      %lt3A_194 = arith.constant 0 : i32
      %lt3A_195 = arith.cmpi slt, %select_n3A_188, %lt3A_194 : i32
      %ne3A_196 = arith.xori %lt3A_193, %lt3A_195 : i1
      %and3A_197 = arith.andi %ne3A_196, %ne3A_191 : i1
      %add3A_198 = arith.addi %rem3A_189, %select_n3A_188 : i32
      %select_n3A_199 = arith.select %and3A_197, %add3A_198, %rem3A_189 : i32
      %eq3A_200 = vector.broadcast %select_n3A_199 : i32 to vector<16xi32>
      %eq3A_201 = arith.cmpi eq, %iota3A, %eq3A_200 : vector<16xi32>
      %jit3A_202 = arith.constant 0 : i32
      %broadcast_in_dim3A_203 = vector.broadcast %jit3A_202 : i32 to vector<16xi32>
      %select_n3A_204 = arith.select %eq3A_201, %get3A_114, %broadcast_in_dim3A_203 : vector<16xi1>, vector<16xi32>
      %reduce_max3A_205 = arith.constant true
      %reduce_max3A_206 = vector.broadcast %reduce_max3A_205 : i1 to vector<16xi1>
      %reduce_max3A_207 = arith.constant -2147483648 : i32
      %reduce_max3A_208 = vector.broadcast %reduce_max3A_207 : i32 to vector<16xi32>
      %reduce_max3A_209 = arith.xori %select_n3A_204, %reduce_max3A_208 : vector<16xi32>
      %reduce_max3A_210 = tpu.scan <max>, %reduce_max3A_209 masked %reduce_max3A_206 : vector<16xi32>, vector<16xi1> -> vector<16xi32>
      %reduce_max3A_211 = arith.xori %reduce_max3A_210, %reduce_max3A_208 : vector<16xi32>
      %reduce_max3A_212 = vector.extract %reduce_max3A_211[15] : i32 from vector<16xi32>
      %jit3A_213 = arith.constant 0 : i32
      %broadcast_in_dim3A_214 = vector.broadcast %jit3A_213 : i32 to vector<16xi32>
      %select_n3A_215 = arith.select %eq3A_201, %get3A_183, %broadcast_in_dim3A_214 : vector<16xi1>, vector<16xi32>
      %reduce_max3A_216 = arith.constant true
      %reduce_max3A_217 = vector.broadcast %reduce_max3A_216 : i1 to vector<16xi1>
      %reduce_max3A_218 = arith.constant -2147483648 : i32
      %reduce_max3A_219 = vector.broadcast %reduce_max3A_218 : i32 to vector<16xi32>
      %reduce_max3A_220 = arith.xori %select_n3A_215, %reduce_max3A_219 : vector<16xi32>
      %reduce_max3A_221 = tpu.scan <max>, %reduce_max3A_220 masked %reduce_max3A_217 : vector<16xi32>, vector<16xi1> -> vector<16xi32>
      %reduce_max3A_222 = arith.xori %reduce_max3A_221, %reduce_max3A_219 : vector<16xi32>
      %reduce_max3A_223 = vector.extract %reduce_max3A_222[15] : i32 from vector<16xi32>
      %lt3A_224 = arith.constant 31248 : i32
      %lt3A_225 = arith.cmpi slt, %reduce_max3A_212, %lt3A_224 : i32
      %add3A_226 = arith.addi %reduce_max3A_212, %mul3A_2 : i32
      %sub3A_227 = arith.constant 31248 : i32
      %sub3A_228 = arith.subi %reduce_max3A_212, %sub3A_227 : i32
      %add3A_229 = arith.constant 999936 : i32
      %add3A_230 = arith.addi %sub3A_228, %add3A_229 : i32
      %select_n3A_231 = arith.select %lt3A_225, %add3A_226, %add3A_230 : i32
      %shift_right_logical3A_232 = arith.constant 3 : i32
      %shift_right_logical3A_233 = arith.shrui %reduce_max3A_223, %shift_right_logical3A_232 : i32
      %and3A_234 = arith.constant 7 : i32
      %and3A_235 = arith.andi %reduce_max3A_223, %and3A_234 : i32
      %shift_right_logical3A_236 = arith.constant 3 : i32
      %shift_right_logical3A_237 = arith.shrui %select_n3A_231, %shift_right_logical3A_236 : i32
      %and3A_238 = arith.constant 7 : i32
      %and3A_239 = arith.andi %select_n3A_231, %and3A_238 : i32
      %dma_start3A = tpu.memref_reshape %arg6 : memref<1000000x100xf32, #tpu.memory_space<hbm>> -> memref<125000x8x100xf32, #tpu.memory_space<hbm>>
      %dma_start3A_240 = arith.constant 0 : i32
      %dma_start3A_241 = tpu.memref_slice %dma_start3A[%shift_right_logical3A_237, %and3A_239, %dma_start3A_240] : memref<125000x8x100xf32, #tpu.memory_space<hbm>> -> memref<1x1x100xf32, #tpu.memory_space<hbm>>
      %dma_start3A_242 = tpu.memref_squeeze %dma_start3A_241 : memref<1x1x100xf32, #tpu.memory_space<hbm>> -> memref<100xf32, #tpu.memory_space<hbm>>
      %dma_start3A_243 = tpu.memref_reshape %arg5 : memref<16384x100xf32, #tpu.memory_space<hbm>> -> memref<2048x8x100xf32, #tpu.memory_space<hbm>>
      %dma_start3A_244 = arith.constant 0 : i32
      %dma_start3A_245 = tpu.memref_slice %dma_start3A_243[%shift_right_logical3A_233, %and3A_235, %dma_start3A_244] : memref<2048x8x100xf32, #tpu.memory_space<hbm>> -> memref<1x1x100xf32, #tpu.memory_space<hbm>>
      %dma_start3A_246 = tpu.memref_squeeze %dma_start3A_245 : memref<1x1x100xf32, #tpu.memory_space<hbm>> -> memref<100xf32, #tpu.memory_space<hbm>>
      tpu.enqueue_dma source(%dma_start3A_246 : memref<100xf32, #tpu.memory_space<hbm>>) target(%dma_start3A_242 : memref<100xf32, #tpu.memory_space<hbm>>) target_semaphore(%arg11 : memref<!tpu.dma_semaphore, #tpu.memory_space<semaphore_mem>>)
      %while3A_247 = arith.constant 0 : i32
      scf.yield %while3A_247 : i32
    }
    %shift_right_logical3A = arith.constant 3 : i32
    %shift_right_logical3A_24 = arith.shrui %reduce_max3A_12, %shift_right_logical3A : i32
    %while3A_25 = arith.constant 0 : i32
    %while3A_26 = arith.constant 0 : i32
    %while3A_27 = arith.subi %shift_right_logical3A_24, %while3A_25 : i32
    %while3A_28 = arith.addi %while3A_25, %while3A_27 : i32
    %while3A_29 = arith.constant 1 : i32
    %while3A_30 = arith.divsi %while3A_27, %while3A_29 : i32
    %while3A_31 = arith.muli %while3A_30, %while3A_29 : i32
    %while3A_32 = arith.addi %while3A_25, %while3A_31 : i32
    %while3A_33 = arith.constant 1 : i32
    %while3A_34 = scf.for %while3A_50 = %while3A_25 to %while3A_32 step %while3A_33 iter_args(%while3A_51 = %while3A_26) -> (i32)  : i32 {
      %dma_wait3A = arith.constant 0 : i32
      %dma_wait3A_52 = arith.constant 0 : i32
      %dma_wait3A_53 = tpu.memref_reshape %arg6 : memref<1000000x100xf32, #tpu.memory_space<hbm>> -> memref<125000x8x100xf32, #tpu.memory_space<hbm>>
      %dma_wait3A_54 = arith.constant 0 : i32
      %dma_wait3A_55 = arith.constant 0 : i32
      %dma_wait3A_56 = tpu.memref_slice %dma_wait3A_53[%dma_wait3A_52, %dma_wait3A_54, %dma_wait3A_55] : memref<125000x8x100xf32, #tpu.memory_space<hbm>> -> memref<1x8x100xf32, #tpu.memory_space<hbm>>
      %dma_wait3A_57 = tpu.memref_squeeze %dma_wait3A_56 : memref<1x8x100xf32, #tpu.memory_space<hbm>> -> memref<8x100xf32, #tpu.memory_space<hbm>>
      %dma_wait3A_58 = tpu.memref_reshape %arg5 : memref<16384x100xf32, #tpu.memory_space<hbm>> -> memref<2048x8x100xf32, #tpu.memory_space<hbm>>
      %dma_wait3A_59 = arith.constant 0 : i32
      %dma_wait3A_60 = arith.constant 0 : i32
      %dma_wait3A_61 = tpu.memref_slice %dma_wait3A_58[%dma_wait3A, %dma_wait3A_59, %dma_wait3A_60] : memref<2048x8x100xf32, #tpu.memory_space<hbm>> -> memref<1x8x100xf32, #tpu.memory_space<hbm>>
      %dma_wait3A_62 = tpu.memref_squeeze %dma_wait3A_61 : memref<1x8x100xf32, #tpu.memory_space<hbm>> -> memref<8x100xf32, #tpu.memory_space<hbm>>
      tpu.wait_dma2 semaphore(%arg11 : memref<!tpu.dma_semaphore, #tpu.memory_space<semaphore_mem>>) src(%dma_wait3A_62 : memref<8x100xf32, #tpu.memory_space<hbm>>) dst(%dma_wait3A_57 : memref<8x100xf32, #tpu.memory_space<hbm>>)
      %while3A_63 = arith.constant 0 : i32
      scf.yield %while3A_63 : i32
    }
    %while3A_35 = arith.constant 1 : i32
    %while3A_36 = scf.for %while3A_50 = %while3A_32 to %while3A_28 step %while3A_35 iter_args(%while3A_51 = %while3A_34) -> (i32)  : i32 {
      %dma_wait3A = arith.constant 0 : i32
      %dma_wait3A_52 = arith.constant 0 : i32
      %dma_wait3A_53 = tpu.memref_reshape %arg6 : memref<1000000x100xf32, #tpu.memory_space<hbm>> -> memref<125000x8x100xf32, #tpu.memory_space<hbm>>
      %dma_wait3A_54 = arith.constant 0 : i32
      %dma_wait3A_55 = arith.constant 0 : i32
      %dma_wait3A_56 = tpu.memref_slice %dma_wait3A_53[%dma_wait3A_52, %dma_wait3A_54, %dma_wait3A_55] : memref<125000x8x100xf32, #tpu.memory_space<hbm>> -> memref<1x8x100xf32, #tpu.memory_space<hbm>>
      %dma_wait3A_57 = tpu.memref_squeeze %dma_wait3A_56 : memref<1x8x100xf32, #tpu.memory_space<hbm>> -> memref<8x100xf32, #tpu.memory_space<hbm>>
      %dma_wait3A_58 = tpu.memref_reshape %arg5 : memref<16384x100xf32, #tpu.memory_space<hbm>> -> memref<2048x8x100xf32, #tpu.memory_space<hbm>>
      %dma_wait3A_59 = arith.constant 0 : i32
      %dma_wait3A_60 = arith.constant 0 : i32
      %dma_wait3A_61 = tpu.memref_slice %dma_wait3A_58[%dma_wait3A, %dma_wait3A_59, %dma_wait3A_60] : memref<2048x8x100xf32, #tpu.memory_space<hbm>> -> memref<1x8x100xf32, #tpu.memory_space<hbm>>
      %dma_wait3A_62 = tpu.memref_squeeze %dma_wait3A_61 : memref<1x8x100xf32, #tpu.memory_space<hbm>> -> memref<8x100xf32, #tpu.memory_space<hbm>>
      tpu.wait_dma2 semaphore(%arg11 : memref<!tpu.dma_semaphore, #tpu.memory_space<semaphore_mem>>) src(%dma_wait3A_62 : memref<8x100xf32, #tpu.memory_space<hbm>>) dst(%dma_wait3A_57 : memref<8x100xf32, #tpu.memory_space<hbm>>)
      %while3A_63 = arith.constant 0 : i32
      scf.yield %while3A_63 : i32
    }
    %and3A = arith.constant 7 : i32
    %and3A_37 = arith.andi %reduce_max3A_12, %and3A : i32
    %while3A_38 = arith.constant 0 : i32
    %while3A_39 = arith.constant 0 : i32
    %while3A_40 = arith.subi %and3A_37, %while3A_38 : i32
    %while3A_41 = arith.addi %while3A_38, %while3A_40 : i32
    %while3A_42 = arith.constant 1 : i32
    %while3A_43 = arith.divsi %while3A_40, %while3A_42 : i32
    %while3A_44 = arith.muli %while3A_43, %while3A_42 : i32
    %while3A_45 = arith.addi %while3A_38, %while3A_44 : i32
    %while3A_46 = arith.constant 1 : i32
    %while3A_47 = scf.for %while3A_50 = %while3A_38 to %while3A_45 step %while3A_46 iter_args(%while3A_51 = %while3A_39) -> (i32)  : i32 {
      %dma_wait3A = arith.constant 0 : i32
      %dma_wait3A_52 = arith.constant 0 : i32
      %dma_wait3A_53 = arith.constant 0 : i32
      %dma_wait3A_54 = arith.constant 0 : i32
      %dma_wait3A_55 = tpu.memref_reshape %arg6 : memref<1000000x100xf32, #tpu.memory_space<hbm>> -> memref<125000x8x100xf32, #tpu.memory_space<hbm>>
      %dma_wait3A_56 = arith.constant 0 : i32
      %dma_wait3A_57 = tpu.memref_slice %dma_wait3A_55[%dma_wait3A_53, %dma_wait3A_54, %dma_wait3A_56] : memref<125000x8x100xf32, #tpu.memory_space<hbm>> -> memref<1x1x100xf32, #tpu.memory_space<hbm>>
      %dma_wait3A_58 = tpu.memref_squeeze %dma_wait3A_57 : memref<1x1x100xf32, #tpu.memory_space<hbm>> -> memref<100xf32, #tpu.memory_space<hbm>>
      %dma_wait3A_59 = tpu.memref_reshape %arg5 : memref<16384x100xf32, #tpu.memory_space<hbm>> -> memref<2048x8x100xf32, #tpu.memory_space<hbm>>
      %dma_wait3A_60 = arith.constant 0 : i32
      %dma_wait3A_61 = tpu.memref_slice %dma_wait3A_59[%dma_wait3A, %dma_wait3A_52, %dma_wait3A_60] : memref<2048x8x100xf32, #tpu.memory_space<hbm>> -> memref<1x1x100xf32, #tpu.memory_space<hbm>>
      %dma_wait3A_62 = tpu.memref_squeeze %dma_wait3A_61 : memref<1x1x100xf32, #tpu.memory_space<hbm>> -> memref<100xf32, #tpu.memory_space<hbm>>
      tpu.wait_dma2 semaphore(%arg11 : memref<!tpu.dma_semaphore, #tpu.memory_space<semaphore_mem>>) src(%dma_wait3A_62 : memref<100xf32, #tpu.memory_space<hbm>>) dst(%dma_wait3A_58 : memref<100xf32, #tpu.memory_space<hbm>>)
      %while3A_63 = arith.constant 0 : i32
      scf.yield %while3A_63 : i32
    }
    %while3A_48 = arith.constant 1 : i32
    %while3A_49 = scf.for %while3A_50 = %while3A_45 to %while3A_41 step %while3A_48 iter_args(%while3A_51 = %while3A_47) -> (i32)  : i32 {
      %dma_wait3A = arith.constant 0 : i32
      %dma_wait3A_52 = arith.constant 0 : i32
      %dma_wait3A_53 = arith.constant 0 : i32
      %dma_wait3A_54 = arith.constant 0 : i32
      %dma_wait3A_55 = tpu.memref_reshape %arg6 : memref<1000000x100xf32, #tpu.memory_space<hbm>> -> memref<125000x8x100xf32, #tpu.memory_space<hbm>>
      %dma_wait3A_56 = arith.constant 0 : i32
      %dma_wait3A_57 = tpu.memref_slice %dma_wait3A_55[%dma_wait3A_53, %dma_wait3A_54, %dma_wait3A_56] : memref<125000x8x100xf32, #tpu.memory_space<hbm>> -> memref<1x1x100xf32, #tpu.memory_space<hbm>>
      %dma_wait3A_58 = tpu.memref_squeeze %dma_wait3A_57 : memref<1x1x100xf32, #tpu.memory_space<hbm>> -> memref<100xf32, #tpu.memory_space<hbm>>
      %dma_wait3A_59 = tpu.memref_reshape %arg5 : memref<16384x100xf32, #tpu.memory_space<hbm>> -> memref<2048x8x100xf32, #tpu.memory_space<hbm>>
      %dma_wait3A_60 = arith.constant 0 : i32
      %dma_wait3A_61 = tpu.memref_slice %dma_wait3A_59[%dma_wait3A, %dma_wait3A_52, %dma_wait3A_60] : memref<2048x8x100xf32, #tpu.memory_space<hbm>> -> memref<1x1x100xf32, #tpu.memory_space<hbm>>
      %dma_wait3A_62 = tpu.memref_squeeze %dma_wait3A_61 : memref<1x1x100xf32, #tpu.memory_space<hbm>> -> memref<100xf32, #tpu.memory_space<hbm>>
      tpu.wait_dma2 semaphore(%arg11 : memref<!tpu.dma_semaphore, #tpu.memory_space<semaphore_mem>>) src(%dma_wait3A_62 : memref<100xf32, #tpu.memory_space<hbm>>) dst(%dma_wait3A_58 : memref<100xf32, #tpu.memory_space<hbm>>)
      %while3A_63 = arith.constant 0 : i32
      scf.yield %while3A_63 : i32
    }
    return
  }
}

#map = affine_map<(d0, d1) -> (0, 0)>
#map1 = affine_map<(d0, d1) -> (0, 0, 0)>
module attributes {stable_mosaic.version = 14 : i64} {
  func.func @_plan_body(%arg0: i32, %arg1: i32, %arg2: memref<128x128xi32, #tpu.memory_space<hbm>>, %arg3: memref<32x128x128xi32, #tpu.memory_space<hbm>>, %arg4: memref<32x128x128xi32, #tpu.memory_space<hbm>>, %arg5: memref<32x16xi32, #tpu.memory_space<hbm>>, %arg6: memref<128x128xi32, #tpu.memory_space<vmem>>, %arg7: memref<31328xi32, #tpu.memory_space<vmem>>, %arg8: memref<128x128xi32, #tpu.memory_space<vmem>>, %arg9: memref<128x128xi32, #tpu.memory_space<vmem>>, %arg10: memref<16xi32, #tpu.memory_space<vmem>>) attributes {dimension_semantics = [#tpu.dimension_semantics<core_parallel>, #tpu.dimension_semantics<subcore_parallel>], iteration_bounds = array<i64: 2, 16>, scalar_prefetch = 0 : i64, scratch_operands = 5 : i64, tpu.core_type = #tpu.core_type<sc_vector_subcore>, window_params = [{transform_indices = #map}, {transform_indices = #map1}, {transform_indices = #map1}, {transform_indices = #map}]} {
    %mul3A = arith.constant 2 : i32
    %mul3A_0 = arith.muli %arg1, %mul3A : i32
    %add3A = arith.addi %mul3A_0, %arg0 : i32
    %mul3A_1 = arith.constant 31248 : i32
    %mul3A_2 = arith.muli %add3A, %mul3A_1 : i32
    %iota3A = tpu.iota {dimensions = array<i32: 0>} : vector<16xi32>
    "tpu.region"() ({
      %run_scoped3A = tpu.sem_alloc : memref<!tpu.dma_semaphore, #tpu.memory_space<semaphore_mem>>
      tpu.enqueue_dma source(%arg2 : memref<128x128xi32, #tpu.memory_space<hbm>>) target(%arg6 : memref<128x128xi32, #tpu.memory_space<vmem>>) target_semaphore(%run_scoped3A : memref<!tpu.dma_semaphore, #tpu.memory_space<semaphore_mem>>)
      tpu.wait_dma2 semaphore(%run_scoped3A : memref<!tpu.dma_semaphore, #tpu.memory_space<semaphore_mem>>) src(%arg2 : memref<128x128xi32, #tpu.memory_space<hbm>>) dst(%arg6 : memref<128x128xi32, #tpu.memory_space<vmem>>)
      tpu.yield
    }) : () -> ()
    %eq3A = arith.constant 0 : i32
    %eq3A_3 = arith.cmpi eq, %add3A, %eq3A : i32
    %jit3A = arith.constant 999936 : i32
    %jit3A_4 = arith.constant 1000000 : i32
    %select_n3A = arith.select %eq3A_3, %jit3A, %jit3A_4 : i32
    %scan3A = arith.constant 0 : i32
    %scan3A_5 = arith.constant 0 : i32
    %scan3A_6 = arith.constant 1024 : i32
    %scan3A_7 = arith.addi %scan3A_5, %scan3A_6 : i32
    %scan3A_8 = arith.constant 1 : i32
    %scan3A_9 = scf.for %scan3A_25 = %scan3A_5 to %scan3A_7 step %scan3A_8 iter_args(%scan3A_26 = %scan3A) -> (i32)  : i32 {
      %jit3A_27 = arith.constant 8 : i32
      %div3A = arith.divsi %scan3A_25, %jit3A_27 : i32
      %sign3A = arith.constant 0 : i32
      %sign3A_28 = arith.cmpi sgt, %scan3A_25, %sign3A : i32
      %sign3A_29 = arith.extui %sign3A_28 : i1 to i32
      %sign3A_30 = arith.constant 0 : i32
      %sign3A_31 = arith.cmpi slt, %scan3A_25, %sign3A_30 : i32
      %sign3A_32 = arith.extui %sign3A_31 : i1 to i32
      %sign3A_33 = arith.subi %sign3A_29, %sign3A_32 : i32
      %sign3A_34 = arith.constant 0 : i32
      %sign3A_35 = arith.cmpi sgt, %jit3A_27, %sign3A_34 : i32
      %sign3A_36 = arith.extui %sign3A_35 : i1 to i32
      %sign3A_37 = arith.constant 0 : i32
      %sign3A_38 = arith.cmpi slt, %jit3A_27, %sign3A_37 : i32
      %sign3A_39 = arith.extui %sign3A_38 : i1 to i32
      %sign3A_40 = arith.subi %sign3A_36, %sign3A_39 : i32
      %ne3A = arith.cmpi ne, %sign3A_33, %sign3A_40 : i32
      %rem3A = arith.remsi %scan3A_25, %jit3A_27 : i32
      %ne3A_41 = arith.constant 0 : i32
      %ne3A_42 = arith.cmpi ne, %rem3A, %ne3A_41 : i32
      %and3A = arith.andi %ne3A, %ne3A_42 : i1
      %sub3A = arith.constant 1 : i32
      %sub3A_43 = arith.subi %div3A, %sub3A : i32
      %select_n3A_44 = arith.select %and3A, %sub3A_43, %div3A : i32
      %jit3A_45 = arith.constant 8 : i32
      %eq3A_46 = arith.constant 0 : i32
      %eq3A_47 = arith.cmpi eq, %jit3A_45, %eq3A_46 : i32
      %jit3A_48 = arith.constant 1 : i32
      %select_n3A_49 = arith.select %eq3A_47, %jit3A_48, %jit3A_45 : i32
      %rem3A_50 = arith.remsi %scan3A_25, %select_n3A_49 : i32
      %ne3A_51 = arith.constant 0 : i32
      %ne3A_52 = arith.cmpi ne, %rem3A_50, %ne3A_51 : i32
      %lt3A = arith.constant 0 : i32
      %lt3A_53 = arith.cmpi slt, %rem3A_50, %lt3A : i32
      %lt3A_54 = arith.constant 0 : i32
      %lt3A_55 = arith.cmpi slt, %select_n3A_49, %lt3A_54 : i32
      %ne3A_56 = arith.xori %lt3A_53, %lt3A_55 : i1
      %and3A_57 = arith.andi %ne3A_56, %ne3A_52 : i1
      %add3A_58 = arith.addi %rem3A_50, %select_n3A_49 : i32
      %select_n3A_59 = arith.select %and3A_57, %add3A_58, %rem3A_50 : i32
      %mul3A_60 = arith.constant 16 : i32
      %mul3A_61 = arith.muli %select_n3A_59, %mul3A_60 : i32
      %get3A = arith.index_cast %select_n3A_44 : i32 to index
      %get3A_62 = arith.index_cast %mul3A_61 : i32 to index
      %get3A_63 = tpu.vector_load %arg6[%get3A, %get3A_62] {strides = array<i32>} : memref<128x128xi32, #tpu.memory_space<vmem>>, vector<16xi32>,
      %ge3A = vector.broadcast %mul3A_2 : i32 to vector<16xi32>
      %ge3A_64 = arith.cmpi sge, %get3A_63, %ge3A : vector<16xi32>
      %add3A_65 = arith.constant 31248 : i32
      %add3A_66 = arith.addi %mul3A_2, %add3A_65 : i32
      %lt3A_67 = vector.broadcast %add3A_66 : i32 to vector<16xi32>
      %lt3A_68 = arith.cmpi slt, %get3A_63, %lt3A_67 : vector<16xi32>
      %and3A_69 = arith.andi %ge3A_64, %lt3A_68 : vector<16xi1>
      %ge3A_70 = vector.broadcast %select_n3A : i32 to vector<16xi32>
      %ge3A_71 = arith.cmpi sge, %get3A_63, %ge3A_70 : vector<16xi32>
      %or3A = arith.ori %and3A_69, %ge3A_71 : vector<16xi1>
      %sub3A_72 = vector.broadcast %mul3A_2 : i32 to vector<16xi32>
      %sub3A_73 = arith.subi %get3A_63, %sub3A_72 : vector<16xi32>
      %sub3A_74 = arith.constant 999936 : i32
      %sub3A_75 = vector.broadcast %sub3A_74 : i32 to vector<16xi32>
      %sub3A_76 = arith.subi %get3A_63, %sub3A_75 : vector<16xi32>
      %add3A_77 = arith.constant 31248 : i32
      %add3A_78 = vector.broadcast %add3A_77 : i32 to vector<16xi32>
      %add3A_79 = arith.addi %sub3A_76, %add3A_78 : vector<16xi32>
      %jit3A_80 = arith.constant 0 : i32
      %broadcast_in_dim3A_81 = vector.broadcast %jit3A_80 : i32 to vector<16xi32>
      %select_n3A_82 = arith.select %ge3A_71, %add3A_79, %broadcast_in_dim3A_81 : vector<16xi1>, vector<16xi32>
      %select_n3A_83 = arith.select %and3A_69, %sub3A_73, %select_n3A_82 : vector<16xi1>, vector<16xi32>
      %mul3A_84 = arith.constant 16 : i32
      %mul3A_85 = arith.muli %scan3A_25, %mul3A_84 : i32
      %add3A_86 = vector.broadcast %mul3A_85 : i32 to vector<16xi32>
      %add3A_87 = arith.addi %add3A_86, %iota3A : vector<16xi32>
      %eq3A_88 = arith.constant 0 : i32
      %eq3A_89 = vector.broadcast %eq3A_88 : i32 to vector<16xi32>
      %eq3A_90 = arith.cmpi eq, %iota3A, %eq3A_89 : vector<16xi32>
      %and3A_91 = arith.andi %or3A, %eq3A_90 : vector<16xi1>
      tpu.vector_store_idx %arg7[%select_n3A_83], %add3A_87 masked %and3A_91 : memref<31328xi32, #tpu.memory_space<vmem>>[vector<16xi32>], vector<16xi32>, vector<16xi1>
      %eq3A_92 = arith.constant 1 : i32
      %eq3A_93 = vector.broadcast %eq3A_92 : i32 to vector<16xi32>
      %eq3A_94 = arith.cmpi eq, %iota3A, %eq3A_93 : vector<16xi32>
      %and3A_95 = arith.andi %or3A, %eq3A_94 : vector<16xi1>
      tpu.vector_store_idx %arg7[%select_n3A_83], %add3A_87 masked %and3A_95 : memref<31328xi32, #tpu.memory_space<vmem>>[vector<16xi32>], vector<16xi32>, vector<16xi1>
      %eq3A_96 = arith.constant 2 : i32
      %eq3A_97 = vector.broadcast %eq3A_96 : i32 to vector<16xi32>
      %eq3A_98 = arith.cmpi eq, %iota3A, %eq3A_97 : vector<16xi32>
      %and3A_99 = arith.andi %or3A, %eq3A_98 : vector<16xi1>
      tpu.vector_store_idx %arg7[%select_n3A_83], %add3A_87 masked %and3A_99 : memref<31328xi32, #tpu.memory_space<vmem>>[vector<16xi32>], vector<16xi32>, vector<16xi1>
      %eq3A_100 = arith.constant 3 : i32
      %eq3A_101 = vector.broadcast %eq3A_100 : i32 to vector<16xi32>
      %eq3A_102 = arith.cmpi eq, %iota3A, %eq3A_101 : vector<16xi32>
      %and3A_103 = arith.andi %or3A, %eq3A_102 : vector<16xi1>
      tpu.vector_store_idx %arg7[%select_n3A_83], %add3A_87 masked %and3A_103 : memref<31328xi32, #tpu.memory_space<vmem>>[vector<16xi32>], vector<16xi32>, vector<16xi1>
      %eq3A_104 = arith.constant 4 : i32
      %eq3A_105 = vector.broadcast %eq3A_104 : i32 to vector<16xi32>
      %eq3A_106 = arith.cmpi eq, %iota3A, %eq3A_105 : vector<16xi32>
      %and3A_107 = arith.andi %or3A, %eq3A_106 : vector<16xi1>
      tpu.vector_store_idx %arg7[%select_n3A_83], %add3A_87 masked %and3A_107 : memref<31328xi32, #tpu.memory_space<vmem>>[vector<16xi32>], vector<16xi32>, vector<16xi1>
      %eq3A_108 = arith.constant 5 : i32
      %eq3A_109 = vector.broadcast %eq3A_108 : i32 to vector<16xi32>
      %eq3A_110 = arith.cmpi eq, %iota3A, %eq3A_109 : vector<16xi32>
      %and3A_111 = arith.andi %or3A, %eq3A_110 : vector<16xi1>
      tpu.vector_store_idx %arg7[%select_n3A_83], %add3A_87 masked %and3A_111 : memref<31328xi32, #tpu.memory_space<vmem>>[vector<16xi32>], vector<16xi32>, vector<16xi1>
      %eq3A_112 = arith.constant 6 : i32
      %eq3A_113 = vector.broadcast %eq3A_112 : i32 to vector<16xi32>
      %eq3A_114 = arith.cmpi eq, %iota3A, %eq3A_113 : vector<16xi32>
      %and3A_115 = arith.andi %or3A, %eq3A_114 : vector<16xi1>
      tpu.vector_store_idx %arg7[%select_n3A_83], %add3A_87 masked %and3A_115 : memref<31328xi32, #tpu.memory_space<vmem>>[vector<16xi32>], vector<16xi32>, vector<16xi1>
      %eq3A_116 = arith.constant 7 : i32
      %eq3A_117 = vector.broadcast %eq3A_116 : i32 to vector<16xi32>
      %eq3A_118 = arith.cmpi eq, %iota3A, %eq3A_117 : vector<16xi32>
      %and3A_119 = arith.andi %or3A, %eq3A_118 : vector<16xi1>
      tpu.vector_store_idx %arg7[%select_n3A_83], %add3A_87 masked %and3A_119 : memref<31328xi32, #tpu.memory_space<vmem>>[vector<16xi32>], vector<16xi32>, vector<16xi1>
      %eq3A_120 = arith.constant 8 : i32
      %eq3A_121 = vector.broadcast %eq3A_120 : i32 to vector<16xi32>
      %eq3A_122 = arith.cmpi eq, %iota3A, %eq3A_121 : vector<16xi32>
      %and3A_123 = arith.andi %or3A, %eq3A_122 : vector<16xi1>
      tpu.vector_store_idx %arg7[%select_n3A_83], %add3A_87 masked %and3A_123 : memref<31328xi32, #tpu.memory_space<vmem>>[vector<16xi32>], vector<16xi32>, vector<16xi1>
      %eq3A_124 = arith.constant 9 : i32
      %eq3A_125 = vector.broadcast %eq3A_124 : i32 to vector<16xi32>
      %eq3A_126 = arith.cmpi eq, %iota3A, %eq3A_125 : vector<16xi32>
      %and3A_127 = arith.andi %or3A, %eq3A_126 : vector<16xi1>
      tpu.vector_store_idx %arg7[%select_n3A_83], %add3A_87 masked %and3A_127 : memref<31328xi32, #tpu.memory_space<vmem>>[vector<16xi32>], vector<16xi32>, vector<16xi1>
      %eq3A_128 = arith.constant 10 : i32
      %eq3A_129 = vector.broadcast %eq3A_128 : i32 to vector<16xi32>
      %eq3A_130 = arith.cmpi eq, %iota3A, %eq3A_129 : vector<16xi32>
      %and3A_131 = arith.andi %or3A, %eq3A_130 : vector<16xi1>
      tpu.vector_store_idx %arg7[%select_n3A_83], %add3A_87 masked %and3A_131 : memref<31328xi32, #tpu.memory_space<vmem>>[vector<16xi32>], vector<16xi32>, vector<16xi1>
      %eq3A_132 = arith.constant 11 : i32
      %eq3A_133 = vector.broadcast %eq3A_132 : i32 to vector<16xi32>
      %eq3A_134 = arith.cmpi eq, %iota3A, %eq3A_133 : vector<16xi32>
      %and3A_135 = arith.andi %or3A, %eq3A_134 : vector<16xi1>
      tpu.vector_store_idx %arg7[%select_n3A_83], %add3A_87 masked %and3A_135 : memref<31328xi32, #tpu.memory_space<vmem>>[vector<16xi32>], vector<16xi32>, vector<16xi1>
      %eq3A_136 = arith.constant 12 : i32
      %eq3A_137 = vector.broadcast %eq3A_136 : i32 to vector<16xi32>
      %eq3A_138 = arith.cmpi eq, %iota3A, %eq3A_137 : vector<16xi32>
      %and3A_139 = arith.andi %or3A, %eq3A_138 : vector<16xi1>
      tpu.vector_store_idx %arg7[%select_n3A_83], %add3A_87 masked %and3A_139 : memref<31328xi32, #tpu.memory_space<vmem>>[vector<16xi32>], vector<16xi32>, vector<16xi1>
      %eq3A_140 = arith.constant 13 : i32
      %eq3A_141 = vector.broadcast %eq3A_140 : i32 to vector<16xi32>
      %eq3A_142 = arith.cmpi eq, %iota3A, %eq3A_141 : vector<16xi32>
      %and3A_143 = arith.andi %or3A, %eq3A_142 : vector<16xi1>
      tpu.vector_store_idx %arg7[%select_n3A_83], %add3A_87 masked %and3A_143 : memref<31328xi32, #tpu.memory_space<vmem>>[vector<16xi32>], vector<16xi32>, vector<16xi1>
      %eq3A_144 = arith.constant 14 : i32
      %eq3A_145 = vector.broadcast %eq3A_144 : i32 to vector<16xi32>
      %eq3A_146 = arith.cmpi eq, %iota3A, %eq3A_145 : vector<16xi32>
      %and3A_147 = arith.andi %or3A, %eq3A_146 : vector<16xi1>
      tpu.vector_store_idx %arg7[%select_n3A_83], %add3A_87 masked %and3A_147 : memref<31328xi32, #tpu.memory_space<vmem>>[vector<16xi32>], vector<16xi32>, vector<16xi1>
      %eq3A_148 = arith.constant 15 : i32
      %eq3A_149 = vector.broadcast %eq3A_148 : i32 to vector<16xi32>
      %eq3A_150 = arith.cmpi eq, %iota3A, %eq3A_149 : vector<16xi32>
      %and3A_151 = arith.andi %or3A, %eq3A_150 : vector<16xi1>
      tpu.vector_store_idx %arg7[%select_n3A_83], %add3A_87 masked %and3A_151 : memref<31328xi32, #tpu.memory_space<vmem>>[vector<16xi32>], vector<16xi32>, vector<16xi1>
      %scan3A_152 = arith.constant 0 : i32
      scf.yield %scan3A_152 : i32
    }
    %scan3A_10 = arith.constant 1024 : i32
    %scan3A_11 = arith.constant 0 : i32
    %scan3A_12 = arith.constant 0 : i32
    %scan3A_13 = arith.constant 1024 : i32
    %scan3A_14 = arith.addi %scan3A_12, %scan3A_13 : i32
    %scan3A_15 = arith.constant 1 : i32
    %scan3A_16 = scf.for %scan3A_25 = %scan3A_12 to %scan3A_14 step %scan3A_15 iter_args(%scan3A_26 = %scan3A_11) -> (i32)  : i32 {
      %jit3A_27 = arith.constant 8 : i32
      %div3A = arith.divsi %scan3A_25, %jit3A_27 : i32
      %sign3A = arith.constant 0 : i32
      %sign3A_28 = arith.cmpi sgt, %scan3A_25, %sign3A : i32
      %sign3A_29 = arith.extui %sign3A_28 : i1 to i32
      %sign3A_30 = arith.constant 0 : i32
      %sign3A_31 = arith.cmpi slt, %scan3A_25, %sign3A_30 : i32
      %sign3A_32 = arith.extui %sign3A_31 : i1 to i32
      %sign3A_33 = arith.subi %sign3A_29, %sign3A_32 : i32
      %sign3A_34 = arith.constant 0 : i32
      %sign3A_35 = arith.cmpi sgt, %jit3A_27, %sign3A_34 : i32
      %sign3A_36 = arith.extui %sign3A_35 : i1 to i32
      %sign3A_37 = arith.constant 0 : i32
      %sign3A_38 = arith.cmpi slt, %jit3A_27, %sign3A_37 : i32
      %sign3A_39 = arith.extui %sign3A_38 : i1 to i32
      %sign3A_40 = arith.subi %sign3A_36, %sign3A_39 : i32
      %ne3A = arith.cmpi ne, %sign3A_33, %sign3A_40 : i32
      %rem3A = arith.remsi %scan3A_25, %jit3A_27 : i32
      %ne3A_41 = arith.constant 0 : i32
      %ne3A_42 = arith.cmpi ne, %rem3A, %ne3A_41 : i32
      %and3A = arith.andi %ne3A, %ne3A_42 : i1
      %sub3A = arith.constant 1 : i32
      %sub3A_43 = arith.subi %div3A, %sub3A : i32
      %select_n3A_44 = arith.select %and3A, %sub3A_43, %div3A : i32
      %jit3A_45 = arith.constant 8 : i32
      %eq3A_46 = arith.constant 0 : i32
      %eq3A_47 = arith.cmpi eq, %jit3A_45, %eq3A_46 : i32
      %jit3A_48 = arith.constant 1 : i32
      %select_n3A_49 = arith.select %eq3A_47, %jit3A_48, %jit3A_45 : i32
      %rem3A_50 = arith.remsi %scan3A_25, %select_n3A_49 : i32
      %ne3A_51 = arith.constant 0 : i32
      %ne3A_52 = arith.cmpi ne, %rem3A_50, %ne3A_51 : i32
      %lt3A = arith.constant 0 : i32
      %lt3A_53 = arith.cmpi slt, %rem3A_50, %lt3A : i32
      %lt3A_54 = arith.constant 0 : i32
      %lt3A_55 = arith.cmpi slt, %select_n3A_49, %lt3A_54 : i32
      %ne3A_56 = arith.xori %lt3A_53, %lt3A_55 : i1
      %and3A_57 = arith.andi %ne3A_56, %ne3A_52 : i1
      %add3A_58 = arith.addi %rem3A_50, %select_n3A_49 : i32
      %select_n3A_59 = arith.select %and3A_57, %add3A_58, %rem3A_50 : i32
      %mul3A_60 = arith.constant 16 : i32
      %mul3A_61 = arith.muli %select_n3A_59, %mul3A_60 : i32
      %get3A = arith.index_cast %select_n3A_44 : i32 to index
      %get3A_62 = arith.index_cast %mul3A_61 : i32 to index
      %get3A_63 = tpu.vector_load %arg6[%get3A, %get3A_62] {strides = array<i32>} : memref<128x128xi32, #tpu.memory_space<vmem>>, vector<16xi32>,
      %ge3A = vector.broadcast %mul3A_2 : i32 to vector<16xi32>
      %ge3A_64 = arith.cmpi sge, %get3A_63, %ge3A : vector<16xi32>
      %add3A_65 = arith.constant 31248 : i32
      %add3A_66 = arith.addi %mul3A_2, %add3A_65 : i32
      %lt3A_67 = vector.broadcast %add3A_66 : i32 to vector<16xi32>
      %lt3A_68 = arith.cmpi slt, %get3A_63, %lt3A_67 : vector<16xi32>
      %and3A_69 = arith.andi %ge3A_64, %lt3A_68 : vector<16xi1>
      %ge3A_70 = vector.broadcast %select_n3A : i32 to vector<16xi32>
      %ge3A_71 = arith.cmpi sge, %get3A_63, %ge3A_70 : vector<16xi32>
      %or3A = arith.ori %and3A_69, %ge3A_71 : vector<16xi1>
      %sub3A_72 = vector.broadcast %mul3A_2 : i32 to vector<16xi32>
      %sub3A_73 = arith.subi %get3A_63, %sub3A_72 : vector<16xi32>
      %sub3A_74 = arith.constant 999936 : i32
      %sub3A_75 = vector.broadcast %sub3A_74 : i32 to vector<16xi32>
      %sub3A_76 = arith.subi %get3A_63, %sub3A_75 : vector<16xi32>
      %add3A_77 = arith.constant 31248 : i32
      %add3A_78 = vector.broadcast %add3A_77 : i32 to vector<16xi32>
      %add3A_79 = arith.addi %sub3A_76, %add3A_78 : vector<16xi32>
      %jit3A_80 = arith.constant 0 : i32
      %broadcast_in_dim3A_81 = vector.broadcast %jit3A_80 : i32 to vector<16xi32>
      %select_n3A_82 = arith.select %ge3A_71, %add3A_79, %broadcast_in_dim3A_81 : vector<16xi1>, vector<16xi32>
      %select_n3A_83 = arith.select %and3A_69, %sub3A_73, %select_n3A_82 : vector<16xi1>, vector<16xi32>
      %mul3A_84 = arith.constant 16 : i32
      %mul3A_85 = arith.muli %scan3A_25, %mul3A_84 : i32
      %add3A_86 = vector.broadcast %mul3A_85 : i32 to vector<16xi32>
      %add3A_87 = arith.addi %add3A_86, %iota3A : vector<16xi32>
      %gather3A = tpu.vector_load_idx %arg7[%select_n3A_83] masked %or3A : memref<31328xi32, #tpu.memory_space<vmem>>[vector<16xi32>], vector<16xi32>, vector<16xi1>
      %eq3A_88 = arith.cmpi eq, %gather3A, %add3A_87 : vector<16xi32>
      %and3A_89 = arith.andi %or3A, %eq3A_88 : vector<16xi1>
      %convert_element_type3A = arith.extui %and3A_89 : vector<16xi1> to vector<16xi32>
      %broadcast_in_dim3A_90 = arith.constant true
      %broadcast_in_dim3A_91 = vector.broadcast %broadcast_in_dim3A_90 : i1 to vector<16xi1>
      %masked_cumsum3A = tpu.scan <sum>, %convert_element_type3A masked %broadcast_in_dim3A_91 : vector<16xi32>, vector<16xi1> -> vector<16xi32>
      %add3A_92 = vector.broadcast %scan3A_26 : i32 to vector<16xi32>
      %add3A_93 = arith.addi %add3A_92, %masked_cumsum3A : vector<16xi32>
      %sub3A_94 = arith.constant 1 : i32
      %sub3A_95 = vector.broadcast %sub3A_94 : i32 to vector<16xi32>
      %sub3A_96 = arith.subi %add3A_93, %sub3A_95 : vector<16xi32>
      %shift_right_logical3A = arith.constant 7 : i32
      %shift_right_logical3A_97 = vector.broadcast %shift_right_logical3A : i32 to vector<16xi32>
      %shift_right_logical3A_98 = arith.shrui %sub3A_96, %shift_right_logical3A_97 : vector<16xi32>
      %and3A_99 = arith.constant 127 : i32
      %and3A_100 = vector.broadcast %and3A_99 : i32 to vector<16xi32>
      %and3A_101 = arith.andi %sub3A_96, %and3A_100 : vector<16xi32>
      tpu.vector_store_idx %arg8[%shift_right_logical3A_98, %and3A_101], %select_n3A_83 masked %and3A_89 : memref<128x128xi32, #tpu.memory_space<vmem>>[vector<16xi32>, vector<16xi32>], vector<16xi32>, vector<16xi1>
      tpu.vector_store_idx %arg9[%shift_right_logical3A_98, %and3A_101], %add3A_87 masked %and3A_89 : memref<128x128xi32, #tpu.memory_space<vmem>>[vector<16xi32>, vector<16xi32>], vector<16xi32>, vector<16xi1>
      %convert_element_type3A_102 = arith.extui %and3A_89 : vector<16xi1> to vector<16xi32>
      %reduce_sum3A = arith.constant true
      %reduce_sum3A_103 = vector.broadcast %reduce_sum3A : i1 to vector<16xi1>
      %reduce_sum3A_104 = tpu.scan <sum>, %convert_element_type3A_102 masked %reduce_sum3A_103 : vector<16xi32>, vector<16xi1> -> vector<16xi32>
      %reduce_sum3A_105 = vector.extract %reduce_sum3A_104[15] : i32 from vector<16xi32>
      %add3A_106 = arith.addi %scan3A_26, %reduce_sum3A_105 : i32
      scf.yield %add3A_106 : i32
    }
    %scan3A_17 = arith.constant 1024 : i32
    %eq3A_18 = arith.constant 0 : i32
    %eq3A_19 = vector.broadcast %eq3A_18 : i32 to vector<16xi32>
    %eq3A_20 = arith.cmpi eq, %iota3A, %eq3A_19 : vector<16xi32>
    %jit3A_21 = arith.constant 0 : i32
    %broadcast_in_dim3A = vector.broadcast %scan3A_16 : i32 to vector<16xi32>
    %broadcast_in_dim3A_22 = vector.broadcast %jit3A_21 : i32 to vector<16xi32>
    %select_n3A_23 = arith.select %eq3A_20, %broadcast_in_dim3A, %broadcast_in_dim3A_22 : vector<16xi1>, vector<16xi32>
    %swap3A = arith.constant 0 : index
    %swap3A_24 = tpu.vector_load %arg10[%swap3A] {strides = array<i32>} : memref<16xi32, #tpu.memory_space<vmem>>, vector<16xi32>,
    tpu.vector_store %arg10[%swap3A], %select_n3A_23 {strides = array<i32>} : memref<16xi32, #tpu.memory_space<vmem>>, vector<16xi32>,
    "tpu.region"() ({
      %run_scoped3A = tpu.sem_alloc : memref<!tpu.dma_semaphore, #tpu.memory_space<semaphore_mem>>
      %dma_start3A = arith.constant 0 : i32
      %dma_start3A_25 = arith.constant 0 : i32
      %dma_start3A_26 = tpu.memref_slice %arg3[%add3A, %dma_start3A, %dma_start3A_25] : memref<32x128x128xi32, #tpu.memory_space<hbm>> -> memref<1x128x128xi32, #tpu.memory_space<hbm>>
      %dma_start3A_27 = tpu.memref_squeeze %dma_start3A_26 : memref<1x128x128xi32, #tpu.memory_space<hbm>> -> memref<128x128xi32, #tpu.memory_space<hbm>>
      %dma_start3A_28 = arith.constant 0 : i32
      %dma_start3A_29 = arith.constant 0 : i32
      %dma_start3A_30 = tpu.memref_slice %arg3[%add3A, %dma_start3A_28, %dma_start3A_29] : memref<32x128x128xi32, #tpu.memory_space<hbm>> -> memref<1x128x128xi32, #tpu.memory_space<hbm>>
      %dma_start3A_31 = tpu.memref_squeeze %dma_start3A_30 : memref<1x128x128xi32, #tpu.memory_space<hbm>> -> memref<128x128xi32, #tpu.memory_space<hbm>>
      tpu.enqueue_dma source(%arg8 : memref<128x128xi32, #tpu.memory_space<vmem>>) target(%dma_start3A_31 : memref<128x128xi32, #tpu.memory_space<hbm>>) target_semaphore(%run_scoped3A : memref<!tpu.dma_semaphore, #tpu.memory_space<semaphore_mem>>)
      %dma_wait3A = arith.constant 0 : i32
      %dma_wait3A_32 = arith.constant 0 : i32
      %dma_wait3A_33 = tpu.memref_slice %arg3[%add3A, %dma_wait3A, %dma_wait3A_32] : memref<32x128x128xi32, #tpu.memory_space<hbm>> -> memref<1x128x128xi32, #tpu.memory_space<hbm>>
      %dma_wait3A_34 = tpu.memref_squeeze %dma_wait3A_33 : memref<1x128x128xi32, #tpu.memory_space<hbm>> -> memref<128x128xi32, #tpu.memory_space<hbm>>
      %dma_wait3A_35 = arith.constant 0 : i32
      %dma_wait3A_36 = arith.constant 0 : i32
      %dma_wait3A_37 = tpu.memref_slice %arg3[%add3A, %dma_wait3A_35, %dma_wait3A_36] : memref<32x128x128xi32, #tpu.memory_space<hbm>> -> memref<1x128x128xi32, #tpu.memory_space<hbm>>
      %dma_wait3A_38 = tpu.memref_squeeze %dma_wait3A_37 : memref<1x128x128xi32, #tpu.memory_space<hbm>> -> memref<128x128xi32, #tpu.memory_space<hbm>>
      tpu.wait_dma2 semaphore(%run_scoped3A : memref<!tpu.dma_semaphore, #tpu.memory_space<semaphore_mem>>) src(%arg8 : memref<128x128xi32, #tpu.memory_space<vmem>>) dst(%dma_wait3A_38 : memref<128x128xi32, #tpu.memory_space<hbm>>)
      tpu.yield
    }) : () -> ()
    "tpu.region"() ({
      %run_scoped3A = tpu.sem_alloc : memref<!tpu.dma_semaphore, #tpu.memory_space<semaphore_mem>>
      %dma_start3A = arith.constant 0 : i32
      %dma_start3A_25 = arith.constant 0 : i32
      %dma_start3A_26 = tpu.memref_slice %arg4[%add3A, %dma_start3A, %dma_start3A_25] : memref<32x128x128xi32, #tpu.memory_space<hbm>> -> memref<1x128x128xi32, #tpu.memory_space<hbm>>
      %dma_start3A_27 = tpu.memref_squeeze %dma_start3A_26 : memref<1x128x128xi32, #tpu.memory_space<hbm>> -> memref<128x128xi32, #tpu.memory_space<hbm>>
      %dma_start3A_28 = arith.constant 0 : i32
      %dma_start3A_29 = arith.constant 0 : i32
      %dma_start3A_30 = tpu.memref_slice %arg4[%add3A, %dma_start3A_28, %dma_start3A_29] : memref<32x128x128xi32, #tpu.memory_space<hbm>> -> memref<1x128x128xi32, #tpu.memory_space<hbm>>
      %dma_start3A_31 = tpu.memref_squeeze %dma_start3A_30 : memref<1x128x128xi32, #tpu.memory_space<hbm>> -> memref<128x128xi32, #tpu.memory_space<hbm>>
      tpu.enqueue_dma source(%arg9 : memref<128x128xi32, #tpu.memory_space<vmem>>) target(%dma_start3A_31 : memref<128x128xi32, #tpu.memory_space<hbm>>) target_semaphore(%run_scoped3A : memref<!tpu.dma_semaphore, #tpu.memory_space<semaphore_mem>>)
      %dma_wait3A = arith.constant 0 : i32
      %dma_wait3A_32 = arith.constant 0 : i32
      %dma_wait3A_33 = tpu.memref_slice %arg4[%add3A, %dma_wait3A, %dma_wait3A_32] : memref<32x128x128xi32, #tpu.memory_space<hbm>> -> memref<1x128x128xi32, #tpu.memory_space<hbm>>
      %dma_wait3A_34 = tpu.memref_squeeze %dma_wait3A_33 : memref<1x128x128xi32, #tpu.memory_space<hbm>> -> memref<128x128xi32, #tpu.memory_space<hbm>>
      %dma_wait3A_35 = arith.constant 0 : i32
      %dma_wait3A_36 = arith.constant 0 : i32
      %dma_wait3A_37 = tpu.memref_slice %arg4[%add3A, %dma_wait3A_35, %dma_wait3A_36] : memref<32x128x128xi32, #tpu.memory_space<hbm>> -> memref<1x128x128xi32, #tpu.memory_space<hbm>>
      %dma_wait3A_38 = tpu.memref_squeeze %dma_wait3A_37 : memref<1x128x128xi32, #tpu.memory_space<hbm>> -> memref<128x128xi32, #tpu.memory_space<hbm>>
      tpu.wait_dma2 semaphore(%run_scoped3A : memref<!tpu.dma_semaphore, #tpu.memory_space<semaphore_mem>>) src(%arg9 : memref<128x128xi32, #tpu.memory_space<vmem>>) dst(%dma_wait3A_38 : memref<128x128xi32, #tpu.memory_space<hbm>>)
      tpu.yield
    }) : () -> ()
    "tpu.region"() ({
      %run_scoped3A = tpu.sem_alloc : memref<!tpu.dma_semaphore, #tpu.memory_space<semaphore_mem>>
      %dma_start3A = arith.constant 0 : i32
      %dma_start3A_25 = tpu.memref_slice %arg5[%add3A, %dma_start3A] : memref<32x16xi32, #tpu.memory_space<hbm>> -> memref<1x16xi32, #tpu.memory_space<hbm>>
      %dma_start3A_26 = tpu.memref_squeeze %dma_start3A_25 : memref<1x16xi32, #tpu.memory_space<hbm>> -> memref<16xi32, #tpu.memory_space<hbm>>
      %dma_start3A_27 = arith.constant 0 : i32
      %dma_start3A_28 = tpu.memref_slice %arg5[%add3A, %dma_start3A_27] : memref<32x16xi32, #tpu.memory_space<hbm>> -> memref<1x16xi32, #tpu.memory_space<hbm>>
      %dma_start3A_29 = tpu.memref_squeeze %dma_start3A_28 : memref<1x16xi32, #tpu.memory_space<hbm>> -> memref<16xi32, #tpu.memory_space<hbm>>
      tpu.enqueue_dma source(%arg10 : memref<16xi32, #tpu.memory_space<vmem>>) target(%dma_start3A_29 : memref<16xi32, #tpu.memory_space<hbm>>) target_semaphore(%run_scoped3A : memref<!tpu.dma_semaphore, #tpu.memory_space<semaphore_mem>>)
      %dma_wait3A = arith.constant 0 : i32
      %dma_wait3A_30 = tpu.memref_slice %arg5[%add3A, %dma_wait3A] : memref<32x16xi32, #tpu.memory_space<hbm>> -> memref<1x16xi32, #tpu.memory_space<hbm>>
      %dma_wait3A_31 = tpu.memref_squeeze %dma_wait3A_30 : memref<1x16xi32, #tpu.memory_space<hbm>> -> memref<16xi32, #tpu.memory_space<hbm>>
      %dma_wait3A_32 = arith.constant 0 : i32
      %dma_wait3A_33 = tpu.memref_slice %arg5[%add3A, %dma_wait3A_32] : memref<32x16xi32, #tpu.memory_space<hbm>> -> memref<1x16xi32, #tpu.memory_space<hbm>>
      %dma_wait3A_34 = tpu.memref_squeeze %dma_wait3A_33 : memref<1x16xi32, #tpu.memory_space<hbm>> -> memref<16xi32, #tpu.memory_space<hbm>>
      tpu.wait_dma2 semaphore(%run_scoped3A : memref<!tpu.dma_semaphore, #tpu.memory_space<semaphore_mem>>) src(%arg10 : memref<16xi32, #tpu.memory_space<vmem>>) dst(%dma_wait3A_34 : memref<16xi32, #tpu.memory_space<hbm>>)
      tpu.yield
    }) : () -> ()
    return
  }
}

module attributes {stable_mosaic.version = 14 : i64} {
  func.func @_compute_body(%arg0: i32, %arg1: memref<2048x100xf32, #tpu.memory_space<vmem>>, %arg2: memref<2048x128xf32, #tpu.memory_space<vmem>>, %arg3: memref<2048x100xf32, #tpu.memory_space<vmem>>, %arg4: memref<1x1xf32, #tpu.memory_space<smem>>) attributes {dimension_semantics = [#tpu.dimension_semantics<arbitrary>], iteration_bounds = array<i64: 8>, scalar_prefetch = 0 : i64, scratch_operands = 0 : i64, tpu.core_type = #tpu.core_type<tc>, window_params = [{transform_indices = @transform_0, window_bounds = array<i64: 2048, 100>}, {transform_indices = @transform_1, window_bounds = array<i64: 2048, 128>}, {transform_indices = @transform_2, window_bounds = array<i64: 2048, 100>}, {transform_indices = @transform_3, window_bounds = array<i64: 1, 1>}]} {
    %get3A = arith.constant 0 : index
    %get3A_0 = arith.constant 0 : index
    %get3A_1 = vector.load %arg1[%get3A, %get3A_0] : memref<2048x100xf32, #tpu.memory_space<vmem>>, vector<2048x100xf32>
    %get3A_2 = arith.constant 0 : index
    %get3A_3 = arith.constant 0 : index
    %get3A_4 = vector.load %arg2[%get3A_2, %get3A_3] : memref<2048x128xf32, #tpu.memory_space<vmem>>, vector<2048x100xf32>
    %reduce_max3A = arith.constant dense<0xFF800000> : vector<2048xf32>
    %reduce_max3A_5 = vector.multi_reduction <maximumf>, %get3A_1, %reduce_max3A [1] : vector<2048x100xf32> to vector<2048xf32>
    %broadcast_in_dim3A = vector.shape_cast %reduce_max3A_5 : vector<2048xf32> to vector<2048x1xf32>
    %sub3A = vector.broadcast %broadcast_in_dim3A : vector<2048x1xf32> to vector<2048x100xf32>
    %sub3A_6 = arith.subf %get3A_1, %sub3A : vector<2048x100xf32>
    %exp3A = math.exp %sub3A_6 : vector<2048x100xf32>
    %reduce_sum3A = arith.constant dense<0.000000e+00> : vector<2048xf32>
    %reduce_sum3A_7 = vector.multi_reduction <add>, %exp3A, %reduce_sum3A [1] : vector<2048x100xf32> to vector<2048xf32>
    %broadcast_in_dim3A_8 = vector.shape_cast %reduce_sum3A_7 : vector<2048xf32> to vector<2048x1xf32>
    %div3A = vector.broadcast %broadcast_in_dim3A_8 : vector<2048x1xf32> to vector<2048x100xf32>
    %div3A_9 = arith.divf %exp3A, %div3A : vector<2048x100xf32>
    %sub3A_10 = vector.broadcast %broadcast_in_dim3A : vector<2048x1xf32> to vector<2048x100xf32>
    %sub3A_11 = arith.subf %get3A_1, %sub3A_10 : vector<2048x100xf32>
    %log3A = math.log %broadcast_in_dim3A_8 : vector<2048x1xf32>
    %sub3A_12 = vector.broadcast %log3A : vector<2048x1xf32> to vector<2048x100xf32>
    %sub3A_13 = arith.subf %sub3A_11, %sub3A_12 : vector<2048x100xf32>
    %mul3A = arith.mulf %get3A_4, %sub3A_13 : vector<2048x100xf32>
    %reduce_sum3A_14 = vector.shape_cast %mul3A : vector<2048x100xf32> to vector<1x2048x100xf32>
    %reduce_sum3A_15 = arith.constant dense<0.000000e+00> : vector<1xf32>
    %reduce_sum3A_16 = vector.multi_reduction <add>, %reduce_sum3A_14, %reduce_sum3A_15 [1, 2] : vector<1x2048x100xf32> to vector<1xf32>
    %reduce_sum3A_17 = vector.shape_cast %reduce_sum3A_16 : vector<1xf32> to vector<1x1x1xf32>
    %reduce_sum3A_18 = vector.extract %reduce_sum3A_17[0, 0, 0] : f32 from vector<1x1x1xf32>
    %gt3A = arith.constant 0.000000e+00 : f32
    %gt3A_19 = vector.broadcast %gt3A : f32 to vector<2048x100xf32>
    %gt3A_20 = arith.cmpf ogt, %get3A_4, %gt3A_19 : vector<2048x100xf32>
    %broadcast_in_dim3A_21 = arith.constant 0.000000e+00 : f32
    %broadcast_in_dim3A_22 = vector.broadcast %broadcast_in_dim3A_21 : f32 to vector<2048x100xf32>
    %select_n3A = arith.select %gt3A_20, %div3A_9, %broadcast_in_dim3A_22 : vector<2048x100xi1>, vector<2048x100xf32>
    %reduce_sum3A_23 = arith.constant dense<0.000000e+00> : vector<2048xf32>
    %reduce_sum3A_24 = vector.multi_reduction <add>, %select_n3A, %reduce_sum3A_23 [1] : vector<2048x100xf32> to vector<2048xf32>
    %broadcast_in_dim3A_25 = vector.shape_cast %reduce_sum3A_24 : vector<2048xf32> to vector<2048x1xf32>
    %div3A_26 = vector.broadcast %broadcast_in_dim3A_25 : vector<2048x1xf32> to vector<2048x100xf32>
    %div3A_27 = arith.divf %select_n3A, %div3A_26 : vector<2048x100xf32>
    %swap3A = arith.constant 0 : index
    %swap3A_28 = arith.constant 0 : index
    %swap3A_29 = vector.load %arg3[%swap3A, %swap3A_28] : memref<2048x100xf32, #tpu.memory_space<vmem>>, vector<2048x100xf32>
    tpu.vector_store %arg3[%swap3A, %swap3A_28], %div3A_27 {strides = array<i32>} : memref<2048x100xf32, #tpu.memory_space<vmem>>, vector<2048x100xf32>,
    %eq3A = arith.constant 0 : i32
    %eq3A_30 = arith.cmpi eq, %arg0, %eq3A : i32
    %convert_element_type3A = arith.extui %eq3A_30 : i1 to i32
    %cond3A = arith.constant 0 : i32
    %cond3A_31 = arith.cmpi ne, %convert_element_type3A, %cond3A : i32
    scf.if %cond3A_31 {
      %swap3A_41 = arith.constant 0.000000e+00 : f32
      %swap3A_42 = arith.constant 0 : index
      %swap3A_43 = arith.constant 0 : index
      %swap3A_44 = memref.load %arg4[%swap3A_42, %swap3A_43] : memref<1x1xf32, #tpu.memory_space<smem>>
      memref.store %swap3A_41, %arg4[%swap3A_42, %swap3A_43] : memref<1x1xf32, #tpu.memory_space<smem>>
    } else {
    }
    %get3A_32 = arith.constant 0 : index
    %get3A_33 = arith.constant 0 : index
    %get3A_34 = memref.load %arg4[%get3A_32, %get3A_33] : memref<1x1xf32, #tpu.memory_space<smem>>
    %neg3A = arith.constant 0.000000e+00 : f32
    %neg3A_35 = arith.subf %neg3A, %reduce_sum3A_18 : f32
    %div3A_36 = arith.constant 1.638400e+04 : f32
    %div3A_37 = arith.divf %neg3A_35, %div3A_36 : f32
    %add3A = arith.addf %get3A_34, %div3A_37 : f32
    %swap3A_38 = arith.constant 0 : index
    %swap3A_39 = arith.constant 0 : index
    %swap3A_40 = memref.load %arg4[%swap3A_38, %swap3A_39] : memref<1x1xf32, #tpu.memory_space<smem>>
    memref.store %add3A, %arg4[%swap3A_38, %swap3A_39] : memref<1x1xf32, #tpu.memory_space<smem>>
    return
  }
  func.func @transform_0(%arg0: i32) -> (i32, i32) {
    %c0_i32 = arith.constant 0 : i32
    %c0_i32_0 = arith.constant 0 : i32
    return %arg0, %c0_i32 : i32, i32
  }
  func.func @transform_1(%arg0: i32) -> (i32, i32) {
    %c0_i32 = arith.constant 0 : i32
    %c0_i32_0 = arith.constant 0 : i32
    return %arg0, %c0_i32 : i32, i32
  }
  func.func @transform_2(%arg0: i32) -> (i32, i32) {
    %c0_i32 = arith.constant 0 : i32
    %c0_i32_0 = arith.constant 0 : i32
    return %arg0, %c0_i32 : i32, i32
  }
  func.func @transform_3(%arg0: i32) -> (i32, i32) {
    %c0_i32 = arith.constant 0 : i32
    %c0_i32_0 = arith.constant 0 : i32
    %c0_i32_1 = arith.constant 0 : i32
    return %c0_i32, %c0_i32_0 : i32, i32
  }
}

</mosaic_0001>

<sc_bundles>
// kernel: _.3.cloned.1.call-start
scs
__scs_entry_jumppad:
0x0: {  	(pc) =	sbr.rel $0x88, $3  }
0x1: {  	(tag) =	ssettag $0x0;
	lr =	simm.s32 $0x1  }
0x2: {  	[smem:$0x3F9E] =	sst lr;
	_ =	strace $0xD0000000  }
0x3: {  	_ = 	snop  }
0x4: {  	_ = 	snop  }
0x5: {  	_ = 	snop  }
0x6: {  	_ = 	snop  }
0x7: {  	_ = 	snop  }
__scs_overlays_trampoline_lowered:
0x8: {  	[smem:$0x3FAD] =	sst s0  }
0x9: {  	[smem:$0x3FAE] =	sst s1  }
0xa: {  	[smem:$0x3FAF] =	sst s2  }
0xb: {  	[smem:$0x3FB0] =	sst s3  }
0xc: {  	[smem:$0x3FB1] =	sst s4  }
0xd: {  	[smem:$0x3FB2] =	sst s5  }
0xe: {  	[smem:$0x3FB3] =	sst s6  }
0xf: {  	[smem:$0x3FB4] =	sst s7  }
0x10: {  	[smem:$0x3FB5] =	sst s8  }
0x11: {  	[smem:$0x3FB6] =	sst s9;
	s0 =	simm.s32 @!p0 $0x0  }
0x12: {  	s1 =	sld [smem:$0x3F9C];
	s0 =	simm.s32 @p0 $0x1  }
0x13: {  	[smem:$0x3FB7] =	sst s0;
	s0 =	simm.s32 @!p1 $0x0  }
0x14: {  	s2 =	sld [smem:$0x3F9B];
	s0 =	simm.s32 @p1 $0x1  }
0x15: {  	[smem:$0x3FB8] =	sst s0;
	s0 =	simm.s32 @!p2 $0x0  }
0x16: {  	s3 =	sld [smem:$0x3FDB];
	s0 =	simm.s32 @p2 $0x1  }
0x17: {  	s4 =	simm.s32 $0x1BF5;
	[smem:$0x3FBA] =	sst s0  }
0x18: {  	s0 =	sld [smem:$0x3F9D];
	_ =	swait.ge [sflag:s4], $0x0  }
0x19: {  	s7 =	sld [smem:$0x3F9E]  }
0x1a: {  	s8 =	sadd.s32 $0xFFFFE003, lr  }
0x1b: {  	s9 =	sadd.s32 $0xFFFFFEF7, lr;
	s5 =	simm.s32 $0xFFFFFFFF;
	p2 =	slt.u32 s8, $0xFFFFF086  }
0x1c: {  	p1 =	slt.u32 s9, $0xF7A;
	s5 =	simm.s32 @!p2 $0x0  }
0x1d: {  	s5 =	simm.s32 @p1 $0x1;
	p0 =	seq.s32 s7, s2  }
0x1e: {  	s7 =	smul.u32 @!p0 $0xF7A, s2;
	p2 =	seq.s32 @!p0 s5, $0x0  }
0x1f: {  	s9 =	smul.u32 $0xF7A, s1;
	s8 =	simm.s32 @!p0 $0x1BF5;
	p2 =	por !p2, p0  }
0x20: {  	[sflag:s8] =	ssyncset.s32 @!p0 $0xFFFFF086;
	s6 =	sadd.s32 @!p0 s3, s7;
	s7 =	simm.s32 @!p0 $0x108  }
0x21: {  	s3 =	sadd.s32 s3, s9;
	s6 =	sadd.s32 @!p0 $0x88, s6;
	s7 =	simm.s32 @p2 $0x1082  }
0x22: {  	[simem:s7], [sflag:s8] =	dma.local @!p0 [hbm:s6], $0xF7A  }
0x23: {  	s9 =	sor.u32 $0xD0000000, s2;
	s6 =	simm.s32 $0x108;
	_ =	swait.ge @!p0 [sflag:s8], $0x0  }
0x24: {  	s3 =	sadd.s32 $0x88, s3;
	s6 =	simm.s32 @!p1 $0x1082;
	[sflag:s4] =	ssyncset.s32 $0xFFFFF086  }
0x25: {  	[simem:s6], [sflag:s4] =	dma.local [hbm:s3], $0xF7A  }
0x26: {  	[smem:$0x3F9E] =	sst s1;
	(tag) =	ssettag s2;
	_ =	strace s9  }
0x27: {  	s1 =	sld [smem:$0x3FAE]  }
0x28: {  	s2 =	sld [smem:$0x3FAF]  }
0x29: {  	s4 =	sld [smem:$0x3FB1]  }
0x2a: {  	p0 =	seq.s32 s5, $0x0;
	s5 =	sld [smem:$0x3FB2]  }
0x2b: {  	s6 =	sld [smem:$0x3FB3]  }
0x2c: {  	s7 =	sld [smem:$0x3FB4]  }
0x2d: {  	s3 =	simm.s32 $0x108;
	s8 =	sld [smem:$0x3FB5]  }
0x2e: {  	s3 =	simm.s32 @!p0 $0x1082;
	s9 =	sld [smem:$0x3FB6]  }
0x2f: {  	lr =	sadd.s32 s0, s3;
	s0 =	sld [smem:$0x3FAD]  }
0x30: {  	s3 =	sld [smem:$0x3FB0]  }
0x31: {  	[smem:$0x3FB9] =	sst s10  }
0x32: {  	s10 =	sld [smem:$0x3FB7];
	_ =	sdelay $0x3  }
0x33: {  	p0 =	seq.s32 s10, $0x1;
	s10 =	sld [smem:$0x3FB9];
	_ =	sdelay $0x3  }
0x34: {  	[smem:$0x3FB9] =	sst s10  }
0x35: {  	s10 =	sld [smem:$0x3FB8];
	_ =	sdelay $0x3  }
0x36: {  	p1 =	seq.s32 s10, $0x1;
	s10 =	sld [smem:$0x3FB9];
	_ =	sdelay $0x3  }
0x37: {  	[smem:$0x3FB9] =	sst s10  }
0x38: {  	s10 =	sld [smem:$0x3FBA]  }
0x39: {  	_ = 	snop;
	(pc) =	sbr.ind lr, $3  }
0x3a: {  	_ = 	snop  }
0x3b: {  	_ = 	snop  }
0x3c: {  	p2 =	seq.s32 s10, $0x1;
	s10 =	sld [smem:$0x3FB9]  }
0x3d: {  	_ =	shalt  }
0x3e: {  	_ =	shalt  }
0x3f: {  	_ =	shalt  }
0x40: {  	_ =	shalt  }
0x41: {  	_ =	shalt  }
0x42: {  	_ =	shalt  }
0x43: {  	_ =	shalt  }
0x44: {  	_ =	shalt  }
0x45: {  	_ =	shalt  }
0x46: {  	_ =	shalt  }
0x47: {  	_ =	shalt  }
0x48: {  	_ =	shalt  }
0x49: {  	_ =	shalt  }
0x4a: {  	_ =	shalt  }
0x4b: {  	_ =	shalt  }
0x4c: {  	_ =	shalt  }
0x4d: {  	_ =	shalt  }
0x4e: {  	_ =	shalt  }
0x4f: {  	_ =	shalt  }
0x50: {  	_ =	shalt  }
0x51: {  	_ =	shalt  }
0x52: {  	_ =	shalt  }
0x53: {  	_ =	shalt  }
0x54: {  	_ =	shalt  }
0x55: {  	_ =	shalt  }
0x56: {  	_ =	shalt  }
0x57: {  	_ =	shalt  }
0x58: {  	_ =	shalt  }
0x59: {  	_ =	shalt  }
0x5a: {  	_ =	shalt  }
0x5b: {  	_ =	shalt  }
0x5c: {  	_ =	shalt  }
0x5d: {  	_ =	shalt  }
0x5e: {  	_ =	shalt  }
0x5f: {  	_ =	shalt  }
0x60: {  	_ =	shalt  }
0x61: {  	_ =	shalt  }
0x62: {  	_ =	shalt  }
0x63: {  	_ =	shalt  }
0x64: {  	_ =	shalt  }
0x65: {  	_ =	shalt  }
0x66: {  	_ =	shalt  }
0x67: {  	_ =	shalt  }
0x68: {  	_ =	shalt  }
0x69: {  	_ =	shalt  }
0x6a: {  	_ =	shalt  }
0x6b: {  	_ =	shalt  }
0x6c: {  	_ =	shalt  }
0x6d: {  	_ =	shalt  }
0x6e: {  	_ =	shalt  }
0x6f: {  	_ =	shalt  }
0x70: {  	_ =	shalt  }
0x71: {  	_ =	shalt  }
0x72: {  	_ =	shalt  }
0x73: {  	_ =	shalt  }
0x74: {  	_ =	shalt  }
0x75: {  	_ =	shalt  }
0x76: {  	_ =	shalt  }
0x77: {  	_ =	shalt  }
0x78: {  	_ =	shalt  }
0x79: {  	_ =	shalt  }
0x7a: {  	_ =	shalt  }
0x7b: {  	_ =	shalt  }
0x7c: {  	_ =	shalt  }
0x7d: {  	_ =	shalt  }
0x7e: {  	_ =	shalt  }
0x7f: {  	_ =	shalt  }
0x80: {  	_ =	shalt  }
0x81: {  	_ =	shalt  }
0x82: {  	_ =	shalt  }
0x83: {  	_ =	shalt  }
0x84: {  	_ =	shalt  }
0x85: {  	_ =	shalt  }
0x86: {  	_ =	shalt  }
0x87: {  	_ =	shalt  }
.Lfunc_end0:
.L_simem_size_0:
called_computation.2_lowered:
.L_overlay_start_0:
0x88: {  	s2 =	sld [smem:$0x3FD9]  }
0x89: {  	s3 =	sld [smem:$0x3FFE];
	_ =	sdelay $0x1  }
0x8a: {  	s1 =	srdreg.scid  }
0x8b: {  	s0 =	sand.u32 $0x1, s1  }
0x8c: {  	s14 =	sshll.u32 s0, $0xA;
	s2 =	sadd.s32 s3, s2  }
0x8d: {  	s2 =	sadd.s32 s2, s14  }
0x8e: {  	[smem:$0x3FC5] =	sst s2  }
0x8f: {  	_ = 	snop  }
0x90: {  	s2 =	sld [smem:$0x3FD0];
	_ =	sdelay $0x2  }
0x91: {  	s15 =	simm.s32 $0xB;
	s4 =	simm.s32 $0x10  }
0x92: {  	[smem:s4], [sflag:s15] =	dma.local [hbm:s2], $0x1  }
0x93: {  	_ =	swait.eq [sflag:s15], $0x1  }
0x94: {  	[sflag:s15] =	ssyncset.done $0x0  }
0x95: {  	[sflag:s15] =	ssyncadd.s32 $0xFFFFFFFF  }
0x96: {  	s16 =	sld [smem:$0x11];
	(tm) =	ssettm $0x1  }
0x97: {  	s17 =	sld [smem:$0x3FFB];
	_ =	sdelay $0x3  }
0x98: {  	_ =	strace s17  }
0x99: {  	s3 =	sld [smem:$0x3FFC];
	_ =	sdelay $0x3  }
0x9a: {  	_ =	strace s3  }
0x9b: {  	s3 =	sld [smem:$0x3FFD];
	_ =	sdelay $0x3  }
0x9c: {  	_ =	strace s3  }
0x9d: {  	_ =	strace $0x8FFFFFFF  }
0x9e: {  	s18 =	sld [smem:$0x3FDB];
	_ =	sdelay $0x1  }
0x9f: {  	s19 =	simm.s32 $_scs_section_size  }
0xa0: {  	s5 =	simm.s32 $_size__tile_overlayer_lowered;
	s6 =	simm.s32 $_tile_overlayer_lowered  }
0xa1: {  	s22 =	simm.s32 $0x1BFF;
	s21 =	sshll.u32 s6, $0x1;
	s3 =	sadd.s32 s19, s18  }
0xa2: {  	s7 =	simm.s32 $0x0;
	s20 =	sshll.u32 s5, $0x1;
	s5 =	sadd.s32 s21, s3  }
0xa3: {  	[timem:s7], [sflag:s22] =	dma.local [hbm:s5], s20  }
0xa4: {  	_ =	swait.ge [sflag:s22], s20  }
0xa5: {  	s4 =	ssub.s32 $0x0, s20;
	[sflag:s22] =	ssyncset.done $0x0  }
0xa6: {  	[sflag:s22] =	ssyncadd.s32 s4;
	_ =	sdelay $0x1  }
0xa7: {  	s23 =	simm.s32 $0x1B8B  }
0xa8: {  	_ =	swait.ge [sflag:s23], $0x1  }
0xa9: {  	[sflag:s23] =	ssyncset.done $0x0  }
0xaa: {  	s25 =	simm.s32 $0x1B8E;
	s24 =	sld [smem:$0x3FFE];
	[sflag:s23] =	ssyncadd.s32 $0xFFFFFFFF  }
0xab: {  	s26 =	simm.s32 $execute0_lowered;
	[smem:$0x3FD2] =	sst s25  }
0xac: {  	s5 =	sshll.u32 s26, $0x1;
	_ =	strace $0x8000004C;
	[dreg:$0x1] =	wrdreg $0xFFFFFFFF  }
0xad: {  	s28 =	simm.s32 $_size_execute0_lowered;
	s3 =	sadd.s32 s3, s5;
	[dreg:$0x0] =	wrdreg $0x0  }
0xae: {  	s5 =	sshll.u32 s28, $0x1;
	[dreg:$0x2] =	wrdreg s3  }
0xaf: {  	[dreg:$0x3] =	wrdreg s5  }
0xb0: {  	[dreg:$0x4] =	wrdreg $0xC0  }
0xb1: {  	_ =	task [dreg:s7], $0x5FFFF  }
0xb2: {  	[dreg:$0x1] =	wrdreg $0xFFFFFFFF  }
0xb3: {  	[dreg:$0x0] =	wrdreg $0x60  }
0xb4: {  	[dreg:$0x2] =	wrdreg s24  }
0xb5: {  	[dreg:$0x3] =	wrdreg s16  }
0xb6: {  	[dreg:$0x4] =	wrdreg $0x9  }
0xb7: {  	_ =	task.clear_ibuf [dreg:s7], $0x5FFFF;
	_ =	strace $0x9000004C  }
0xb8: {  	s29 =	simm.s32 $0x9;
	_ =	strace $0x8000004E  }
0xb9: {  	_ =	swait.ge [sflag:s29], $0x1  }
0xba: {  	[sflag:s29] =	ssyncadd.s32 $0xFFFFFFFF  }
0xbb: {  	_ =	strace $0x9000004E  }
0xbc: {  	_ =	sfence  }
0xbd: {  	s30 =	sld [smem:$0x0];
	_ =	sdelay $0x2  }
0xbe: {  	s31 =	sshll.u32 s1, $0xD;
	s1 =	sshrl.u32 s1, $0x2  }
0xbf: {  	s3 =	sand.u32 $0x4000, s31;
	s1 =	sadd.s32 s1, s30  }
0xc0: {  	s0 =	sor.u32 s3, s0;
	s1 =	sshll.u32 s1, $0x11  }
0xc1: {  	s0 =	sor.u32 s1, s0  }
0xc2: {  	s0 =	sadd.s32 $0x8F2B, s0  }
0xc3: {  	[sflag:s0] =	ssyncadd.remote.s32 $0x1  }
0xc4: {  	_ =	sfence.sel $0xFFFF  }
0xc5: {  	[dreg:$0x0] =	wrdreg $0xFFFFFFFF;
	(pc) =	sbr.abs _section_cstart, $3  }
0xc6: {  	[dreg:$0x1] =	wrdreg $0xFFFFFFFF  }
0xc7: {  	_ =	task.clear_ibuf [dreg:s7], $0x2FFFF;
	_ =	strace $0x9FFFFFFF  }
0xc8: {  	(tm) =	ssettm $0x7FFFFFFF  }
0xc9: {  	_ =	shalt  }
tec
execute0_lowered:
.L_overlay_start_1:
0x0: {  	(tag) =	ssettag $0x1  }
0x1: {  	s4 =	rddreg [dreg:$0x0]  }
0x2: {  	s2 =	rddreg [dreg:$0x1]  }
0x3: {  	s0 =	rddreg [dreg:$0x2]  }
0x4: {  	s5 =	srdreg.scid;
	s1 =	stileid.u32  }
0x5: {  	s3 =	simm.s32 $0x0;
	s11 =	simm.s32 $0x4000;
	s12 =	simm.s32 $0x8000  }
0x6: {  	s14 =	simm.s32 $0x1;
	s15 =	simm.s32 $0x0;
	s5 =	sand.u32 $0x1, s5  }
0x7: {  	s6 =	sshll.u32 s1, $0x1;
	[smem:$0x7FF] =	sst s3;
	s13 =	sshll.u32 s1, $0x6  }
0x8: {  	s6 =	sor.u32 s5, s6;
	_ =	strace $0x8000004D;
	s9 =	ssub.s32 $0x2, s5  }
.Ltmp0:
0x9: {  	s13 =	sor.u32 $0x1C01, s13;
	s7 =	sshll.u32 s6, $0xB;
	(pc) =	sbr.rel .LBB2_1-.Ltmp0, $4  }
0xa: {  	s8 =	sshll.u32 s6, $0x4;
	s10 =	sshrl.u32 s9, $0x1;
	s5 =	smul.u32 $0x7A10, s6  }
0xb: {  	s7 =	sadd.s32 s7, s4;
	s8 =	sadd.s32 s8, s4;
	s4 =	sadd.s32 $0x2800, s4  }
0xc: {  	s9 =	ssub.s32 s9, s10;
	s10 =	simm.s32 $0x2;
	s6 =	sadd.s32 $0xF44C00, s7  }
0xd: {  	vm0 =	vmmov $0x1;
	v0 =	vlaneseq.u32;
	s7 =	sadd.s32 $0xF54C00, s7;
	s8 =	sadd.s32 $0xF64C00, s8;
	s9 =	smax.u32 s9, $0x1  }
.LBB2_12:
0xe: {  	[sflag:s14] =	ssyncadd.s32 $0xFFFFFFF0  }
.LBB2_13:
0xf: {  	s15 =	sadd.s32 $0x1, s15  }
0x10: {  	p0 =	sne.s32 s15, s9  }
.Ltmp1:
0x11: {  	_ = 	snop;
	(pc) =	sbr.rel @!p0 .LBB2_14-.Ltmp1, $1  }
0x12: {  	_ =	sdelay $0x3  }
.LBB2_1:
0x13: {  	[tilespmem:s3], [sflag:$0x2] =	stream.linear.gather [hbm4b:s6+s3], $0x4000, $0x38;
	[tilespmem:$0x8080] =	vst v63  }
0x14: {  	_ =	swait.ge [sflag:s10], $0x4000  }
0x15: {  	[sflag:s10] =	ssyncset.done $0x0  }
0x16: {  	[sflag:s10] =	ssyncadd.s32 $0xFFFFC000  }
0x17: {  	[tilespmem:s11], [sflag:$0x2] =	stream.linear.gather [hbm4b:s7+s3], $0x4000, $0x38;
	[tilespmem:$0x8080] =	vst v63  }
0x18: {  	_ =	swait.ge [sflag:s10], $0x4000  }
0x19: {  	[sflag:s10] =	ssyncset.done $0x0  }
0x1a: {  	[sflag:s10] =	ssyncadd.s32 $0xFFFFC000  }
0x1b: {  	[tilespmem:s12], [sflag:$0x2] =	stream.linear.gather [hbm4b:s8+s3], $0x80, $0x38;
	[tilespmem:$0x8080] =	vst v63  }
0x1c: {  	_ =	swait.ge [sflag:s10], $0x80  }
0x1d: {  	[sflag:s10] =	ssyncset.done $0x0  }
0x1e: {  	[sflag:s10] =	ssyncadd.s32 $0xFFFFFF80  }
0x1f: {  	v1 =	vld [tilespmem:$0x8000];
	_ =	sdelay $0x4  }
0x20: {  	v1 =	vnsel vm0, $0x0, v1  }
0x21: {  	v1 =	vxor.u32 $0x80000000, v1  }
0x22: {  	(xrf0) =	vmax.scan.msk.u32 $0xffff, v1;
	_ =	sdelay $0x5  }
0x23: {  	v1, _, _ =	vpop (xrf0)  }
0x24: {  	(v2sf) =	vpush v1, $0xF;
	_ =	sdelay $0xe  }
0x25: {  	s16 =	spop (v2sf)  }
0x26: {  	s17 =	sxor.u32 $0x80000000, s16  }
0x27: {  	p0 =	slt.s32 s17, $0x1  }
.Ltmp2:
0x28: {  	_ = 	snop;
	(pc) =	sbr.rel @p0 .LBB2_5-.Ltmp2, $1  }
0x29: {  	_ =	sdelay $0x3  }
0x2a: {  	s18 =	sand.u32 $0x7FFFFFF0, s3  }
0x2b: {  	v1 =	vld [tilespmem:s18+$0x0];
	_ =	sdelay $0x2  }
0x2c: {  	s19 =	sand.u32 $0xF, s3  }
0x2d: {  	v2 =	vld [tilespmem:s18+$0x4000];
	v3 =	vmov s19  }
0x2e: {  	vm1 =	veq.s32 v3, v0;
	v1 =	vxor.u32 $0x80000000, v1  }
0x2f: {  	v1 =	vnsel vm1, $0x80000000, v1  }
0x30: {  	(xrf0) =	vmax.scan.msk.u32 $0xffff, v1;
	_ =	sdelay $0x1  }
0x31: {  	v1 =	vxor.u32 $0x80000000, v2  }
0x32: {  	v1 =	vnsel vm1, $0x80000000, v1;
	_ =	sdelay $0x1  }
0x33: {  	(xrf0) =	vmax.scan.msk.u32 $0xffff, v1  }
0x34: {  	v1, _, _ =	vpop (xrf0)  }
0x35: {  	(v2sf) =	vpush v1, $0xF;
	_ =	sdelay $0x3  }
0x36: {  	v1, _, _ =	vpop (xrf0)  }
0x37: {  	(v2sf) =	vpush v1, $0xF;
	_ =	sdelay $0x9  }
0x38: {  	s30 =	spop (v2sf)  }
0x39: {  	s19 =	smov.u32 s5;
	p0 =	slt.u32 s30, $0x80007A10  }
0x3a: {  	s19 =	simm.s32 @!p0 $0xEC7F0;
	p0 =	sne.s32 s17, $0x1  }
.Ltmp3:
0x3b: {  	_ = 	snop;
	(pc) =	sbr.rel @!p0 .LBB2_4-.Ltmp3, $4  }
0x3c: {  	_ = 	snop  }
0x3d: {  	s31 =	spop (v2sf);
	s18 =	sadd.s32 s30, s19  }
0x3e: {  	s21 =	sshll.u32 s31, $0x4;
	s20 =	sshll.u32 s18, $0x4  }
0x3f: {  	s18 =	simm.s32 $0x1;
	s19 =	sand.u32 $0x1FFFFFF0, s20;
	s20 =	sand.u32 $0x1FFFFFF0, s21  }
.LBB2_3:
0x40: {  	s21 =	sand.u32 $0x7FFFFFF0, s18;
	s19 =	sadd.s32 s4, s19;
	s20 =	sadd.s32 s2, s20  }
0x41: {  	[hbm:s19], [sflag:s13] =	dma.local [hbm:s20], $0x10  }
0x42: {  	s19 =	smov.u32 s18;
	s18 =	sadd.s32 $0x1, s18;
	v1 =	vld [tilespmem:s21+$0x0]  }
0x43: {  	p0 =	sne.s32 s17, s18;
	_ =	sdelay $0x1  }
0x44: {  	s19 =	sand.u32 $0xF, s19;
	v2 =	vld [tilespmem:s21+$0x4000]  }
0x45: {  	v3 =	vmov s19  }
0x46: {  	vm1 =	veq.s32 v3, v0;
	v1 =	vxor.u32 $0x80000000, v1  }
0x47: {  	v1 =	vnsel vm1, $0x80000000, v1  }
0x48: {  	(xrf0) =	vmax.scan.msk.u32 $0xffff, v1  }
0x49: {  	v1 =	vxor.u32 $0x80000000, v2  }
0x4a: {  	v1 =	vnsel vm1, $0x80000000, v1  }
0x4b: {  	(xrf0) =	vmax.scan.msk.u32 $0xffff, v1;
	_ =	sdelay $0x2  }
0x4c: {  	v1, _, _ =	vpop (xrf0)  }
0x4d: {  	(v2sf) =	vpush v1, $0xF;
	_ =	sdelay $0x1  }
0x4e: {  	v1, _, _ =	vpop (xrf0)  }
0x4f: {  	(v2sf) =	vpush v1, $0xF;
	_ =	sdelay $0xb  }
0x50: {  	s19 =	spop (v2sf)  }
.Ltmp4:
0x51: {  	s20 =	smov.u32 s5;
	p1 =	slt.u32 s19, $0x80007A10;
	(pc) =	sbr.rel @p0 .LBB2_3-.Ltmp4, $4  }
0x52: {  	s20 =	simm.s32 @!p1 $0xEC7F0  }
0x53: {  	s19 =	sadd.s32 s19, s20;
	s20 =	spop (v2sf)  }
0x54: {  	s19 =	sshll.u32 s19, $0x4;
	s20 =	sshll.u32 s20, $0x4  }
0x55: {  	s19 =	sand.u32 $0x1FFFFFF0, s19;
	s20 =	sand.u32 $0x1FFFFFF0, s20  }
.LBB2_4:
0x56: {  	s18 =	sadd.s32 s4, s19;
	s31 =	sadd.s32 s2, s20  }
0x57: {  	[hbm:s18], [sflag:s13] =	dma.local [hbm:s31], $0x10  }
.LBB2_5:
0x58: {  	s17 =	sshrl.u32 s17, $0x3  }
0x59: {  	p0 =	seq.s32 s17, $0x0  }
.Ltmp5:
0x5a: {  	_ = 	snop;
	(pc) =	sbr.rel @p0 .LBB2_9-.Ltmp5, $1  }
0x5b: {  	_ =	sdelay $0x3  }
0x5c: {  	p0 =	sne.s32 s17, $0x1  }
.Ltmp6:
0x5d: {  	_ = 	snop;
	(pc) =	sbr.rel @!p0 .LBB2_8-.Ltmp6, $3  }
0x5e: {  	_ =	sdelay $0x1  }
0x5f: {  	_ =	swait.ge [sflag:s14], $0x80  }
0x60: {  	s17 =	sadd.s32 $0xFFFFFFFF, s17;
	[sflag:s14] =	ssyncset.done $0x0  }
.LBB2_7:
0x61: {  	p0 =	sne.s32 s17, $0x1;
	s17 =	sadd.s32 $0xFFFFFFFF, s17;
	[sflag:s14] =	ssyncadd.s32 $0xFFFFFF80  }
.Ltmp7:
0x62: {  	(pc) =	sbr.rel @p0 .LBB2_7-.Ltmp7, $3  }
0x63: {  	_ =	sdelay $0x1  }
0x64: {  	_ =	swait.ge [sflag:s14], $0x80  }
0x65: {  	[sflag:s14] =	ssyncset.done $0x0  }
.LBB2_8:
0x66: {  	[sflag:s14] =	ssyncadd.s32 $0xFFFFFF80  }
.LBB2_9:
0x67: {  	s16 =	sand.u32 $0x7, s16  }
0x68: {  	p0 =	seq.s32 s16, $0x0  }
.Ltmp8:
0x69: {  	_ = 	snop;
	(pc) =	sbr.rel @p0 .LBB2_13-.Ltmp8, $1  }
0x6a: {  	_ =	sdelay $0x3  }
0x6b: {  	p0 =	sne.s32 s16, $0x1  }
.Ltmp9:
0x6c: {  	_ = 	snop;
	(pc) =	sbr.rel @!p0 .LBB2_12-.Ltmp9, $3  }
0x6d: {  	_ =	sdelay $0x1  }
0x6e: {  	_ =	swait.ge [sflag:s14], $0x10  }
0x6f: {  	s16 =	sadd.s32 $0xFFFFFFFF, s16;
	[sflag:s14] =	ssyncset.done $0x0  }
.LBB2_11:
0x70: {  	p0 =	sne.s32 s16, $0x1;
	s16 =	sadd.s32 $0xFFFFFFFF, s16;
	[sflag:s14] =	ssyncadd.s32 $0xFFFFFFF0  }
.Ltmp10:
0x71: {  	(pc) =	sbr.rel @p0 .LBB2_11-.Ltmp10, $3  }
0x72: {  	_ =	sdelay $0x1  }
0x73: {  	_ =	swait.ge [sflag:s14], $0x10  }
0x74: {  	[sflag:s14] =	ssyncset.done $0x0  }
.Ltmp11:
0x75: {  	_ = 	snop;
	(pc) =	sbr.rel .LBB2_12-.Ltmp11, $1  }
0x76: {  	_ =	sdelay $0x3  }
.LBB2_14:
0x77: {  	_ =	sfence.sel $0x180000  }
0x78: {  	[bflag:$0x0] =	sbarrier.arrive $0xFFFF  }
0x79: {  	p0 =	sne.s32 s1, $0x0;
	_ =	strace $0x9000004D  }
0x7a: {  	s0 =	sadd.s32 @!p0 $0x100000, s0;
	[bflag:$0x2] =	sbarrier.arrive $0xFFFF  }
0x7b: {  	[sflag:s0] =	ssyncadd.tile.s32 @!p0 $0x1;
	_ =	shalt  }
.Lfunc_end2:
_tile_overlayer_lowered:
.L_overlay_start_2:
0x7c: {  	(tag) =	ssettag $0x2  }
0x7d: {  	s0 =	rddreg [dreg:$0x0];
	s2 =	stileid.u32  }
0x7e: {  	s1 =	rddreg [dreg:$0x1];
	p0 =	sne.s32 s2, $0x0  }
0x7f: {  	s3 =	rddreg [dreg:$0x2];
	[bflag:$0x3] =	sbarrier.arrive $0xFFFF;
	s2 =	simm.s32 @!p0 $0x1C02  }
0x80: {  	[timem:s3], [sflag:s2] =	dma.local @!p0 [hbm:s0], s1  }
0x81: {  	s0 =	simm.s32 @!p0 $0x2  }
0x82: {  	_ =	swait.ge @!p0 [sflag:s0], s1  }
0x83: {  	s1 =	ssub.s32 @!p0 $0x0, s1;
	[sflag:s0] =	ssyncset.done @!p0 $0x0  }
0x84: {  	[sflag:s0] =	ssyncadd.s32 @!p0 s1  }
0x85: {  	[bflag:$0x3] =	sbarrier.arrive $0xFFFF  }
0x86: {  	_ =	shalt  }

// kernel: kernel.5.cloned.1.call-start
scs
__scs_entry_jumppad:
0x0: {  	(pc) =	sbr.rel $0x88, $3  }
0x1: {  	(tag) =	ssettag $0x0;
	lr =	simm.s32 $0x1  }
0x2: {  	[smem:$0x3F9E] =	sst lr;
	_ =	strace $0xD0000000  }
0x3: {  	_ = 	snop  }
0x4: {  	_ = 	snop  }
0x5: {  	_ = 	snop  }
0x6: {  	_ = 	snop  }
0x7: {  	_ = 	snop  }
__scs_overlays_trampoline_lowered:
0x8: {  	[smem:$0x3FAD] =	sst s0  }
0x9: {  	[smem:$0x3FAE] =	sst s1  }
0xa: {  	[smem:$0x3FAF] =	sst s2  }
0xb: {  	[smem:$0x3FB0] =	sst s3  }
0xc: {  	[smem:$0x3FB1] =	sst s4  }
0xd: {  	[smem:$0x3FB2] =	sst s5  }
0xe: {  	[smem:$0x3FB3] =	sst s6  }
0xf: {  	[smem:$0x3FB4] =	sst s7  }
0x10: {  	[smem:$0x3FB5] =	sst s8  }
0x11: {  	[smem:$0x3FB6] =	sst s9;
	s0 =	simm.s32 @!p0 $0x0  }
0x12: {  	s1 =	sld [smem:$0x3F9C];
	s0 =	simm.s32 @p0 $0x1  }
0x13: {  	[smem:$0x3FB7] =	sst s0;
	s0 =	simm.s32 @!p1 $0x0  }
0x14: {  	s2 =	sld [smem:$0x3F9B];
	s0 =	simm.s32 @p1 $0x1  }
0x15: {  	[smem:$0x3FB8] =	sst s0;
	s0 =	simm.s32 @!p2 $0x0  }
0x16: {  	s3 =	sld [smem:$0x3FDB];
	s0 =	simm.s32 @p2 $0x1  }
0x17: {  	s4 =	simm.s32 $0x1BF5;
	[smem:$0x3FBA] =	sst s0  }
0x18: {  	s0 =	sld [smem:$0x3F9D];
	_ =	swait.ge [sflag:s4], $0x0  }
0x19: {  	s7 =	sld [smem:$0x3F9E]  }
0x1a: {  	s8 =	sadd.s32 $0xFFFFE003, lr  }
0x1b: {  	s9 =	sadd.s32 $0xFFFFFEF7, lr;
	s5 =	simm.s32 $0xFFFFFFFF;
	p2 =	slt.u32 s8, $0xFFFFF086  }
0x1c: {  	p1 =	slt.u32 s9, $0xF7A;
	s5 =	simm.s32 @!p2 $0x0  }
0x1d: {  	s5 =	simm.s32 @p1 $0x1;
	p0 =	seq.s32 s7, s2  }
0x1e: {  	s7 =	smul.u32 @!p0 $0xF7A, s2;
	p2 =	seq.s32 @!p0 s5, $0x0  }
0x1f: {  	s9 =	smul.u32 $0xF7A, s1;
	s8 =	simm.s32 @!p0 $0x1BF5;
	p2 =	por !p2, p0  }
0x20: {  	[sflag:s8] =	ssyncset.s32 @!p0 $0xFFFFF086;
	s6 =	sadd.s32 @!p0 s3, s7;
	s7 =	simm.s32 @!p0 $0x108  }
0x21: {  	s3 =	sadd.s32 s3, s9;
	s6 =	sadd.s32 @!p0 $0x88, s6;
	s7 =	simm.s32 @p2 $0x1082  }
0x22: {  	[simem:s7], [sflag:s8] =	dma.local @!p0 [hbm:s6], $0xF7A  }
0x23: {  	s9 =	sor.u32 $0xD0000000, s2;
	s6 =	simm.s32 $0x108;
	_ =	swait.ge @!p0 [sflag:s8], $0x0  }
0x24: {  	s3 =	sadd.s32 $0x88, s3;
	s6 =	simm.s32 @!p1 $0x1082;
	[sflag:s4] =	ssyncset.s32 $0xFFFFF086  }
0x25: {  	[simem:s6], [sflag:s4] =	dma.local [hbm:s3], $0xF7A  }
0x26: {  	[smem:$0x3F9E] =	sst s1;
	(tag) =	ssettag s2;
	_ =	strace s9  }
0x27: {  	s1 =	sld [smem:$0x3FAE]  }
0x28: {  	s2 =	sld [smem:$0x3FAF]  }
0x29: {  	s4 =	sld [smem:$0x3FB1]  }
0x2a: {  	p0 =	seq.s32 s5, $0x0;
	s5 =	sld [smem:$0x3FB2]  }
0x2b: {  	s6 =	sld [smem:$0x3FB3]  }
0x2c: {  	s7 =	sld [smem:$0x3FB4]  }
0x2d: {  	s3 =	simm.s32 $0x108;
	s8 =	sld [smem:$0x3FB5]  }
0x2e: {  	s3 =	simm.s32 @!p0 $0x1082;
	s9 =	sld [smem:$0x3FB6]  }
0x2f: {  	lr =	sadd.s32 s0, s3;
	s0 =	sld [smem:$0x3FAD]  }
0x30: {  	s3 =	sld [smem:$0x3FB0]  }
0x31: {  	[smem:$0x3FB9] =	sst s10  }
0x32: {  	s10 =	sld [smem:$0x3FB7];
	_ =	sdelay $0x3  }
0x33: {  	p0 =	seq.s32 s10, $0x1;
	s10 =	sld [smem:$0x3FB9];
	_ =	sdelay $0x3  }
0x34: {  	[smem:$0x3FB9] =	sst s10  }
0x35: {  	s10 =	sld [smem:$0x3FB8];
	_ =	sdelay $0x3  }
0x36: {  	p1 =	seq.s32 s10, $0x1;
	s10 =	sld [smem:$0x3FB9];
	_ =	sdelay $0x3  }
0x37: {  	[smem:$0x3FB9] =	sst s10  }
0x38: {  	s10 =	sld [smem:$0x3FBA]  }
0x39: {  	_ = 	snop;
	(pc) =	sbr.ind lr, $3  }
0x3a: {  	_ = 	snop  }
0x3b: {  	_ = 	snop  }
0x3c: {  	p2 =	seq.s32 s10, $0x1;
	s10 =	sld [smem:$0x3FB9]  }
0x3d: {  	_ =	shalt  }
0x3e: {  	_ =	shalt  }
0x3f: {  	_ =	shalt  }
0x40: {  	_ =	shalt  }
0x41: {  	_ =	shalt  }
0x42: {  	_ =	shalt  }
0x43: {  	_ =	shalt  }
0x44: {  	_ =	shalt  }
0x45: {  	_ =	shalt  }
0x46: {  	_ =	shalt  }
0x47: {  	_ =	shalt  }
0x48: {  	_ =	shalt  }
0x49: {  	_ =	shalt  }
0x4a: {  	_ =	shalt  }
0x4b: {  	_ =	shalt  }
0x4c: {  	_ =	shalt  }
0x4d: {  	_ =	shalt  }
0x4e: {  	_ =	shalt  }
0x4f: {  	_ =	shalt  }
0x50: {  	_ =	shalt  }
0x51: {  	_ =	shalt  }
0x52: {  	_ =	shalt  }
0x53: {  	_ =	shalt  }
0x54: {  	_ =	shalt  }
0x55: {  	_ =	shalt  }
0x56: {  	_ =	shalt  }
0x57: {  	_ =	shalt  }
0x58: {  	_ =	shalt  }
0x59: {  	_ =	shalt  }
0x5a: {  	_ =	shalt  }
0x5b: {  	_ =	shalt  }
0x5c: {  	_ =	shalt  }
0x5d: {  	_ =	shalt  }
0x5e: {  	_ =	shalt  }
0x5f: {  	_ =	shalt  }
0x60: {  	_ =	shalt  }
0x61: {  	_ =	shalt  }
0x62: {  	_ =	shalt  }
0x63: {  	_ =	shalt  }
0x64: {  	_ =	shalt  }
0x65: {  	_ =	shalt  }
0x66: {  	_ =	shalt  }
0x67: {  	_ =	shalt  }
0x68: {  	_ =	shalt  }
0x69: {  	_ =	shalt  }
0x6a: {  	_ =	shalt  }
0x6b: {  	_ =	shalt  }
0x6c: {  	_ =	shalt  }
0x6d: {  	_ =	shalt  }
0x6e: {  	_ =	shalt  }
0x6f: {  	_ =	shalt  }
0x70: {  	_ =	shalt  }
0x71: {  	_ =	shalt  }
0x72: {  	_ =	shalt  }
0x73: {  	_ =	shalt  }
0x74: {  	_ =	shalt  }
0x75: {  	_ =	shalt  }
0x76: {  	_ =	shalt  }
0x77: {  	_ =	shalt  }
0x78: {  	_ =	shalt  }
0x79: {  	_ =	shalt  }
0x7a: {  	_ =	shalt  }
0x7b: {  	_ =	shalt  }
0x7c: {  	_ =	shalt  }
0x7d: {  	_ =	shalt  }
0x7e: {  	_ =	shalt  }
0x7f: {  	_ =	shalt  }
0x80: {  	_ =	shalt  }
0x81: {  	_ =	shalt  }
0x82: {  	_ =	shalt  }
0x83: {  	_ =	shalt  }
0x84: {  	_ =	shalt  }
0x85: {  	_ =	shalt  }
0x86: {  	_ =	shalt  }
0x87: {  	_ =	shalt  }
.Lfunc_end0:
.L_simem_size_0:
called_computation_lowered:
.L_overlay_start_0:
0x88: {  	s2 =	sld [smem:$0x3FD9]  }
0x89: {  	s3 =	sld [smem:$0x3FFE];
	_ =	sdelay $0x1  }
0x8a: {  	s1 =	srdreg.scid  }
0x8b: {  	s0 =	sand.u32 $0x1, s1  }
0x8c: {  	s17 =	sshll.u32 s0, $0xA;
	s2 =	sadd.s32 s3, s2  }
0x8d: {  	s2 =	sadd.s32 s2, s17  }
0x8e: {  	[smem:$0x3FC5] =	sst s2  }
0x8f: {  	_ = 	snop  }
0x90: {  	s18 =	sld [smem:$0x3FC8];
	(tm) =	ssettm $0x1  }
0x91: {  	s19 =	sld [smem:$0x3FFB];
	_ =	sdelay $0x3  }
0x92: {  	_ =	strace s19  }
0x93: {  	s2 =	sld [smem:$0x3FFC];
	_ =	sdelay $0x3  }
0x94: {  	_ =	strace s2  }
0x95: {  	s2 =	sld [smem:$0x3FFD];
	_ =	sdelay $0x3  }
0x96: {  	_ =	strace s2  }
0x97: {  	_ =	strace $0x8FFFFFFF  }
0x98: {  	s20 =	sld [smem:$0x3FDB];
	_ =	sdelay $0x1  }
0x99: {  	s4 =	simm.s32 $_scs_section_size  }
0x9a: {  	s5 =	simm.s32 $_size__tile_overlayer_lowered;
	s6 =	simm.s32 $_tile_overlayer_lowered  }
0x9b: {  	s7 =	simm.s32 $0x1BFF;
	s21 =	sshll.u32 s6, $0x1;
	s4 =	sadd.s32 s4, s20  }
0x9c: {  	s22 =	simm.s32 $0x0;
	s5 =	sshll.u32 s5, $0x1;
	s6 =	sadd.s32 s21, s4  }
0x9d: {  	[timem:s22], [sflag:s7] =	dma.local [hbm:s6], s5  }
0x9e: {  	_ =	swait.ge [sflag:s7], s5  }
0x9f: {  	s5 =	ssub.s32 $0x0, s5;
	[sflag:s7] =	ssyncset.done $0x0  }
0xa0: {  	[sflag:s7] =	ssyncadd.s32 s5;
	_ =	sdelay $0x1  }
0xa1: {  	s23 =	simm.s32 $0x1B8B  }
0xa2: {  	_ =	swait.ge [sflag:s23], $0x1  }
0xa3: {  	[sflag:s23] =	ssyncset.done $0x0  }
0xa4: {  	[sflag:s23] =	ssyncadd.s32 $0xFFFFFFFF  }
0xa5: {  	s5 =	sld [smem:$0x0]  }
0xa6: {  	s6 =	sand.u32 $0xFFFFFFFE, s1  }
0xa7: {  	p0 =	sne.s32 s1, s6  }
0xa8: {  	s6 =	sshll.u32 @p0 s6, $0xE  }
0xa9: {  	s6 =	sadd.s32 @p0 $0x11B8D, s6;
	s7 =	sshll.u32 @p0 s5, $0x11  }
0xaa: {  	s6 =	sor.u32 @p0 s7, s6  }
0xab: {  	[sflag:s6] =	ssyncadd.remote.s32 @p0 $0x1;
	_ =	sdelay $0x1  }
0xac: {  	s6 =	simm.s32 @p0 $0x1B8D  }
0xad: {  	_ =	swait.eq @p0 [sflag:s6], $0x1  }
0xae: {  	[sflag:s6] =	ssyncadd.s32 @p0 $0xFFFFFFFF  }
0xaf: {  	s7 =	sshll.u32 @!p0 s1, $0xE  }
0xb0: {  	s7 =	sor.u32 @!p0 $0x4000, s7;
	s6 =	simm.s32 @!p0 $0x1B8D  }
0xb1: {  	s5 =	sshll.u32 @!p0 s5, $0x11;
	s7 =	sadd.s32 @!p0 $0x11B8D, s7;
	_ =	swait.eq @!p0 [sflag:s6], $0x1  }
0xb2: {  	s5 =	sor.u32 @!p0 s5, s7;
	[sflag:s6] =	ssyncadd.s32 @!p0 $0xFFFFFFFF  }
0xb3: {  	s25 =	simm.s32 $0x1B8E;
	s24 =	sld [smem:$0x3FFE];
	[sflag:s5] =	ssyncadd.remote.s32 @!p0 $0x1  }
0xb4: {  	s26 =	simm.s32 $execute0_lowered;
	[smem:$0x3FD2] =	sst s25  }
0xb5: {  	s6 =	sshll.u32 s26, $0x1;
	_ =	strace $0x80000049;
	[dreg:$0x1] =	wrdreg $0xFFFFFFFF  }
0xb6: {  	s28 =	simm.s32 $_size_execute0_lowered;
	s4 =	sadd.s32 s4, s6;
	[dreg:$0x0] =	wrdreg $0x0  }
0xb7: {  	s6 =	sshll.u32 s28, $0x1;
	[dreg:$0x2] =	wrdreg s4  }
0xb8: {  	[dreg:$0x3] =	wrdreg s6  }
0xb9: {  	[dreg:$0x4] =	wrdreg $0xC0  }
0xba: {  	_ =	task [dreg:s22], $0x5FFFF  }
0xbb: {  	[dreg:$0x1] =	wrdreg $0xFFFFFFFF  }
0xbc: {  	[dreg:$0x0] =	wrdreg $0x60  }
0xbd: {  	[dreg:$0x2] =	wrdreg s18  }
0xbe: {  	[dreg:$0x3] =	wrdreg s24  }
0xbf: {  	[dreg:$0x4] =	wrdreg $0x9  }
0xc0: {  	_ =	task.clear_ibuf [dreg:s22], $0x5FFFF;
	_ =	strace $0x90000049  }
0xc1: {  	s29 =	simm.s32 $0x9;
	_ =	strace $0x8000004B  }
0xc2: {  	_ =	swait.ge [sflag:s29], $0x1  }
0xc3: {  	[sflag:s29] =	ssyncadd.s32 $0xFFFFFFFF  }
0xc4: {  	_ =	strace $0x9000004B  }
0xc5: {  	_ =	sfence  }
0xc6: {  	s30 =	sld [smem:$0x0];
	_ =	sdelay $0x2  }
0xc7: {  	s31 =	sshll.u32 s1, $0xD;
	s1 =	sshrl.u32 s1, $0x2  }
0xc8: {  	s4 =	sand.u32 $0x4000, s31;
	s1 =	sadd.s32 s1, s30  }
0xc9: {  	s0 =	sor.u32 s4, s0;
	s1 =	sshll.u32 s1, $0x11  }
0xca: {  	s0 =	sor.u32 s1, s0  }
0xcb: {  	s0 =	sadd.s32 $0x8F2B, s0  }
0xcc: {  	[sflag:s0] =	ssyncadd.remote.s32 $0x1  }
0xcd: {  	_ =	sfence.sel $0xFFFF  }
0xce: {  	[dreg:$0x0] =	wrdreg $0xFFFFFFFF;
	(pc) =	sbr.abs _section_cstart, $3  }
0xcf: {  	[dreg:$0x1] =	wrdreg $0xFFFFFFFF  }
0xd0: {  	_ =	task.clear_ibuf [dreg:s22], $0x2FFFF;
	_ =	strace $0x9FFFFFFF  }
0xd1: {  	(tm) =	ssettm $0x7FFFFFFF  }
tec
execute0_lowered:
.L_overlay_start_1:
0x0: {  	(tag) =	ssettag $0x1  }
0x1: {  	s1 =	srdreg.scid  }
0x2: {  	s0 =	stileid.u32;
	s2 =	rddreg [dreg:$0x0]  }
0x3: {  	s6 =	rddreg [dreg:$0x1];
	s8 =	simm.s32 $0xF4200;
	s3 =	simm.s32 $0x0  }
0x4: {  	s10 =	simm.s32 $0xBA80;
	s11 =	simm.s32 $0xFA80;
	s12 =	simm.s32 $0x13A80  }
0x5: {  	s4 =	sand.u32 $0x1, s1;
	s28 =	sshll.u32 s0, $0x1;
	s1 =	rddreg [dreg:$0x2]  }
0x6: {  	s13 =	simm.s32 $0x0;
	[smem:$0x7FF] =	sst s3;
	s5 =	sor.u32 s4, s28  }
0x7: {  	_ =	strace $0x8000004A;
	s30 =	ssub.s32 $0x2, s4;
	s7 =	smul.u32 $0x7A10, s5  }
0x8: {  	v3 =	vlaneseq.u32;
	p0 =	seq.s32 s5, $0x0;
	s9 =	sshll.u32 s5, $0xB;
	s5 =	sshll.u32 s5, $0x4  }
0x9: {  	vm12 =	vmmov $0x1;
	vm4 =	vcmask $0x704;
	vm14 =	vcmask $0xB08;
	s31 =	sshrl.u32 s30, $0x1;
	s8 =	simm.s32 @!p0 $0xF4240;
	s29 =	sadd.s32 s9, s6  }
0xa: {  	vm10 =	vcmask $0xF0C;
	vm11 =	vcmask $0x1310;
	s6 =	sadd.s32 s5, s6;
	s9 =	simm.s32 $0x4000;
	v0 =	vmov s7;
	s7 =	sadd.s32 $0x7A10, s7  }
0xb: {  	vm9 =	vcmask $0x3F3C;
	v4 =	vimm.s32 $0x0;
	v2 =	vmov s8;
	s4 =	sadd.s32 $0xF44C00, s29;
	s8 =	ssub.s32 s30, s31;
	s5 =	sadd.s32 $0xF54C00, s29  }
0xc: {  	vm15 =	vcmask $0x3330;
	vm13 =	vcmask $0x3B38;
	s6 =	sadd.s32 $0xF64C00, s6;
	v1 =	vmov s7;
	s7 =	smax.u32 s8, $0x1;
	s8 =	simm.s32 $0x1  }
.LBB2_1:
0xd: {  	[tilespmem:s3], [sflag:$0x1] =	stream.linear.gather [hbm4b:s2+s3], $0x4000, $0x38;
	[tilespmem:$0x13B00] =	vst v63  }
0xe: {  	_ =	swait.ge [sflag:s8], $0x4000  }
0xf: {  	[sflag:s8] =	ssyncset.done $0x0  }
0x10: {  	s14 =	simm.s32 $0x0;
	s15 =	simm.s32 $0x0;
	vm0 =	vcmask $0x3734;
	[sflag:s8] =	ssyncadd.s32 $0xFFFFC000  }
.LBB2_2:
0x11: {  	s16 =	sand.u32 $0xFE00, s15  }
0x12: {  	s17 =	sand.u32 $0x70, s14;
	s16 =	sshrl.u32 s16, $0x2  }
0x13: {  	s16 =	sor.u32 s17, s16  }
0x14: {  	v5 =	vld [tilespmem:s16+$0x0];
	_ =	sdelay $0x4  }
0x15: {  	vm1 =	vge.s32 v5, v0;
	vm2 =	vlt.s32 v5, v1  }
0x16: {  	vm1 =	vmand vm1, vm2;
	vm2 =	vge.s32 v5, v2  }
0x17: {  	v6 =	vadd.s32 $0xFFF13810, v5;
	vm3 =	vmor vm2, vm1  }
0x18: {  	v5 =	vsub.s32 v5, v0;
	v6 =	vnsel vm2, $0x0, v6;
	vm2 =	vmand vm3, vm12  }
0x19: {  	v5 =	vsel vm1, v5, v6;
	vm1 =	vmand vm3, vm4  }
0x1a: {  	vm8 =	vmmov vm4;
	vm4 =	vmand vm3, vm14  }
0x1b: {  	vm5 =	vmand vm3, vm10  }
0x1c: {  	vm7 =	vcmask $0x1714;
	vm6 =	vmand vm3, vm11  }
0x1d: {  	v6 =	vor.u32 s14, v3;
	vm7 =	vmand vm3, vm7  }
0x1e: {  	[tilespmem:v5+s9+$0x0] =	vst.idx.msk vm2, v6;
	vm2 =	vcmask $0x1B18  }
0x1f: {  	vm2 =	vmand vm3, vm2;
	[tilespmem:v5+s9+$0x0] =	vst.idx.msk vm1, v6;
	vm1 =	vcmask $0x1F1C  }
0x20: {  	vm1 =	vmand vm3, vm1;
	[tilespmem:v5+s9+$0x0] =	vst.idx.msk vm4, v6;
	vm4 =	vcmask $0x2320  }
0x21: {  	vm4 =	vmand vm3, vm4;
	[tilespmem:v5+s9+$0x0] =	vst.idx.msk vm5, v6;
	vm5 =	vcmask $0x2724  }
0x22: {  	vm5 =	vmand vm3, vm5;
	[tilespmem:v5+s9+$0x0] =	vst.idx.msk vm6, v6;
	vm6 =	vcmask $0x2B28  }
0x23: {  	vm6 =	vmand vm3, vm6;
	[tilespmem:v5+s9+$0x0] =	vst.idx.msk vm7, v6;
	vm7 =	vcmask $0x2F2C  }
0x24: {  	vm7 =	vmand vm3, vm7  }
0x25: {  	[tilespmem:v5+s9+$0x0] =	vst.idx.msk vm2, v6;
	vm2 =	vmand vm3, vm15  }
0x26: {  	[tilespmem:v5+s9+$0x0] =	vst.idx.msk vm1, v6;
	vm1 =	vmand vm3, vm0  }
0x27: {  	[tilespmem:v5+s9+$0x0] =	vst.idx.msk vm4, v6;
	vm4 =	vmand vm3, vm13  }
0x28: {  	vm3 =	vmand vm3, vm9;
	[tilespmem:v5+s9+$0x0] =	vst.idx.msk vm5, v6  }
0x29: {  	p0 =	sne.s32 s15, $0xFFC0;
	[tilespmem:v5+s9+$0x0] =	vst.idx.msk vm6, v6  }
.Ltmp0:
0x2a: {  	[tilespmem:v5+s9+$0x0] =	vst.idx.msk vm7, v6;
	(pc) =	sbr.rel @p0 .LBB2_2-.Ltmp0, $4  }
0x2b: {  	[tilespmem:v5+s9+$0x0] =	vst.idx.msk vm2, v6  }
0x2c: {  	[tilespmem:v5+s9+$0x0] =	vst.idx.msk vm1, v6  }
0x2d: {  	[tilespmem:v5+s9+$0x0] =	vst.idx.msk vm4, v6  }
0x2e: {  	s15 =	sadd.s32 $0x40, s15;
	s14 =	sadd.s32 $0x10, s14;
	vm4 =	vmmov vm8;
	[tilespmem:v5+s9+$0x0] =	vst.idx.msk vm3, v6  }
0x2f: {  	s14 =	simm.s32 $0x0  }
0x30: {  	s15 =	sand.u32 $0xFE00, s14  }
0x31: {  	s16 =	sand.u32 $0x70, s14;
	s15 =	sshrl.u32 s15, $0x2  }
0x32: {  	s15 =	sor.u32 s16, s15  }
0x33: {  	v5 =	vld [tilespmem:s15+$0x0];
	_ =	sdelay $0x4  }
0x34: {  	vm1 =	vge.s32 v5, v0;
	vm2 =	vlt.s32 v5, v1  }
0x35: {  	v6 =	vadd.s32 $0xFFF13810, v5;
	vm1 =	vmand vm1, vm2;
	vm2 =	vge.s32 v5, v2  }
0x36: {  	v5 =	vsub.s32 v5, v0;
	vm3 =	vmor vm2, vm1;
	v6 =	vnsel vm2, $0x0, v6  }
0x37: {  	v5 =	vsel vm1, v5, v6;
	_ =	sdelay $0x4  }
0x38: {  	v7 =	vld.idx.msk [tilespmem:v5+s9+$0x0], vm3;
	_ =	sdelay $0x3  }
0x39: {  	v6 =	vor.u32 s14, v3  }
0x3a: {  	vm1 =	veq.s32 v7, v6  }
0x3b: {  	vm1 =	vmand vm1, vm3  }
0x3c: {  	v7 =	vsel vm1, $0x1, v4  }
0x3d: {  	(xrf0) =	vadd.scan.msk.s32 $0xffff, v7;
	_ =	sdelay $0x2  }
0x3e: {  	v7 =	vmov s14  }
0x3f: {  	v7 =	vadd.s32 $0xFFFFFFFF, v7  }
0x40: {  	v7 =	vbroadcast v7, $0x0  }
0x41: {  	v8, _, _ =	vpop (xrf0)  }
0x42: {  	v7 =	vadd.s32 v8, v7;
	(v2sf) =	vpush v8, $0xF;
	_ =	sdelay $0x2  }
0x43: {  	s31 =	simm.s32 $0x40  }
0x44: {  	s17 =	sand.u32 $0xFE00, s31;
	s16 =	simm.s32 $0x80;
	s15 =	simm.s32 $0x10  }
.LBB2_4:
0x45: {  	p0 =	sne.s32 s16, $0xFFC0;
	s18 =	sand.u32 $0x70, s15;
	s17 =	sshrl.u32 s17, $0x2;
	[tilespmem:v7+s10+$0x0] =	vst.idx.msk vm1, v5  }
0x46: {  	s17 =	sor.u32 s18, s17;
	[tilespmem:v7+s11+$0x0] =	vst.idx.msk vm1, v6  }
0x47: {  	v5 =	vld [tilespmem:s17+$0x0];
	_ =	sdelay $0x4  }
0x48: {  	vm1 =	vge.s32 v5, v0;
	vm2 =	vlt.s32 v5, v1  }
0x49: {  	v6 =	vadd.s32 $0xFFF13810, v5;
	vm1 =	vmand vm1, vm2;
	vm2 =	vge.s32 v5, v2  }
0x4a: {  	v5 =	vsub.s32 v5, v0;
	vm3 =	vmor vm2, vm1;
	v6 =	vnsel vm2, $0x0, v6  }
0x4b: {  	v5 =	vsel vm1, v5, v6;
	s17 =	spop (v2sf)  }
0x4c: {  	s14 =	sadd.s32 s14, s17  }
0x4d: {  	v6 =	vmov s14  }
0x4e: {  	v6 =	vadd.s32 $0xFFFFFFFF, v6  }
0x4f: {  	v7 =	vbroadcast v6, $0x0  }
0x50: {  	v8 =	vld.idx.msk [tilespmem:v5+s9+$0x0], vm3;
	_ =	sdelay $0x4  }
0x51: {  	v6 =	vor.u32 s15, v3  }
0x52: {  	vm1 =	veq.s32 v8, v6  }
0x53: {  	vm1 =	vmand vm1, vm3  }
0x54: {  	v8 =	vsel vm1, $0x1, v4  }
0x55: {  	(xrf0) =	vadd.scan.msk.s32 $0xffff, v8;
	_ =	sdelay $0x5  }
0x56: {  	v8, _, _ =	vpop (xrf0)  }
.Ltmp1:
0x57: {  	v7 =	vadd.s32 v8, v7;
	(v2sf) =	vpush v8, $0xF;
	(pc) =	sbr.rel @p0 .LBB2_4-.Ltmp1, $2  }
0x58: {  	_ =	sdelay $0x2  }
0x59: {  	s17 =	sand.u32 $0xFE00, s16;
	s16 =	sadd.s32 $0x40, s16;
	s15 =	sadd.s32 $0x10, s15  }
0x5a: {  	_ =	sdelay $0x4  }
0x5b: {  	s16 =	sand.u32 $0x70, s15;
	s17 =	sshrl.u32 s17, $0x2;
	[tilespmem:v7+s10+$0x0] =	vst.idx.msk vm1, v5  }
0x5c: {  	s16 =	sor.u32 s16, s17;
	[tilespmem:v7+s11+$0x0] =	vst.idx.msk vm1, v6  }
0x5d: {  	v5 =	vld [tilespmem:s16+$0x0];
	_ =	sdelay $0x4  }
0x5e: {  	vm1 =	vge.s32 v5, v0;
	vm2 =	vlt.s32 v5, v1  }
0x5f: {  	v6 =	vadd.s32 $0xFFF13810, v5;
	vm1 =	vmand vm1, vm2;
	vm2 =	vge.s32 v5, v2  }
0x60: {  	v5 =	vsub.s32 v5, v0;
	vm3 =	vmor vm2, vm1;
	v6 =	vnsel vm2, $0x0, v6  }
0x61: {  	v5 =	vsel vm1, v5, v6;
	_ =	sdelay $0x4  }
0x62: {  	v6 =	vld.idx.msk [tilespmem:v5+s9+$0x0], vm3;
	_ =	sdelay $0x3  }
0x63: {  	v7 =	vor.u32 s15, v3  }
0x64: {  	vm1 =	veq.s32 v6, v7  }
0x65: {  	vm1 =	vmand vm1, vm3  }
0x66: {  	v6 =	vsel vm1, $0x1, v4  }
0x67: {  	(xrf0) =	vadd.scan.msk.s32 $0xffff, v6;
	_ =	sdelay $0x5  }
0x68: {  	v6, _, _ =	vpop (xrf0)  }
0x69: {  	(v2sf) =	vpush v6, $0xF;
	_ =	sdelay $0x5  }
0x6a: {  	s30 =	spop (v2sf)  }
0x6b: {  	s14 =	sadd.s32 s14, s30  }
0x6c: {  	v8 =	vmov s14  }
0x6d: {  	v8 =	vadd.s32 $0xFFFFFFFF, v8  }
0x6e: {  	v8 =	vbroadcast v8, $0x0;
	_ =	sdelay $0x1  }
0x6f: {  	v6 =	vadd.s32 v6, v8;
	_ =	sdelay $0x2  }
0x70: {  	s31 =	spop (v2sf)  }
0x71: {  	s14 =	sadd.s32 s14, s31  }
0x72: {  	vm0 =	vcmask $0x300;
	[tilespmem:v6+s10+$0x0] =	vst.idx.msk vm1, v5;
	v5 =	vmov s14  }
0x73: {  	[tilespmem:v6+s11+$0x0] =	vst.idx.msk vm1, v7;
	v5 =	vnsel vm0, $0x0, v5  }
0x74: {  	[tilespmem:$0x13A80] =	vst v5  }
0x75: {  	[hbm4b:s4+s3] =	stream.linear.scatter [tilespmem:s10], [sflag:$0x1], $0x4000, $0x38;
	[tilespmem:$0x13B00] =	vst v63  }
0x76: {  	_ =	swait.ge [sflag:s8], $0x4000  }
0x77: {  	[sflag:s8] =	ssyncset.done $0x0  }
0x78: {  	[sflag:s8] =	ssyncadd.s32 $0xFFFFC000  }
0x79: {  	[hbm4b:s5+s3] =	stream.linear.scatter [tilespmem:s11], [sflag:$0x1], $0x4000, $0x38;
	[tilespmem:$0x13B00] =	vst v63  }
0x7a: {  	s13 =	sadd.s32 $0x1, s13;
	_ =	swait.ge [sflag:s8], $0x4000  }
0x7b: {  	p0 =	sne.s32 s13, s7;
	[sflag:s8] =	ssyncset.done $0x0  }
.Ltmp2:
0x7c: {  	[sflag:s8] =	ssyncadd.s32 $0xFFFFC000;
	(pc) =	sbr.rel @p0 .LBB2_1-.Ltmp2, $4  }
0x7d: {  	[hbm4b:s6+s3] =	stream.linear.scatter [tilespmem:s12], [sflag:$0x1], $0x80, $0x38;
	[tilespmem:$0x13B00] =	vst v63  }
0x7e: {  	_ =	swait.ge [sflag:s8], $0x80  }
0x7f: {  	[sflag:s8] =	ssyncset.done $0x0  }
0x80: {  	[sflag:s8] =	ssyncadd.s32 $0xFFFFFF80  }
0x81: {  	_ =	sfence.sel $0x180000  }
0x82: {  	[bflag:$0x0] =	sbarrier.arrive $0xFFFF  }
0x83: {  	p0 =	sne.s32 s0, $0x0;
	_ =	strace $0x9000004A  }
0x84: {  	s0 =	sadd.s32 @!p0 $0x100000, s1;
	[bflag:$0x2] =	sbarrier.arrive $0xFFFF  }
0x85: {  	[sflag:s0] =	ssyncadd.tile.s32 @!p0 $0x1;
	_ =	shalt  }
.Lfunc_end2:
_tile_overlayer_lowered:
.L_overlay_start_2:
0x86: {  	(tag) =	ssettag $0x2  }
0x87: {  	s0 =	rddreg [dreg:$0x0];
	s2 =	stileid.u32  }
0x88: {  	s1 =	rddreg [dreg:$0x1];
	p0 =	sne.s32 s2, $0x0  }
0x89: {  	s3 =	rddreg [dreg:$0x2];
	[bflag:$0x3] =	sbarrier.arrive $0xFFFF;
	s2 =	simm.s32 @!p0 $0x1C01  }
0x8a: {  	[timem:s3], [sflag:s2] =	dma.local @!p0 [hbm:s0], s1  }
0x8b: {  	s0 =	simm.s32 @!p0 $0x1  }
0x8c: {  	_ =	swait.ge @!p0 [sflag:s0], s1  }
0x8d: {  	s1 =	ssub.s32 @!p0 $0x0, s1;
	[sflag:s0] =	ssyncset.done @!p0 $0x0  }
0x8e: {  	[sflag:s0] =	ssyncadd.s32 @!p0 s1  }
0x8f: {  	[bflag:$0x3] =	sbarrier.arrive $0xFFFF  }
0x90: {  	_ =	shalt  }

// kernel: kernel.8.cloned.1.call-start
scs
__scs_entry_jumppad:
0x0: {  	(pc) =	sbr.rel $0x88, $3  }
0x1: {  	(tag) =	ssettag $0x0;
	lr =	simm.s32 $0x1  }
0x2: {  	[smem:$0x3F9E] =	sst lr;
	_ =	strace $0xD0000000  }
0x3: {  	_ = 	snop  }
0x4: {  	_ = 	snop  }
0x5: {  	_ = 	snop  }
0x6: {  	_ = 	snop  }
0x7: {  	_ = 	snop  }
__scs_overlays_trampoline_lowered:
0x8: {  	[smem:$0x3FAD] =	sst s0  }
0x9: {  	[smem:$0x3FAE] =	sst s1  }
0xa: {  	[smem:$0x3FAF] =	sst s2  }
0xb: {  	[smem:$0x3FB0] =	sst s3  }
0xc: {  	[smem:$0x3FB1] =	sst s4  }
0xd: {  	[smem:$0x3FB2] =	sst s5  }
0xe: {  	[smem:$0x3FB3] =	sst s6  }
0xf: {  	[smem:$0x3FB4] =	sst s7  }
0x10: {  	[smem:$0x3FB5] =	sst s8  }
0x11: {  	[smem:$0x3FB6] =	sst s9;
	s0 =	simm.s32 @!p0 $0x0  }
0x12: {  	s1 =	sld [smem:$0x3F9C];
	s0 =	simm.s32 @p0 $0x1  }
0x13: {  	[smem:$0x3FB7] =	sst s0;
	s0 =	simm.s32 @!p1 $0x0  }
0x14: {  	s2 =	sld [smem:$0x3F9B];
	s0 =	simm.s32 @p1 $0x1  }
0x15: {  	[smem:$0x3FB8] =	sst s0;
	s0 =	simm.s32 @!p2 $0x0  }
0x16: {  	s3 =	sld [smem:$0x3FDB];
	s0 =	simm.s32 @p2 $0x1  }
0x17: {  	s4 =	simm.s32 $0x1BF5;
	[smem:$0x3FBA] =	sst s0  }
0x18: {  	s0 =	sld [smem:$0x3F9D];
	_ =	swait.ge [sflag:s4], $0x0  }
0x19: {  	s7 =	sld [smem:$0x3F9E]  }
0x1a: {  	s8 =	sadd.s32 $0xFFFFE003, lr  }
0x1b: {  	s9 =	sadd.s32 $0xFFFFFEF7, lr;
	s5 =	simm.s32 $0xFFFFFFFF;
	p2 =	slt.u32 s8, $0xFFFFF086  }
0x1c: {  	p1 =	slt.u32 s9, $0xF7A;
	s5 =	simm.s32 @!p2 $0x0  }
0x1d: {  	s5 =	simm.s32 @p1 $0x1;
	p0 =	seq.s32 s7, s2  }
0x1e: {  	s7 =	smul.u32 @!p0 $0xF7A, s2;
	p2 =	seq.s32 @!p0 s5, $0x0  }
0x1f: {  	s9 =	smul.u32 $0xF7A, s1;
	s8 =	simm.s32 @!p0 $0x1BF5;
	p2 =	por !p2, p0  }
0x20: {  	[sflag:s8] =	ssyncset.s32 @!p0 $0xFFFFF086;
	s6 =	sadd.s32 @!p0 s3, s7;
	s7 =	simm.s32 @!p0 $0x108  }
0x21: {  	s3 =	sadd.s32 s3, s9;
	s6 =	sadd.s32 @!p0 $0x88, s6;
	s7 =	simm.s32 @p2 $0x1082  }
0x22: {  	[simem:s7], [sflag:s8] =	dma.local @!p0 [hbm:s6], $0xF7A  }
0x23: {  	s9 =	sor.u32 $0xD0000000, s2;
	s6 =	simm.s32 $0x108;
	_ =	swait.ge @!p0 [sflag:s8], $0x0  }
0x24: {  	s3 =	sadd.s32 $0x88, s3;
	s6 =	simm.s32 @!p1 $0x1082;
	[sflag:s4] =	ssyncset.s32 $0xFFFFF086  }
0x25: {  	[simem:s6], [sflag:s4] =	dma.local [hbm:s3], $0xF7A  }
0x26: {  	[smem:$0x3F9E] =	sst s1;
	(tag) =	ssettag s2;
	_ =	strace s9  }
0x27: {  	s1 =	sld [smem:$0x3FAE]  }
0x28: {  	s2 =	sld [smem:$0x3FAF]  }
0x29: {  	s4 =	sld [smem:$0x3FB1]  }
0x2a: {  	p0 =	seq.s32 s5, $0x0;
	s5 =	sld [smem:$0x3FB2]  }
0x2b: {  	s6 =	sld [smem:$0x3FB3]  }
0x2c: {  	s7 =	sld [smem:$0x3FB4]  }
0x2d: {  	s3 =	simm.s32 $0x108;
	s8 =	sld [smem:$0x3FB5]  }
0x2e: {  	s3 =	simm.s32 @!p0 $0x1082;
	s9 =	sld [smem:$0x3FB6]  }
0x2f: {  	lr =	sadd.s32 s0, s3;
	s0 =	sld [smem:$0x3FAD]  }
0x30: {  	s3 =	sld [smem:$0x3FB0]  }
0x31: {  	[smem:$0x3FB9] =	sst s10  }
0x32: {  	s10 =	sld [smem:$0x3FB7];
	_ =	sdelay $0x3  }
0x33: {  	p0 =	seq.s32 s10, $0x1;
	s10 =	sld [smem:$0x3FB9];
	_ =	sdelay $0x3  }
0x34: {  	[smem:$0x3FB9] =	sst s10  }
0x35: {  	s10 =	sld [smem:$0x3FB8];
	_ =	sdelay $0x3  }
0x36: {  	p1 =	seq.s32 s10, $0x1;
	s10 =	sld [smem:$0x3FB9];
	_ =	sdelay $0x3  }
0x37: {  	[smem:$0x3FB9] =	sst s10  }
0x38: {  	s10 =	sld [smem:$0x3FBA]  }
0x39: {  	_ = 	snop;
	(pc) =	sbr.ind lr, $3  }
0x3a: {  	_ = 	snop  }
0x3b: {  	_ = 	snop  }
0x3c: {  	p2 =	seq.s32 s10, $0x1;
	s10 =	sld [smem:$0x3FB9]  }
0x3d: {  	_ =	shalt  }
0x3e: {  	_ =	shalt  }
0x3f: {  	_ =	shalt  }
0x40: {  	_ =	shalt  }
0x41: {  	_ =	shalt  }
0x42: {  	_ =	shalt  }
0x43: {  	_ =	shalt  }
0x44: {  	_ =	shalt  }
0x45: {  	_ =	shalt  }
0x46: {  	_ =	shalt  }
0x47: {  	_ =	shalt  }
0x48: {  	_ =	shalt  }
0x49: {  	_ =	shalt  }
0x4a: {  	_ =	shalt  }
0x4b: {  	_ =	shalt  }
0x4c: {  	_ =	shalt  }
0x4d: {  	_ =	shalt  }
0x4e: {  	_ =	shalt  }
0x4f: {  	_ =	shalt  }
0x50: {  	_ =	shalt  }
0x51: {  	_ =	shalt  }
0x52: {  	_ =	shalt  }
0x53: {  	_ =	shalt  }
0x54: {  	_ =	shalt  }
0x55: {  	_ =	shalt  }
0x56: {  	_ =	shalt  }
0x57: {  	_ =	shalt  }
0x58: {  	_ =	shalt  }
0x59: {  	_ =	shalt  }
0x5a: {  	_ =	shalt  }
0x5b: {  	_ =	shalt  }
0x5c: {  	_ =	shalt  }
0x5d: {  	_ =	shalt  }
0x5e: {  	_ =	shalt  }
0x5f: {  	_ =	shalt  }
0x60: {  	_ =	shalt  }
0x61: {  	_ =	shalt  }
0x62: {  	_ =	shalt  }
0x63: {  	_ =	shalt  }
0x64: {  	_ =	shalt  }
0x65: {  	_ =	shalt  }
0x66: {  	_ =	shalt  }
0x67: {  	_ =	shalt  }
0x68: {  	_ =	shalt  }
0x69: {  	_ =	shalt  }
0x6a: {  	_ =	shalt  }
0x6b: {  	_ =	shalt  }
0x6c: {  	_ =	shalt  }
0x6d: {  	_ =	shalt  }
0x6e: {  	_ =	shalt  }
0x6f: {  	_ =	shalt  }
0x70: {  	_ =	shalt  }
0x71: {  	_ =	shalt  }
0x72: {  	_ =	shalt  }
0x73: {  	_ =	shalt  }
0x74: {  	_ =	shalt  }
0x75: {  	_ =	shalt  }
0x76: {  	_ =	shalt  }
0x77: {  	_ =	shalt  }
0x78: {  	_ =	shalt  }
0x79: {  	_ =	shalt  }
0x7a: {  	_ =	shalt  }
0x7b: {  	_ =	shalt  }
0x7c: {  	_ =	shalt  }
0x7d: {  	_ =	shalt  }
0x7e: {  	_ =	shalt  }
0x7f: {  	_ =	shalt  }
0x80: {  	_ =	shalt  }
0x81: {  	_ =	shalt  }
0x82: {  	_ =	shalt  }
0x83: {  	_ =	shalt  }
0x84: {  	_ =	shalt  }
0x85: {  	_ =	shalt  }
0x86: {  	_ =	shalt  }
0x87: {  	_ =	shalt  }
.Lfunc_end0:
.L_simem_size_0:
called_computation.1_lowered:
.L_overlay_start_0:
0x88: {  	s2 =	sld [smem:$0x3FD9]  }
0x89: {  	s3 =	sld [smem:$0x3FFE];
	_ =	sdelay $0x1  }
0x8a: {  	s1 =	srdreg.scid  }
0x8b: {  	s0 =	sand.u32 $0x1, s1  }
0x8c: {  	s14 =	sshll.u32 s0, $0xA;
	s2 =	sadd.s32 s3, s2  }
0x8d: {  	s2 =	sadd.s32 s2, s14  }
0x8e: {  	[smem:$0x3FC5] =	sst s2  }
0x8f: {  	_ = 	snop  }
0x90: {  	s2 =	sld [smem:$0x3FD0];
	_ =	sdelay $0x2  }
0x91: {  	s15 =	simm.s32 $0xB;
	s4 =	simm.s32 $0x10  }
0x92: {  	[smem:s4], [sflag:s15] =	dma.local [hbm:s2], $0x1  }
0x93: {  	_ =	swait.eq [sflag:s15], $0x1  }
0x94: {  	[sflag:s15] =	ssyncset.done $0x0  }
0x95: {  	[sflag:s15] =	ssyncadd.s32 $0xFFFFFFFF  }
0x96: {  	s16 =	sld [smem:$0x11];
	(tm) =	ssettm $0x1  }
0x97: {  	s17 =	sld [smem:$0x3FFB];
	_ =	sdelay $0x3  }
0x98: {  	_ =	strace s17  }
0x99: {  	s3 =	sld [smem:$0x3FFC];
	_ =	sdelay $0x3  }
0x9a: {  	_ =	strace s3  }
0x9b: {  	s3 =	sld [smem:$0x3FFD];
	_ =	sdelay $0x3  }
0x9c: {  	_ =	strace s3  }
0x9d: {  	_ =	strace $0x8FFFFFFF  }
0x9e: {  	s18 =	sld [smem:$0x3FDB];
	_ =	sdelay $0x1  }
0x9f: {  	s19 =	simm.s32 $_scs_section_size  }
0xa0: {  	s5 =	simm.s32 $_size__tile_overlayer_lowered;
	s6 =	simm.s32 $_tile_overlayer_lowered  }
0xa1: {  	s22 =	simm.s32 $0x1BFF;
	s21 =	sshll.u32 s6, $0x1;
	s3 =	sadd.s32 s19, s18  }
0xa2: {  	s7 =	simm.s32 $0x0;
	s20 =	sshll.u32 s5, $0x1;
	s5 =	sadd.s32 s21, s3  }
0xa3: {  	[timem:s7], [sflag:s22] =	dma.local [hbm:s5], s20  }
0xa4: {  	_ =	swait.ge [sflag:s22], s20  }
0xa5: {  	s4 =	ssub.s32 $0x0, s20;
	[sflag:s22] =	ssyncset.done $0x0  }
0xa6: {  	[sflag:s22] =	ssyncadd.s32 s4;
	_ =	sdelay $0x1  }
0xa7: {  	s23 =	simm.s32 $0x1B8B  }
0xa8: {  	_ =	swait.ge [sflag:s23], $0x1  }
0xa9: {  	[sflag:s23] =	ssyncset.done $0x0  }
0xaa: {  	s25 =	simm.s32 $0x1B8E;
	s24 =	sld [smem:$0x3FFE];
	[sflag:s23] =	ssyncadd.s32 $0xFFFFFFFF  }
0xab: {  	s26 =	simm.s32 $execute0_lowered;
	[smem:$0x3FD2] =	sst s25  }
0xac: {  	s5 =	sshll.u32 s26, $0x1;
	_ =	strace $0x80000046;
	[dreg:$0x1] =	wrdreg $0xFFFFFFFF  }
0xad: {  	s28 =	simm.s32 $_size_execute0_lowered;
	s3 =	sadd.s32 s3, s5;
	[dreg:$0x0] =	wrdreg $0x0  }
0xae: {  	s5 =	sshll.u32 s28, $0x1;
	[dreg:$0x2] =	wrdreg s3  }
0xaf: {  	[dreg:$0x3] =	wrdreg s5  }
0xb0: {  	[dreg:$0x4] =	wrdreg $0xC0  }
0xb1: {  	_ =	task [dreg:s7], $0x5FFFF  }
0xb2: {  	[dreg:$0x1] =	wrdreg $0xFFFFFFFF  }
0xb3: {  	[dreg:$0x0] =	wrdreg $0x60  }
0xb4: {  	[dreg:$0x2] =	wrdreg s24  }
0xb5: {  	[dreg:$0x3] =	wrdreg s16  }
0xb6: {  	[dreg:$0x4] =	wrdreg $0xA  }
0xb7: {  	_ =	task.clear_ibuf [dreg:s7], $0x5FFFF;
	_ =	strace $0x90000046  }
0xb8: {  	s29 =	simm.s32 $0xA;
	_ =	strace $0x80000048  }
0xb9: {  	_ =	swait.ge [sflag:s29], $0x1  }
0xba: {  	[sflag:s29] =	ssyncadd.s32 $0xFFFFFFFF  }
0xbb: {  	_ =	strace $0x90000048  }
0xbc: {  	_ =	sfence  }
0xbd: {  	s30 =	sld [smem:$0x0];
	_ =	sdelay $0x2  }
0xbe: {  	s31 =	sshll.u32 s1, $0xD;
	s1 =	sshrl.u32 s1, $0x2  }
0xbf: {  	s3 =	sand.u32 $0x4000, s31;
	s1 =	sadd.s32 s1, s30  }
0xc0: {  	s0 =	sor.u32 s3, s0;
	s1 =	sshll.u32 s1, $0x11  }
0xc1: {  	s0 =	sor.u32 s1, s0  }
0xc2: {  	s0 =	sadd.s32 $0x8F2B, s0  }
0xc3: {  	[sflag:s0] =	ssyncadd.remote.s32 $0x1  }
0xc4: {  	_ =	sfence.sel $0xFFFF  }
0xc5: {  	[dreg:$0x0] =	wrdreg $0xFFFFFFFF;
	(pc) =	sbr.abs _section_cstart, $3  }
0xc6: {  	[dreg:$0x1] =	wrdreg $0xFFFFFFFF  }
0xc7: {  	_ =	task.clear_ibuf [dreg:s7], $0x2FFFF;
	_ =	strace $0x9FFFFFFF  }
0xc8: {  	(tm) =	ssettm $0x7FFFFFFF  }
0xc9: {  	_ =	shalt  }
tec
execute0_lowered:
.L_overlay_start_1:
0x0: {  	(tag) =	ssettag $0x1  }
0x1: {  	s4 =	rddreg [dreg:$0x0]  }
0x2: {  	s5 =	rddreg [dreg:$0x1]  }
0x3: {  	s0 =	rddreg [dreg:$0x2];
	s2 =	simm.s32 $0x0;
	s3 =	srdreg.scid  }
0x4: {  	s1 =	stileid.u32;
	s10 =	simm.s32 $0x400;
	s11 =	simm.s32 $0x1  }
0x5: {  	s12 =	simm.s32 $0x0;
	[smem:$0x7FF] =	sst s2;
	s6 =	sand.u32 $0x1, s3  }
0x6: {  	vm0 =	vmmov $0x1;
	s7 =	sshll.u32 s1, $0x7;
	s3 =	sadd.s32 $0x2800, s4;
	s9 =	sshll.u32 s1, $0xE  }
0x7: {  	vm1 =	vcmask $0x308;
	vm2 =	vcmask $0x70C;
	vm3 =	vcmask $0xB10;
	_ =	strace $0x80000047;
	s8 =	sshll.u32 s6, $0x6;
	s30 =	ssub.s32 $0x2, s6  }
0x8: {  	vm4 =	vcmask $0xF14;
	vm5 =	vcmask $0x1318;
	vm6 =	vcmask $0x171C;
	s6 =	sshll.u32 s6, $0xD;
	s7 =	sor.u32 s8, s7;
	s31 =	sshrl.u32 s30, $0x1  }
0x9: {  	vm7 =	vcmask $0x1B20;
	vm8 =	vcmask $0x1F24;
	vm9 =	vcmask $0x2328;
	s6 =	sadd.s32 s5, s6;
	s7 =	sadd.s32 s7, s4;
	s8 =	ssub.s32 s30, s31  }
0xa: {  	vm10 =	vcmask $0x272C;
	vm11 =	vcmask $0x2B30;
	vm12 =	vcmask $0x2F34;
	s6 =	sadd.s32 s9, s6;
	s9 =	simm.s32 $0x80;
	s4 =	sadd.s32 $0x2000, s7  }
0xb: {  	vm13 =	vcmask $0x3338;
	vm14 =	vcmask $0x373C;
	vm15 =	vmmov $0x7fff;
	s5 =	sadd.s32 $0x1800, s7;
	s7 =	smax.u32 s8, $0x1;
	s8 =	simm.s32 $0x2  }
.LBB2_1:
0xc: {  	[tilespmem:s2], [sflag:$0x2] =	stream.linear.gather [hbm4b:s4+s2], $0x200, $0x38;
	[tilespmem:$0x10400] =	vst v63  }
0xd: {  	_ =	swait.ge [sflag:s8], $0x200  }
0xe: {  	[sflag:s8] =	ssyncset.done $0x0  }
0xf: {  	s13 =	simm.s32 $0x200;
	[sflag:s8] =	ssyncadd.s32 $0xFFFFFE00  }
0x10: {  	[tilespmem:s13], [sflag:$0x2] =	stream.linear.gather [hbm4b:s5+s2], $0x200, $0x38;
	[tilespmem:$0x10400] =	vst v63  }
0x11: {  	_ =	swait.ge [sflag:s8], $0x200  }
0x12: {  	s14 =	simm.s32 $0x200;
	[sflag:s8] =	ssyncset.done $0x0  }
0x13: {  	s15 =	simm.s32 $0x0;
	s16 =	simm.s32 $0x0;
	[sflag:s8] =	ssyncadd.s32 $0xFFFFFE00  }
.LBB2_2:
0x14: {  	v1 =	vld [tilespmem:s15+$0x0]  }
0x15: {  	v0 =	vld [tilespmem:s14+$0x0];
	_ =	sdelay $0x3  }
0x16: {  	v2 =	vnsel vm0, $0x0, v1  }
0x17: {  	v3 =	vnsel vm0, $0x0, v0;
	v2 =	vxor.u32 $0x80000000, v2  }
0x18: {  	v49 =	vxor.u32 $0x80000000, v3;
	(xrf0) =	vmax.scan.msk.u32 $0xffff, v2  }
0x19: {  	(xrf0) =	vmax.scan.msk.u32 $0xffff, v49;
	_ =	sdelay $0x2  }
0x1a: {  	v52 =	vsel vm1, $0x0, v1  }
0x1b: {  	v53 =	vsel vm1, $0x0, v0;
	v2 =	vxor.u32 $0x80000000, v52  }
0x1c: {  	v54 =	vxor.u32 $0x80000000, v53;
	v50, _, _ =	vpop (xrf0);
	(xrf0) =	vmax.scan.msk.u32 $0xffff, v2  }
0x1d: {  	(v2sf) =	vpush v50, $0xF;
	v51, _, _ =	vpop (xrf0);
	(xrf0) =	vmax.scan.msk.u32 $0xffff, v54  }
0x1e: {  	(v2sf) =	vpush v51, $0xF;
	_ =	sdelay $0x3  }
0x1f: {  	v55, _, _ =	vpop (xrf0)  }
0x20: {  	(v2sf) =	vpush v55, $0xF;
	v56, _, _ =	vpop (xrf0)  }
0x21: {  	(v2sf) =	vpush v56, $0xF  }
0x22: {  	v57 =	vsel vm2, $0x0, v1  }
0x23: {  	v58 =	vsel vm2, $0x0, v0;
	v2 =	vxor.u32 $0x80000000, v57  }
0x24: {  	v59 =	vxor.u32 $0x80000000, v58;
	(xrf0) =	vmax.scan.msk.u32 $0xffff, v2  }
0x25: {  	(xrf0) =	vmax.scan.msk.u32 $0xffff, v59;
	_ =	sdelay $0x3  }
0x26: {  	v62 =	vsel vm3, $0x0, v1;
	s17 =	spop (v2sf)  }
0x27: {  	v63 =	vsel vm3, $0x0, v0;
	v2 =	vxor.u32 $0x80000000, v62;
	v60, _, _ =	vpop (xrf0);
	s18 =	spop (v2sf)  }
0x28: {  	v4 =	vxor.u32 $0x80000000, v63;
	(xrf0) =	vmax.scan.msk.u32 $0xffff, v2;
	v61, _, _ =	vpop (xrf0);
	(v2sf) =	vpush v60, $0xF;
	s18 =	sshll.u32 s18, $0x7  }
0x29: {  	(xrf0) =	vmax.scan.msk.u32 $0xffff, v4;
	s17 =	sshll.u32 s17, $0xA;
	(v2sf) =	vpush v61, $0xF;
	s19 =	sand.u32 $0xFFFFFC00, s18  }
0x2a: {  	s18 =	sand.u32 $0x380, s18;
	s17 =	sadd.s32 s17, s19  }
0x2b: {  	s18 =	sor.u32 s18, s17  }
0x2c: {  	s17 =	sshra.s32 s16, $0x2;
	s18 =	sshrl.u32 s18, $0x3;
	s24 =	spop (v2sf)  }
0x2d: {  	s23 =	sadd.s32 $0x400, s17;
	s18 =	sadd.s32 s3, s18;
	s25 =	spop (v2sf)  }
0x2e: {  	v5, _, _ =	vpop (xrf0);
	[tilespmem:s23], [sflag:$0x1] =	stream.strided.gather [hbm4b:s18+s9], $0x0, s10, s9, $0x38;
	[tilespmem:$0x10400] =	vst v63  }
0x2f: {  	v6, _, _ =	vpop (xrf0);
	(v2sf) =	vpush v5, $0xF;
	s19 =	sshll.u32 s25, $0x7  }
0x30: {  	(v2sf) =	vpush v6, $0xF;
	[tilespmem:s23], [sflag:$0x1] =	stream.linear.gather [hbm4b:s18+s2], $0x64, $0x38;
	[tilespmem:$0x10400] =	vst v63  }
0x31: {  	v7 =	vsel vm4, $0x0, v1;
	s20 =	sand.u32 $0xFFFFFC00, s19;
	s18 =	sshll.u32 s24, $0xA  }
0x32: {  	v8 =	vsel vm4, $0x0, v0;
	v2 =	vxor.u32 $0x80000000, v7;
	s19 =	sand.u32 $0x380, s19;
	s18 =	sadd.s32 s18, s20  }
0x33: {  	v9 =	vxor.u32 $0x80000000, v8;
	(xrf0) =	vmax.scan.msk.u32 $0xffff, v2;
	s18 =	sor.u32 s19, s18  }
0x34: {  	(xrf0) =	vmax.scan.msk.u32 $0xffff, v9;
	s18 =	sshrl.u32 s18, $0x3  }
0x35: {  	s26 =	sadd.s32 $0x480, s17;
	s18 =	sadd.s32 s3, s18  }
0x36: {  	[tilespmem:s26], [sflag:$0x1] =	stream.strided.gather [hbm4b:s18+s9], $0x0, s10, s9, $0x38;
	[tilespmem:$0x10400] =	vst v63  }
0x37: {  	s28 =	spop (v2sf)  }
0x38: {  	v12 =	vsel vm5, $0x0, v1;
	s29 =	spop (v2sf)  }
0x39: {  	v13 =	vsel vm5, $0x0, v0;
	v2 =	vxor.u32 $0x80000000, v12;
	v10, _, _ =	vpop (xrf0);
	[tilespmem:s26], [sflag:$0x1] =	stream.linear.gather [hbm4b:s18+s2], $0x64, $0x38;
	[tilespmem:$0x10400] =	vst v63  }
0x3a: {  	v14 =	vxor.u32 $0x80000000, v13;
	(xrf0) =	vmax.scan.msk.u32 $0xffff, v2;
	v11, _, _ =	vpop (xrf0);
	(v2sf) =	vpush v10, $0xF;
	s19 =	sshll.u32 s29, $0x7  }
0x3b: {  	(xrf0) =	vmax.scan.msk.u32 $0xffff, v14;
	(v2sf) =	vpush v11, $0xF;
	s18 =	sshll.u32 s28, $0xA;
	s30 =	sand.u32 $0xFFFFFC00, s19  }
0x3c: {  	s19 =	sand.u32 $0x380, s19;
	s18 =	sadd.s32 s18, s30  }
0x3d: {  	s18 =	sor.u32 s19, s18  }
0x3e: {  	s18 =	sshrl.u32 s18, $0x3;
	s20 =	spop (v2sf)  }
0x3f: {  	s31 =	sadd.s32 $0x500, s17;
	s18 =	sadd.s32 s3, s18;
	s21 =	spop (v2sf)  }
0x40: {  	v15, _, _ =	vpop (xrf0);
	[tilespmem:s31], [sflag:$0x1] =	stream.strided.gather [hbm4b:s18+s9], $0x0, s10, s9, $0x38;
	[tilespmem:$0x10400] =	vst v63  }
0x41: {  	v16, _, _ =	vpop (xrf0);
	(v2sf) =	vpush v15, $0xF;
	s19 =	sshll.u32 s21, $0x7  }
0x42: {  	(v2sf) =	vpush v16, $0xF;
	[tilespmem:s31], [sflag:$0x1] =	stream.linear.gather [hbm4b:s18+s2], $0x64, $0x38;
	[tilespmem:$0x10400] =	vst v63  }
0x43: {  	v17 =	vsel vm6, $0x0, v1;
	s22 =	sand.u32 $0xFFFFFC00, s19;
	s18 =	sshll.u32 s20, $0xA  }
0x44: {  	v18 =	vsel vm6, $0x0, v0;
	v2 =	vxor.u32 $0x80000000, v17;
	s19 =	sand.u32 $0x380, s19;
	s18 =	sadd.s32 s18, s22  }
0x45: {  	v19 =	vxor.u32 $0x80000000, v18;
	(xrf0) =	vmax.scan.msk.u32 $0xffff, v2;
	s18 =	sor.u32 s19, s18  }
0x46: {  	(xrf0) =	vmax.scan.msk.u32 $0xffff, v19;
	s18 =	sshrl.u32 s18, $0x3  }
0x47: {  	s23 =	sadd.s32 $0x580, s17;
	s18 =	sadd.s32 s3, s18  }
0x48: {  	[tilespmem:s23], [sflag:$0x1] =	stream.strided.gather [hbm4b:s18+s9], $0x0, s10, s9, $0x38;
	[tilespmem:$0x10400] =	vst v63  }
0x49: {  	s24 =	spop (v2sf)  }
0x4a: {  	v22 =	vsel vm7, $0x0, v1;
	s25 =	spop (v2sf)  }
0x4b: {  	v23 =	vsel vm7, $0x0, v0;
	v2 =	vxor.u32 $0x80000000, v22;
	v20, _, _ =	vpop (xrf0);
	[tilespmem:s23], [sflag:$0x1] =	stream.linear.gather [hbm4b:s18+s2], $0x64, $0x38;
	[tilespmem:$0x10400] =	vst v63  }
0x4c: {  	v24 =	vxor.u32 $0x80000000, v23;
	(xrf0) =	vmax.scan.msk.u32 $0xffff, v2;
	v21, _, _ =	vpop (xrf0);
	(v2sf) =	vpush v20, $0xF;
	s19 =	sshll.u32 s25, $0x7  }
0x4d: {  	(xrf0) =	vmax.scan.msk.u32 $0xffff, v24;
	(v2sf) =	vpush v21, $0xF;
	s18 =	sshll.u32 s24, $0xA;
	s26 =	sand.u32 $0xFFFFFC00, s19  }
0x4e: {  	s19 =	sand.u32 $0x380, s19;
	s18 =	sadd.s32 s18, s26  }
0x4f: {  	s18 =	sor.u32 s19, s18  }
0x50: {  	s18 =	sshrl.u32 s18, $0x3;
	s29 =	spop (v2sf)  }
0x51: {  	s28 =	sadd.s32 $0x600, s17;
	s18 =	sadd.s32 s3, s18;
	s30 =	spop (v2sf)  }
0x52: {  	v25, _, _ =	vpop (xrf0);
	[tilespmem:s28], [sflag:$0x1] =	stream.strided.gather [hbm4b:s18+s9], $0x0, s10, s9, $0x38;
	[tilespmem:$0x10400] =	vst v63  }
0x53: {  	v26, _, _ =	vpop (xrf0);
	(v2sf) =	vpush v25, $0xF;
	s19 =	sshll.u32 s30, $0x7  }
0x54: {  	(v2sf) =	vpush v26, $0xF;
	[tilespmem:s28], [sflag:$0x1] =	stream.linear.gather [hbm4b:s18+s2], $0x64, $0x38;
	[tilespmem:$0x10400] =	vst v63  }
0x55: {  	v27 =	vsel vm8, $0x0, v1;
	s31 =	sand.u32 $0xFFFFFC00, s19;
	s18 =	sshll.u32 s29, $0xA  }
0x56: {  	v28 =	vsel vm8, $0x0, v0;
	v2 =	vxor.u32 $0x80000000, v27;
	s19 =	sand.u32 $0x380, s19;
	s18 =	sadd.s32 s18, s31  }
0x57: {  	v29 =	vxor.u32 $0x80000000, v28;
	(xrf0) =	vmax.scan.msk.u32 $0xffff, v2;
	s18 =	sor.u32 s19, s18  }
0x58: {  	(xrf0) =	vmax.scan.msk.u32 $0xffff, v29;
	s18 =	sshrl.u32 s18, $0x3  }
0x59: {  	s21 =	sadd.s32 $0x680, s17;
	s18 =	sadd.s32 s3, s18  }
0x5a: {  	[tilespmem:s21], [sflag:$0x1] =	stream.strided.gather [hbm4b:s18+s9], $0x0, s10, s9, $0x38;
	[tilespmem:$0x10400] =	vst v63  }
0x5b: {  	s22 =	spop (v2sf)  }
0x5c: {  	v32 =	vsel vm9, $0x0, v1;
	s23 =	spop (v2sf)  }
0x5d: {  	v33 =	vsel vm9, $0x0, v0;
	v2 =	vxor.u32 $0x80000000, v32;
	v30, _, _ =	vpop (xrf0);
	[tilespmem:s21], [sflag:$0x1] =	stream.linear.gather [hbm4b:s18+s2], $0x64, $0x38;
	[tilespmem:$0x10400] =	vst v63  }
0x5e: {  	v34 =	vxor.u32 $0x80000000, v33;
	(xrf0) =	vmax.scan.msk.u32 $0xffff, v2;
	v31, _, _ =	vpop (xrf0);
	(v2sf) =	vpush v30, $0xF;
	s19 =	sshll.u32 s23, $0x7  }
0x5f: {  	(xrf0) =	vmax.scan.msk.u32 $0xffff, v34;
	(v2sf) =	vpush v31, $0xF;
	s18 =	sshll.u32 s22, $0xA;
	s24 =	sand.u32 $0xFFFFFC00, s19  }
0x60: {  	s19 =	sand.u32 $0x380, s19;
	s18 =	sadd.s32 s18, s24  }
0x61: {  	s18 =	sor.u32 s19, s18  }
0x62: {  	s18 =	sshrl.u32 s18, $0x3;
	s26 =	spop (v2sf)  }
0x63: {  	s25 =	sadd.s32 $0x700, s17;
	s18 =	sadd.s32 s3, s18;
	s28 =	spop (v2sf)  }
0x64: {  	v35, _, _ =	vpop (xrf0);
	[tilespmem:s25], [sflag:$0x1] =	stream.strided.gather [hbm4b:s18+s9], $0x0, s10, s9, $0x38;
	[tilespmem:$0x10400] =	vst v63  }
0x65: {  	v36, _, _ =	vpop (xrf0);
	(v2sf) =	vpush v35, $0xF;
	s19 =	sshll.u32 s28, $0x7  }
0x66: {  	(v2sf) =	vpush v36, $0xF;
	[tilespmem:s25], [sflag:$0x1] =	stream.linear.gather [hbm4b:s18+s2], $0x64, $0x38;
	[tilespmem:$0x10400] =	vst v63  }
0x67: {  	v37 =	vsel vm10, $0x0, v1;
	s29 =	sand.u32 $0xFFFFFC00, s19;
	s18 =	sshll.u32 s26, $0xA  }
0x68: {  	v38 =	vsel vm10, $0x0, v0;
	v2 =	vxor.u32 $0x80000000, v37;
	s19 =	sand.u32 $0x380, s19;
	s18 =	sadd.s32 s18, s29  }
0x69: {  	v39 =	vxor.u32 $0x80000000, v38;
	(xrf0) =	vmax.scan.msk.u32 $0xffff, v2;
	s18 =	sor.u32 s19, s18  }
0x6a: {  	(xrf0) =	vmax.scan.msk.u32 $0xffff, v39;
	s18 =	sshrl.u32 s18, $0x3  }
0x6b: {  	s30 =	sadd.s32 $0x780, s17;
	s18 =	sadd.s32 s3, s18  }
0x6c: {  	[tilespmem:s30], [sflag:$0x1] =	stream.strided.gather [hbm4b:s18+s9], $0x0, s10, s9, $0x38;
	[tilespmem:$0x10400] =	vst v63  }
0x6d: {  	s31 =	spop (v2sf)  }
0x6e: {  	v42 =	vsel vm11, $0x0, v1;
	s20 =	spop (v2sf)  }
0x6f: {  	v43 =	vsel vm11, $0x0, v0;
	v2 =	vxor.u32 $0x80000000, v42;
	v40, _, _ =	vpop (xrf0);
	[tilespmem:s30], [sflag:$0x1] =	stream.linear.gather [hbm4b:s18+s2], $0x64, $0x38;
	[tilespmem:$0x10400] =	vst v63  }
0x70: {  	v44 =	vxor.u32 $0x80000000, v43;
	(xrf0) =	vmax.scan.msk.u32 $0xffff, v2;
	v41, _, _ =	vpop (xrf0);
	(v2sf) =	vpush v40, $0xF;
	s19 =	sshll.u32 s20, $0x7  }
0x71: {  	(xrf0) =	vmax.scan.msk.u32 $0xffff, v44;
	(v2sf) =	vpush v41, $0xF;
	s18 =	sshll.u32 s31, $0xA;
	s21 =	sand.u32 $0xFFFFFC00, s19  }
0x72: {  	s19 =	sand.u32 $0x380, s19;
	s18 =	sadd.s32 s18, s21  }
0x73: {  	s18 =	sor.u32 s19, s18  }
0x74: {  	s18 =	sshrl.u32 s18, $0x3;
	s23 =	spop (v2sf)  }
0x75: {  	s22 =	sadd.s32 $0x800, s17;
	s18 =	sadd.s32 s3, s18;
	s24 =	spop (v2sf)  }
0x76: {  	v45, _, _ =	vpop (xrf0);
	[tilespmem:s22], [sflag:$0x1] =	stream.strided.gather [hbm4b:s18+s9], $0x0, s10, s9, $0x38;
	[tilespmem:$0x10400] =	vst v63  }
0x77: {  	v46, _, _ =	vpop (xrf0);
	(v2sf) =	vpush v45, $0xF;
	s19 =	sshll.u32 s24, $0x7  }
0x78: {  	(v2sf) =	vpush v46, $0xF;
	[tilespmem:s22], [sflag:$0x1] =	stream.linear.gather [hbm4b:s18+s2], $0x64, $0x38;
	[tilespmem:$0x10400] =	vst v63  }
0x79: {  	v47 =	vsel vm12, $0x0, v1;
	s25 =	sand.u32 $0xFFFFFC00, s19;
	s18 =	sshll.u32 s23, $0xA  }
0x7a: {  	v48 =	vsel vm12, $0x0, v0;
	v2 =	vxor.u32 $0x80000000, v47;
	s19 =	sand.u32 $0x380, s19;
	s18 =	sadd.s32 s18, s25  }
0x7b: {  	v49 =	vxor.u32 $0x80000000, v48;
	(xrf0) =	vmax.scan.msk.u32 $0xffff, v2;
	s18 =	sor.u32 s19, s18  }
0x7c: {  	(xrf0) =	vmax.scan.msk.u32 $0xffff, v49;
	s18 =	sshrl.u32 s18, $0x3  }
0x7d: {  	s26 =	sadd.s32 $0x880, s17;
	s18 =	sadd.s32 s3, s18  }
0x7e: {  	[tilespmem:s26], [sflag:$0x1] =	stream.strided.gather [hbm4b:s18+s9], $0x0, s10, s9, $0x38;
	[tilespmem:$0x10400] =	vst v63  }
0x7f: {  	s28 =	spop (v2sf)  }
0x80: {  	v52 =	vsel vm13, $0x0, v1;
	s29 =	spop (v2sf)  }
0x81: {  	v53 =	vsel vm13, $0x0, v0;
	v2 =	vxor.u32 $0x80000000, v52;
	v50, _, _ =	vpop (xrf0);
	[tilespmem:s26], [sflag:$0x1] =	stream.linear.gather [hbm4b:s18+s2], $0x64, $0x38;
	[tilespmem:$0x10400] =	vst v63  }
0x82: {  	v54 =	vxor.u32 $0x80000000, v53;
	(xrf0) =	vmax.scan.msk.u32 $0xffff, v2;
	v51, _, _ =	vpop (xrf0);
	(v2sf) =	vpush v50, $0xF;
	s19 =	sshll.u32 s29, $0x7  }
0x83: {  	(xrf0) =	vmax.scan.msk.u32 $0xffff, v54;
	(v2sf) =	vpush v51, $0xF;
	s18 =	sshll.u32 s28, $0xA;
	s30 =	sand.u32 $0xFFFFFC00, s19  }
0x84: {  	s19 =	sand.u32 $0x380, s19;
	s18 =	sadd.s32 s18, s30  }
0x85: {  	s18 =	sor.u32 s19, s18  }
0x86: {  	s18 =	sshrl.u32 s18, $0x3;
	s20 =	spop (v2sf)  }
0x87: {  	s31 =	sadd.s32 $0x900, s17;
	s18 =	sadd.s32 s3, s18;
	s21 =	spop (v2sf)  }
0x88: {  	v55, _, _ =	vpop (xrf0);
	[tilespmem:s31], [sflag:$0x1] =	stream.strided.gather [hbm4b:s18+s9], $0x0, s10, s9, $0x38;
	[tilespmem:$0x10400] =	vst v63  }
0x89: {  	v56, _, _ =	vpop (xrf0);
	(v2sf) =	vpush v55, $0xF;
	s19 =	sshll.u32 s21, $0x7  }
0x8a: {  	(v2sf) =	vpush v56, $0xF;
	[tilespmem:s31], [sflag:$0x1] =	stream.linear.gather [hbm4b:s18+s2], $0x64, $0x38;
	[tilespmem:$0x10400] =	vst v63  }
0x8b: {  	v57 =	vsel vm14, $0x0, v1;
	s22 =	sand.u32 $0xFFFFFC00, s19;
	s18 =	sshll.u32 s20, $0xA  }
0x8c: {  	v58 =	vxor.u32 $0x80000000, v57;
	v59 =	vsel vm14, $0x0, v0;
	s19 =	sand.u32 $0x380, s19;
	s18 =	sadd.s32 s18, s22  }
0x8d: {  	v2 =	vxor.u32 $0x80000000, v59;
	(xrf0) =	vmax.scan.msk.u32 $0xffff, v58;
	s18 =	sor.u32 s19, s18  }
0x8e: {  	(xrf0) =	vmax.scan.msk.u32 $0xffff, v2;
	s18 =	sshrl.u32 s18, $0x3  }
0x8f: {  	s23 =	sadd.s32 $0x980, s17;
	s18 =	sadd.s32 s3, s18  }
0x90: {  	[tilespmem:s23], [sflag:$0x1] =	stream.strided.gather [hbm4b:s18+s9], $0x0, s10, s9, $0x38;
	[tilespmem:$0x10400] =	vst v63  }
0x91: {  	s24 =	spop (v2sf)  }
0x92: {  	s25 =	spop (v2sf)  }
0x93: {  	v1 =	vsel vm15, $0x0, v1;
	v60, _, _ =	vpop (xrf0);
	[tilespmem:s23], [sflag:$0x1] =	stream.linear.gather [hbm4b:s18+s2], $0x64, $0x38;
	[tilespmem:$0x10400] =	vst v63  }
0x94: {  	v1 =	vxor.u32 $0x80000000, v1;
	v61, _, _ =	vpop (xrf0);
	(v2sf) =	vpush v60, $0xF;
	s19 =	sshll.u32 s25, $0x7  }
0x95: {  	v0 =	vsel vm15, $0x0, v0;
	(xrf0) =	vmax.scan.msk.u32 $0xffff, v1;
	(v2sf) =	vpush v61, $0xF;
	s18 =	sshll.u32 s24, $0xA;
	s26 =	sand.u32 $0xFFFFFC00, s19  }
0x96: {  	v0 =	vxor.u32 $0x80000000, v0;
	s19 =	sand.u32 $0x380, s19;
	s18 =	sadd.s32 s18, s26  }
0x97: {  	(xrf0) =	vmax.scan.msk.u32 $0xffff, v0;
	s18 =	sor.u32 s19, s18  }
0x98: {  	s18 =	sshrl.u32 s18, $0x3;
	s29 =	spop (v2sf)  }
0x99: {  	s28 =	sadd.s32 $0xA00, s17;
	s18 =	sadd.s32 s3, s18;
	s30 =	spop (v2sf)  }
0x9a: {  	[tilespmem:s28], [sflag:$0x1] =	stream.strided.gather [hbm4b:s18+s9], $0x0, s10, s9, $0x38;
	[tilespmem:$0x10400] =	vst v63  }
0x9b: {  	v62, _, _ =	vpop (xrf0);
	s19 =	sshll.u32 s30, $0x7  }
0x9c: {  	(v2sf) =	vpush v62, $0xF;
	[tilespmem:s28], [sflag:$0x1] =	stream.linear.gather [hbm4b:s18+s2], $0x64, $0x38;
	[tilespmem:$0x10400] =	vst v63  }
0x9d: {  	v63, _, _ =	vpop (xrf0);
	s31 =	sand.u32 $0xFFFFFC00, s19;
	s18 =	sshll.u32 s29, $0xA  }
0x9e: {  	(v2sf) =	vpush v63, $0xF;
	s19 =	sand.u32 $0x380, s19;
	s18 =	sadd.s32 s18, s31  }
0x9f: {  	s18 =	sor.u32 s19, s18  }
0xa0: {  	s18 =	sshrl.u32 s18, $0x3  }
0xa1: {  	s21 =	sadd.s32 $0xA80, s17;
	s18 =	sadd.s32 s3, s18  }
0xa2: {  	[tilespmem:s21], [sflag:$0x1] =	stream.strided.gather [hbm4b:s18+s9], $0x0, s10, s9, $0x38;
	[tilespmem:$0x10400] =	vst v63  }
0xa3: {  	s22 =	spop (v2sf)  }
0xa4: {  	s23 =	spop (v2sf)  }
0xa5: {  	[tilespmem:s21], [sflag:$0x1] =	stream.linear.gather [hbm4b:s18+s2], $0x64, $0x38;
	[tilespmem:$0x10400] =	vst v63  }
0xa6: {  	s18 =	sshll.u32 s23, $0x7  }
0xa7: {  	s24 =	sshll.u32 s22, $0xA;
	s25 =	sand.u32 $0xFFFFFC00, s18  }
0xa8: {  	s18 =	sand.u32 $0x380, s18;
	s19 =	sadd.s32 s24, s25  }
0xa9: {  	s18 =	sor.u32 s18, s19  }
0xaa: {  	s18 =	sshrl.u32 s18, $0x3  }
0xab: {  	s26 =	sadd.s32 $0xB00, s17;
	s28 =	spop (v2sf);
	s18 =	sadd.s32 s3, s18  }
0xac: {  	[tilespmem:s26], [sflag:$0x1] =	stream.strided.gather [hbm4b:s18+s9], $0x0, s10, s9, $0x38;
	[tilespmem:$0x10400] =	vst v63  }
0xad: {  	s29 =	spop (v2sf)  }
0xae: {  	[tilespmem:s26], [sflag:$0x1] =	stream.linear.gather [hbm4b:s18+s2], $0x64, $0x38;
	[tilespmem:$0x10400] =	vst v63  }
0xaf: {  	s18 =	sshll.u32 s29, $0x7  }
0xb0: {  	s30 =	sshll.u32 s28, $0xA;
	s31 =	sand.u32 $0xFFFFFC00, s18  }
0xb1: {  	s18 =	sand.u32 $0x380, s18;
	s19 =	sadd.s32 s30, s31  }
0xb2: {  	p0 =	sne.s32 s16, $0x3E000;
	s18 =	sor.u32 s18, s19  }
.Ltmp0:
0xb3: {  	s18 =	sshrl.u32 s18, $0x3;
	(pc) =	sbr.rel @p0 .LBB2_2-.Ltmp0, $4  }
0xb4: {  	s17 =	sadd.s32 $0xB80, s17;
	s18 =	sadd.s32 s3, s18  }
0xb5: {  	[tilespmem:s17], [sflag:$0x1] =	stream.strided.gather [hbm4b:s18+s9], $0x0, s10, s9, $0x38;
	[tilespmem:$0x10400] =	vst v63  }
0xb6: {  	s15 =	sadd.s32 $0x10, s15;
	s14 =	sadd.s32 $0x10, s14;
	s16 =	sadd.s32 $0x2000, s16  }
0xb7: {  	[tilespmem:s17], [sflag:$0x1] =	stream.linear.gather [hbm4b:s18+s2], $0x64, $0x38;
	[tilespmem:$0x10400] =	vst v63  }
0xb8: {  	_ =	swait.ge [sflag:s11], $0x64  }
0xb9: {  	s13 =	sadd.s32 $0xFFFFFFFF, s13;
	[sflag:s11] =	ssyncset.done $0x0  }
.LBB2_4:
0xba: {  	p0 =	sne.s32 s13, $0x1;
	s13 =	sadd.s32 $0xFFFFFFFF, s13;
	[sflag:s11] =	ssyncadd.s32 $0xFFFFFF9C  }
.Ltmp1:
0xbb: {  	(pc) =	sbr.rel @p0 .LBB2_4-.Ltmp1, $3  }
0xbc: {  	_ =	sdelay $0x1  }
0xbd: {  	_ =	swait.ge [sflag:s11], $0x64  }
0xbe: {  	[sflag:s11] =	ssyncset.done $0x0  }
0xbf: {  	s12 =	sadd.s32 $0x1, s12  }
0xc0: {  	p0 =	sne.s32 s12, s7  }
.Ltmp2:
0xc1: {  	[sflag:s11] =	ssyncadd.s32 $0xFFFFFF9C;
	(pc) =	sbr.rel @p0 .LBB2_1-.Ltmp2, $4  }
0xc2: {  	[hbm4b:s6+s2] =	stream.linear.scatter [tilespmem:s10], [sflag:$0x2], $0x10000, $0x38;
	[tilespmem:$0x10400] =	vst v63  }
0xc3: {  	_ =	swait.ge [sflag:s8], $0x10000  }
0xc4: {  	[sflag:s8] =	ssyncset.done $0x0  }
0xc5: {  	[sflag:s8] =	ssyncadd.s32 $0xFFFF0000  }
0xc6: {  	_ =	sfence.sel $0x180000  }
0xc7: {  	[bflag:$0x0] =	sbarrier.arrive $0xFFFF  }
0xc8: {  	p0 =	sne.s32 s1, $0x0;
	_ =	strace $0x90000047  }
0xc9: {  	s0 =	sadd.s32 @!p0 $0x100000, s0;
	[bflag:$0x2] =	sbarrier.arrive $0xFFFF  }
0xca: {  	[sflag:s0] =	ssyncadd.tile.s32 @!p0 $0x1;
	_ =	shalt  }
.Lfunc_end2:
_tile_overlayer_lowered:
.L_overlay_start_2:
0xcb: {  	(tag) =	ssettag $0x2  }
0xcc: {  	s0 =	rddreg [dreg:$0x0];
	s2 =	stileid.u32  }
0xcd: {  	s1 =	rddreg [dreg:$0x1];
	p0 =	sne.s32 s2, $0x0  }
0xce: {  	s3 =	rddreg [dreg:$0x2];
	[bflag:$0x3] =	sbarrier.arrive $0xFFFF;
	s2 =	simm.s32 @!p0 $0x1C02  }
0xcf: {  	[timem:s3], [sflag:s2] =	dma.local @!p0 [hbm:s0], s1  }
0xd0: {  	s0 =	simm.s32 @!p0 $0x2  }
0xd1: {  	_ =	swait.ge @!p0 [sflag:s0], s1  }
0xd2: {  	s1 =	ssub.s32 @!p0 $0x0, s1;
	[sflag:s0] =	ssyncset.done @!p0 $0x0  }
0xd3: {  	[sflag:s0] =	ssyncadd.s32 @!p0 s1  }
0xd4: {  	[bflag:$0x3] =	sbarrier.arrive $0xFFFF  }
0xd5: {  	_ =	shalt  }

</sc_bundles>
